<compile_context>
chip_gen: v7x
topology: tpu7x:2x2x1
jax: 0.10.2.dev20260603
libtpu: 0.0.44.dev20260713+nightly
codegen_flags: <defaults>
</compile_context>

<pallas_src>
import functools

import jax
import jax.numpy as jnp
from jax import lax
from jax.experimental import pallas as pl
from jax.experimental.pallas import tpu as pltpu
from jax.experimental.pallas import tpu_sc as plsc

_N = 10000
_E = 320000
_FIN = 128
_DIM = 95
_G = 64

_NW = 32
_CK = 128
_NCHUNK = 79
_EW = _CK * _NCHUNK
_E2 = _NW * _EW
_NPAD = 10112
_RPS = _NPAD // 16
_FW = _FIN


def _sc_mesh():
    return plsc.VectorSubcoreMesh(core_axis_name="c", subcore_axis_name="s",
                                  num_cores=2, num_subcores=16)



def _sc_gin_body(x_hbm, z_hbm, s_hbm, d_hbm, out_hbm, sidx, didx, rows, acc, sem):
    cid = lax.axis_index("c")
    sid = lax.axis_index("s")
    wid = sid * 2 + cid
    r0 = sid * _RPS
    pltpu.sync_copy(z_hbm.at[pl.ds(r0, _RPS)], acc.at[pl.ds(r0, _RPS)])
    plsc.subcore_barrier()
    e0 = wid * _EW

    def body(i, carry):
        b = e0 + i * _CK
        pltpu.sync_copy(s_hbm.at[pl.ds(b, _CK)], sidx)
        pltpu.sync_copy(d_hbm.at[pl.ds(b, _CK)], didx)
        pltpu.async_copy(x_hbm.at[sidx], rows, sem).wait()
        pltpu.sync_copy(rows, acc.at[didx], add=True)
        return carry

    lax.fori_loop(0, _NCHUNK, body, 0)
    plsc.subcore_barrier()
    pltpu.sync_copy(acc.at[pl.ds(r0, _RPS)],
                    out_hbm.at[pl.ds(cid * _NPAD + r0, _RPS)])


def _sc_gin(xp, zeros_big, srcp, dstp):
    run = pl.kernel(
        _sc_gin_body,
        out_type=jax.ShapeDtypeStruct((2 * _NPAD, _FIN), jnp.float32),
        mesh=_sc_mesh(),
        scratch_types=[
            pltpu.VMEM((_CK,), jnp.int32),
            pltpu.VMEM((_CK,), jnp.int32),
            pltpu.VMEM((_CK, _FIN), jnp.float32),
            pltpu.VMEM_SHARED((_NPAD, _FIN), jnp.float32),
            pltpu.SemaphoreType.DMA,
        ],
    )
    return run(xp, zeros_big, srcp, dstp)



def _sc_gat_body(hp_hbm, z_hbm, s_hbm, d_hbm, as_hbm, ad_hbm, c_hbm,
                 rowp_hbm,
                 sidx, didx, av, asv, adv, cv, rows, acc, sem):
    cid = lax.axis_index("c")
    sid = lax.axis_index("s")
    wid = sid * 2 + cid
    r0 = sid * _RPS
    pltpu.sync_copy(z_hbm.at[pl.ds(r0, _RPS)], acc.at[pl.ds(r0, _RPS)])
    pltpu.sync_copy(as_hbm, asv)
    pltpu.sync_copy(ad_hbm, adv)
    pltpu.sync_copy(c_hbm, cv)
    plsc.subcore_barrier()
    cvec = cv[...]
    e0 = wid * _EW

    def body(i, carry):
        b = e0 + i * _CK
        pltpu.sync_copy(s_hbm.at[pl.ds(b, _CK)], sidx)
        pltpu.sync_copy(d_hbm.at[pl.ds(b, _CK)], didx)
        gather = pltpu.async_copy(hp_hbm.at[sidx], rows, sem)
        for g in range(_CK // 16):
            isv = sidx[pl.ds(g * 16, 16)]
            idv = didx[pl.ds(g * 16, 16)]
            z = plsc.load_gather(asv, [isv]) + plsc.load_gather(adv, [idv])
            e = jnp.where(z >= 0.0, z, z * 0.2)
            ee = jnp.exp(e - cvec)
            av[pl.ds(g * 16, 16)] = ee
        gather.wait()

        def sb(g, c2):
            ev = av[pl.ds(g * 16, 16)]
            for k in range(16):
                a = ev[k]
                for j in range(_FW // 16):
                    sl = pl.ds(j * 16, 16)
                    rows[g * 16 + k, sl] = rows[g * 16 + k, sl] * a
            return c2

        lax.fori_loop(0, _CK // 16, sb, 0)
        pltpu.sync_copy(rows, acc.at[didx], add=True)
        return carry

    lax.fori_loop(0, _NCHUNK, body, 0)
    plsc.subcore_barrier()
    pltpu.sync_copy(acc.at[pl.ds(r0, _RPS)],
                    rowp_hbm.at[pl.ds(cid * _NPAD + r0, _RPS)])


def _sc_gat(hp_p, zeros_wide, srcp, dstp, asp, adp, c16):
    run = pl.kernel(
        _sc_gat_body,
        compiler_params=pltpu.CompilerParams(needs_layout_passes=False),
        out_type=jax.ShapeDtypeStruct((2 * _NPAD, _FW), jnp.float32),
        mesh=_sc_mesh(),
        scratch_types=[
            pltpu.VMEM((_CK,), jnp.int32),
            pltpu.VMEM((_CK,), jnp.int32),
            pltpu.VMEM((_CK,), jnp.float32),
            pltpu.VMEM((_NPAD,), jnp.float32),
            pltpu.VMEM((_NPAD,), jnp.float32),
            pltpu.VMEM((16,), jnp.float32),
            pltpu.VMEM((_CK, _FW), jnp.float32),
            pltpu.VMEM_SHARED((_NPAD, _FW), jnp.float32),
            pltpu.SemaphoreType.DMA,
        ],
    )
    return run(hp_p, zeros_wide, srcp, dstp, asp, adp, c16)



def _tc1_body(x_ref, agg_ref, w1a, b1a, w1b, b1b, gam, bet, gw, attm,
              hp_o, as_o, ad_o, c_o):
    agg = agg_ref[0] + agg_ref[1]
    h = x_ref[...] + agg[:_N]
    h = jnp.maximum(
        jnp.dot(h, w1a[...], preferred_element_type=jnp.float32) + b1a[...], 0.0)
    h = jnp.dot(h, w1b[...], preferred_element_type=jnp.float32) + b1b[...]
    h = jnp.maximum(h, 0.0)
    ones = jnp.full((1, _N), 1.0, jnp.float32)
    mu = jnp.dot(ones, h, preferred_element_type=jnp.float32,
                 precision=lax.Precision.HIGHEST) / _N
    var = jnp.dot(ones, (h - mu) ** 2, preferred_element_type=jnp.float32,
                  precision=lax.Precision.HIGHEST) / _N
    h = (h - mu) / jnp.sqrt(var + 1e-5) * gam[...] + bet[...]
    hp = jnp.dot(h, gw[...], preferred_element_type=jnp.float32)
    asd = jnp.dot(hp, attm[...], preferred_element_type=jnp.float32)
    a_s = asd[:, 0:1]
    a_d = asd[:, 1:2]
    zmax = jnp.max(a_s) + jnp.max(a_d)
    cval = jnp.where(zmax >= 0.0, zmax, zmax * 0.2)
    hp_o[...] = hp
    as_o[...] = a_s
    ad_o[...] = a_d
    c_o[...] = jnp.reshape(cval, (1, 1))


_tc1 = pl.pallas_call(
    _tc1_body,
    out_shape=[
        jax.ShapeDtypeStruct((_N, _FIN), jnp.float32),
        jax.ShapeDtypeStruct((_N, 1), jnp.float32),
        jax.ShapeDtypeStruct((_N, 1), jnp.float32),
        jax.ShapeDtypeStruct((1, 1), jnp.float32),
    ],
)



def _tc2_body(rowp_ref, hp_ref, as_ref, ad_ref, c_ref, batch_ref,
              gatb, fcw, fcb, w10, b10, w20, b20, w11, b11, w21, b21,
              w12, b12, w22, b22, o1_ref, o2_ref, o3_ref):
    z = as_ref[...] + ad_ref[...]
    se = jnp.where(z >= 0.0, z, z * 0.2)
    see = jnp.exp(se - c_ref[...])
    agg = rowp_ref[0] + rowp_ref[1]
    den_e = agg[:_N, _DIM:_DIM + 1]
    inv = 1.0 / (den_e + see)
    out = inv * agg[:_N, :_FIN] + (see * inv) * hp_ref[...] + gatb[...]
    iota = lax.broadcasted_iota(jnp.int32, (128, _N), 0)
    oh = (batch_ref[...] == iota).astype(jnp.float32)
    pooled = jnp.dot(oh, out, preferred_element_type=jnp.float32,
                     precision=lax.Precision.HIGHEST)
    gv = jnp.maximum(
        jnp.dot(pooled, fcw[...], preferred_element_type=jnp.float32) + fcb[...],
        0.0)

    def head(w1, b1, w2, b2):
        t = jnp.maximum(
            jnp.dot(gv, w1[...], preferred_element_type=jnp.float32) + b1[...],
            0.0)
        return jnp.dot(t, w2[...], preferred_element_type=jnp.float32) + b2[...]

    o1 = head(w10, b10, w20, b20)
    o1_ref[...] = 1.0 / (1.0 + jnp.exp(-o1))
    o2_ref[...] = head(w11, b11, w21, b21)
    o3_ref[...] = head(w12, b12, w22, b22)


_tc2 = pl.pallas_call(
    _tc2_body,
    out_shape=[
        jax.ShapeDtypeStruct((128, 128), jnp.float32),
        jax.ShapeDtypeStruct((128, 128), jnp.float32),
        jax.ShapeDtypeStruct((128, 128), jnp.float32),
    ],
)


def kernel(x, edge_index, batch, W1a, b1a, W1b, b1b, bn_gamma, bn_beta, gatW,
           att_src, att_dst, gat_b, fcW, fcb, h0W1, h0b1, h0W2, h0b2,
           h1W1, h1b1, h1W2, h1b2, h2W1, h2b1, h2W2, h2b2):
    f32 = jnp.float32
    src, dst = edge_index[0], edge_index[1]
    pad_e = _E2 - _E
    srcp = jnp.concatenate([src, jnp.full((pad_e,), _N, jnp.int32)])
    dstp = jnp.concatenate([dst, jnp.full((pad_e,), _N, jnp.int32)])
    xp = jnp.concatenate([x, jnp.zeros((_NPAD - _N, _FIN), f32)])
    zeros_big = jnp.zeros((_NPAD, _FIN), f32)

    aggp = _sc_gin(xp, zeros_big, srcp, dstp)

    pad = _FIN - _DIM
    w1a = jnp.pad(W1a, ((0, 0), (0, pad)))
    b1a_p = jnp.pad(b1a, (0, pad)).reshape(1, _FIN)
    w1b = jnp.pad(W1b, ((0, pad), (0, pad)))
    b1b_p = jnp.pad(b1b, (0, pad)).reshape(1, _FIN)
    gam = jnp.pad(bn_gamma, (0, pad)).reshape(1, _FIN)
    bet = jnp.pad(bn_beta, (0, pad)).reshape(1, _FIN)
    gw = jnp.pad(gatW, ((0, pad), (0, pad)))
    attm = jnp.zeros((_FIN, _FIN), f32)
    attm = attm.at[:_DIM, 0].set(att_src).at[:_DIM, 1].set(att_dst)

    hp, a_s, a_d, c = _tc1(x, aggp.reshape(2, _NPAD, _FIN), w1a, b1a_p,
                           w1b, b1b_p, gam, bet, gw, attm)

    hp_w = jnp.concatenate(
        [hp[:, :_DIM], jnp.ones((_N, 1), f32),
         jnp.zeros((_N, _FIN - _DIM - 1), f32)], axis=1)
    hp_p = jnp.concatenate([hp_w, jnp.zeros((_NPAD - _N, _FW), f32)])
    asp = jnp.concatenate([a_s[:, 0], jnp.full((_NPAD - _N,), -1e30, f32)])
    adp = jnp.concatenate([a_d[:, 0], jnp.full((_NPAD - _N,), -1e30, f32)])
    c16 = jnp.broadcast_to(c.reshape(1,), (16,))
    rowp = _sc_gat(hp_p, zeros_big, srcp, dstp, asp, adp, c16)

    batch_row = batch.reshape(1, _N)
    gatb = jnp.pad(gat_b, (0, pad)).reshape(1, _FIN)
    fcw = jnp.pad(fcW, ((0, pad), (0, 256 - 2 * _DIM)))
    fcb_p = jnp.pad(fcb, (0, 256 - 2 * _DIM)).reshape(1, 256)

    def padh(w1, b1, w2, b2):
        return (jnp.pad(w1, ((0, 256 - 2 * _DIM), (0, 128 - 12))),
                jnp.pad(b1, (0, 128 - 12)).reshape(1, 128),
                jnp.pad(w2, ((0, 128 - 12), (0, 127))),
                jnp.pad(b2, (0, 127)).reshape(1, 128))

    w10, b10, w20, b20 = padh(h0W1, h0b1, h0W2, h0b2)
    w11, b11, w21, b21 = padh(h1W1, h1b1, h1W2, h1b2)
    w12, b12, w22, b22 = padh(h2W1, h2b1, h2W2, h2b2)

    o1, o2, o3 = _tc2(rowp.reshape(2, _NPAD, _FW), hp, a_s, a_d, c,
                      batch_row, gatb, fcw, fcb_p, w10, b10, w20, b20,
                      w11, b11, w21, b21, w12, b12, w22, b22)
    return (o1[:_G, :1], o2[:_G, :1], o3[:_G, :1])

# --- scband reference (transcript-rebuilt; emitter-appended) ---
"""Pipeline reference for scband-ginatt-net-54065048322603 (READ-ONLY COPY).

The authoritative reference and input builder live on the scoring server;
editing this copy changes nothing except your own understanding.
"""

import jax, jax.numpy as jnp
import numpy as np

N = 10000
E = 320000
FIN = 128
DIM = 95
DIM5 = 12
G = 64

def _lin(k, fan_in, shape):
    return jax.random.normal(k, shape, dtype=jnp.float32) / np.sqrt(fan_in)

def setup_inputs(seed: int = 0):
    key = jax.random.key(seed)
    ks = jax.random.split(key, 32)
    inp = {}
    inp['x'] = jax.random.normal(ks[0], (N, FIN), dtype=jnp.float32)
    inp['edge_index'] = jax.random.randint(ks[1], (2, E), 0, N, dtype=jnp.int32)
    inp['batch'] = jnp.sort(jax.random.randint(ks[2], (N,), 0, G, dtype=jnp.int32))
    inp['W1a'] = _lin(ks[3], FIN, (FIN, DIM)); inp['b1a'] = jnp.zeros((DIM,), jnp.float32)
    inp['W1b'] = _lin(ks[4], DIM, (DIM, DIM)); inp['b1b'] = jnp.zeros((DIM,), jnp.float32)
    inp['bn_gamma'] = jnp.ones((DIM,), jnp.float32); inp['bn_beta'] = jnp.zeros((DIM,), jnp.float32)
    inp['gatW'] = _lin(ks[5], DIM, (DIM, DIM))
    inp['att_src'] = _lin(ks[6], DIM, (DIM,))
    inp['att_dst'] = _lin(ks[7], DIM, (DIM,))
    inp['gat_b'] = jnp.zeros((DIM,), jnp.float32)
    inp['fcW'] = _lin(ks[8], DIM, (DIM, 2 * DIM)); inp['fcb'] = jnp.zeros((2 * DIM,), jnp.float32)
    for i in range(3):
        inp['h%dW1' % i] = _lin(ks[9 + 2 * i], 2 * DIM, (2 * DIM, DIM5))
        inp['h%db1' % i] = jnp.zeros((DIM5,), jnp.float32)
        inp['h%dW2' % i] = _lin(ks[10 + 2 * i], DIM5, (DIM5, 1))
        inp['h%db2' % i] = jnp.zeros((1,), jnp.float32)
    return inp

def reference(x, edge_index, batch, W1a, b1a, W1b, b1b, bn_gamma, bn_beta, gatW, att_src, att_dst, gat_b, fcW, fcb, h0W1, h0b1, h0W2, h0b2, h1W1, h1b1, h1W2, h1b2, h2W1, h2b1, h2W2, h2b2):
    src, dst = edge_index[0], edge_index[1]
    # GINConv: nn((1+eps)*x + sum_{j in N(i)} x_j), eps=0
    agg = jnp.zeros((N, FIN), jnp.float32).at[dst].add(x[src])
    h = x + agg
    h = jnp.maximum(h @ W1a + b1a, 0.0) @ W1b + b1b
    h = jnp.maximum(h, 0.0)  # F.relu after conv1
    # BatchNorm1d (training-mode batch statistics)
    mu = h.mean(0)
    var = h.var(0)
    h = (h - mu) / jnp.sqrt(var + 1e-5) * bn_gamma + bn_beta
    # GATConv heads=1, with self loops (dropout inactive at eval)
    si = jnp.arange(N, dtype=src.dtype)
    s2 = jnp.concatenate([src, si])
    d2 = jnp.concatenate([dst, si])
    hp = h @ gatW
    a_s = hp @ att_src
    a_d = hp @ att_dst
    e = jax.nn.leaky_relu(a_s[s2] + a_d[d2], 0.2)
    emax = jax.ops.segment_max(e, d2, num_segments=N)
    ee = jnp.exp(e - emax[d2])
    den = jax.ops.segment_sum(ee, d2, num_segments=N)
    alpha = ee / den[d2]
    out = jax.ops.segment_sum(hp[s2] * alpha[:, None], d2, num_segments=N) + gat_b
    # global_add_pool over graph ids
    g = jax.ops.segment_sum(out, batch, num_segments=G)
    g = jnp.maximum(g @ fcW + fcb, 0.0)
    def head(W1, b1, W2, b2):
        return jnp.maximum(g @ W1 + b1, 0.0) @ W2 + b2
    out1 = jax.nn.sigmoid(head(h0W1, h0b1, h0W2, h0b2))
    out2 = head(h1W1, h1b1, h1W2, h1b2)
    out3 = head(h2W1, h2b1, h2W2, h2b2)
    return (out1, out2, out3)

if __name__ == "__main__":
    import jax
    _d = setup_inputs()
    print(jax.jit(kernel)(*tuple(_d.values())))

</pallas_src>

<mosaic_0001>
#map = affine_map<(d0, d1) -> (0, 0)>
#map1 = affine_map<(d0, d1) -> (0)>
module attributes {stable_mosaic.version = 14 : i64} {
  func.func @_sc_gat_body(%arg0: i32, %arg1: i32, %arg2: memref<10112x128xf32, #tpu.memory_space<hbm>>, %arg3: memref<10112x128xf32, #tpu.memory_space<hbm>>, %arg4: memref<323584xi32, #tpu.memory_space<hbm>>, %arg5: memref<323584xi32, #tpu.memory_space<hbm>>, %arg6: memref<10112xf32, #tpu.memory_space<hbm>>, %arg7: memref<10112xf32, #tpu.memory_space<hbm>>, %arg8: memref<16xf32, #tpu.memory_space<hbm>>, %arg9: memref<20224x128xf32, #tpu.memory_space<hbm>>, %arg10: memref<128xi32, #tpu.memory_space<vmem>>, %arg11: memref<128xi32, #tpu.memory_space<vmem>>, %arg12: memref<128xf32, #tpu.memory_space<vmem>>, %arg13: memref<10112xf32, #tpu.memory_space<vmem>>, %arg14: memref<10112xf32, #tpu.memory_space<vmem>>, %arg15: memref<16xf32, #tpu.memory_space<vmem>>, %arg16: memref<128x128xf32, #tpu.memory_space<vmem>>, %arg17: memref<10112x128xf32, #tpu.memory_space<vmem_shared>>, %arg18: memref<!tpu.dma_semaphore, #tpu.memory_space<semaphore_mem>>) attributes {dimension_semantics = [#tpu.dimension_semantics<core_parallel>, #tpu.dimension_semantics<subcore_parallel>], iteration_bounds = array<i64: 2, 16>, scalar_prefetch = 0 : i64, scratch_operands = 9 : i64, tpu.core_type = #tpu.core_type<sc_vector_subcore>, window_params = [{transform_indices = #map}, {transform_indices = #map}, {transform_indices = #map1}, {transform_indices = #map1}, {transform_indices = #map1}, {transform_indices = #map1}, {transform_indices = #map1}, {transform_indices = #map}]} {
    %mul3A = arith.constant 2 : i32
    %mul3A_0 = arith.muli %arg1, %mul3A : i32
    %add3A = arith.addi %mul3A_0, %arg0 : i32
    %mul3A_1 = arith.constant 632 : i32
    %mul3A_2 = arith.muli %arg1, %mul3A_1 : i32
    "tpu.region"() ({
      %run_scoped3A = tpu.sem_alloc : memref<!tpu.dma_semaphore, #tpu.memory_space<semaphore_mem>>
      %dma_start3A = arith.constant 0 : i32
      %dma_start3A_15 = tpu.memref_slice %arg17[%mul3A_2, %dma_start3A] : memref<10112x128xf32, #tpu.memory_space<vmem_shared>> -> memref<632x128xf32, #tpu.memory_space<vmem_shared>>
      %dma_start3A_16 = arith.constant 0 : i32
      %dma_start3A_17 = tpu.memref_slice %arg3[%mul3A_2, %dma_start3A_16] : memref<10112x128xf32, #tpu.memory_space<hbm>> -> memref<632x128xf32, #tpu.memory_space<hbm>>
      tpu.enqueue_dma source(%dma_start3A_17 : memref<632x128xf32, #tpu.memory_space<hbm>>) target(%dma_start3A_15 : memref<632x128xf32, #tpu.memory_space<vmem_shared>>) target_semaphore(%run_scoped3A : memref<!tpu.dma_semaphore, #tpu.memory_space<semaphore_mem>>)
      %dma_wait3A = arith.constant 0 : i32
      %dma_wait3A_18 = tpu.memref_slice %arg17[%mul3A_2, %dma_wait3A] : memref<10112x128xf32, #tpu.memory_space<vmem_shared>> -> memref<632x128xf32, #tpu.memory_space<vmem_shared>>
      %dma_wait3A_19 = arith.constant 0 : i32
      %dma_wait3A_20 = tpu.memref_slice %arg3[%mul3A_2, %dma_wait3A_19] : memref<10112x128xf32, #tpu.memory_space<hbm>> -> memref<632x128xf32, #tpu.memory_space<hbm>>
      tpu.wait_dma2 semaphore(%run_scoped3A : memref<!tpu.dma_semaphore, #tpu.memory_space<semaphore_mem>>) src(%dma_wait3A_20 : memref<632x128xf32, #tpu.memory_space<hbm>>) dst(%dma_wait3A_18 : memref<632x128xf32, #tpu.memory_space<vmem_shared>>)
      tpu.yield
    }) : () -> ()
    "tpu.region"() ({
      %run_scoped3A = tpu.sem_alloc : memref<!tpu.dma_semaphore, #tpu.memory_space<semaphore_mem>>
      tpu.enqueue_dma source(%arg6 : memref<10112xf32, #tpu.memory_space<hbm>>) target(%arg13 : memref<10112xf32, #tpu.memory_space<vmem>>) target_semaphore(%run_scoped3A : memref<!tpu.dma_semaphore, #tpu.memory_space<semaphore_mem>>)
      tpu.wait_dma2 semaphore(%run_scoped3A : memref<!tpu.dma_semaphore, #tpu.memory_space<semaphore_mem>>) src(%arg6 : memref<10112xf32, #tpu.memory_space<hbm>>) dst(%arg13 : memref<10112xf32, #tpu.memory_space<vmem>>)
      tpu.yield
    }) : () -> ()
    "tpu.region"() ({
      %run_scoped3A = tpu.sem_alloc : memref<!tpu.dma_semaphore, #tpu.memory_space<semaphore_mem>>
      tpu.enqueue_dma source(%arg7 : memref<10112xf32, #tpu.memory_space<hbm>>) target(%arg14 : memref<10112xf32, #tpu.memory_space<vmem>>) target_semaphore(%run_scoped3A : memref<!tpu.dma_semaphore, #tpu.memory_space<semaphore_mem>>)
      tpu.wait_dma2 semaphore(%run_scoped3A : memref<!tpu.dma_semaphore, #tpu.memory_space<semaphore_mem>>) src(%arg7 : memref<10112xf32, #tpu.memory_space<hbm>>) dst(%arg14 : memref<10112xf32, #tpu.memory_space<vmem>>)
      tpu.yield
    }) : () -> ()
    "tpu.region"() ({
      %run_scoped3A = tpu.sem_alloc : memref<!tpu.dma_semaphore, #tpu.memory_space<semaphore_mem>>
      tpu.enqueue_dma source(%arg8 : memref<16xf32, #tpu.memory_space<hbm>>) target(%arg15 : memref<16xf32, #tpu.memory_space<vmem>>) target_semaphore(%run_scoped3A : memref<!tpu.dma_semaphore, #tpu.memory_space<semaphore_mem>>)
      tpu.wait_dma2 semaphore(%run_scoped3A : memref<!tpu.dma_semaphore, #tpu.memory_space<semaphore_mem>>) src(%arg8 : memref<16xf32, #tpu.memory_space<hbm>>) dst(%arg15 : memref<16xf32, #tpu.memory_space<vmem>>)
      tpu.yield
    }) : () -> ()
    %barrier3A = arith.constant 0 : index
    tpu.barrier barrier_id(%barrier3A)
    %get3A = arith.constant 0 : index
    %get3A_3 = tpu.vector_load %arg15[%get3A] {strides = array<i32>} : memref<16xf32, #tpu.memory_space<vmem>>, vector<16xf32>,
    %mul3A_4 = arith.constant 10112 : i32
    %mul3A_5 = arith.muli %add3A, %mul3A_4 : i32
    %scan3A = arith.constant 0 : i32
    %scan3A_6 = arith.constant 0 : i32
    %scan3A_7 = arith.constant 79 : i32
    %scan3A_8 = arith.addi %scan3A_6, %scan3A_7 : i32
    %scan3A_9 = arith.constant 1 : i32
    scf.for %scan3A_15 = %scan3A_6 to %scan3A_8 step %scan3A_9  : i32 {
      %mul3A_16 = arith.constant 128 : i32
      %mul3A_17 = arith.muli %scan3A_15, %mul3A_16 : i32
      %add3A_18 = arith.addi %mul3A_5, %mul3A_17 : i32
      "tpu.region"() ({
        %run_scoped3A = tpu.sem_alloc : memref<!tpu.dma_semaphore, #tpu.memory_space<semaphore_mem>>
        %dma_start3A_167 = tpu.memref_slice %arg4[%add3A_18] : memref<323584xi32, #tpu.memory_space<hbm>> -> memref<128xi32, #tpu.memory_space<hbm>>
        %dma_start3A_168 = tpu.memref_slice %arg4[%add3A_18] : memref<323584xi32, #tpu.memory_space<hbm>> -> memref<128xi32, #tpu.memory_space<hbm>>
        tpu.enqueue_dma source(%dma_start3A_168 : memref<128xi32, #tpu.memory_space<hbm>>) target(%arg10 : memref<128xi32, #tpu.memory_space<vmem>>) target_semaphore(%run_scoped3A : memref<!tpu.dma_semaphore, #tpu.memory_space<semaphore_mem>>)
        %dma_wait3A_169 = tpu.memref_slice %arg4[%add3A_18] : memref<323584xi32, #tpu.memory_space<hbm>> -> memref<128xi32, #tpu.memory_space<hbm>>
        %dma_wait3A_170 = tpu.memref_slice %arg4[%add3A_18] : memref<323584xi32, #tpu.memory_space<hbm>> -> memref<128xi32, #tpu.memory_space<hbm>>
        tpu.wait_dma2 semaphore(%run_scoped3A : memref<!tpu.dma_semaphore, #tpu.memory_space<semaphore_mem>>) src(%dma_wait3A_170 : memref<128xi32, #tpu.memory_space<hbm>>) dst(%arg10 : memref<128xi32, #tpu.memory_space<vmem>>)
        tpu.yield
      }) : () -> ()
      "tpu.region"() ({
        %run_scoped3A = tpu.sem_alloc : memref<!tpu.dma_semaphore, #tpu.memory_space<semaphore_mem>>
        %dma_start3A_167 = tpu.memref_slice %arg5[%add3A_18] : memref<323584xi32, #tpu.memory_space<hbm>> -> memref<128xi32, #tpu.memory_space<hbm>>
        %dma_start3A_168 = tpu.memref_slice %arg5[%add3A_18] : memref<323584xi32, #tpu.memory_space<hbm>> -> memref<128xi32, #tpu.memory_space<hbm>>
        tpu.enqueue_dma source(%dma_start3A_168 : memref<128xi32, #tpu.memory_space<hbm>>) target(%arg11 : memref<128xi32, #tpu.memory_space<vmem>>) target_semaphore(%run_scoped3A : memref<!tpu.dma_semaphore, #tpu.memory_space<semaphore_mem>>)
        %dma_wait3A_169 = tpu.memref_slice %arg5[%add3A_18] : memref<323584xi32, #tpu.memory_space<hbm>> -> memref<128xi32, #tpu.memory_space<hbm>>
        %dma_wait3A_170 = tpu.memref_slice %arg5[%add3A_18] : memref<323584xi32, #tpu.memory_space<hbm>> -> memref<128xi32, #tpu.memory_space<hbm>>
        tpu.wait_dma2 semaphore(%run_scoped3A : memref<!tpu.dma_semaphore, #tpu.memory_space<semaphore_mem>>) src(%dma_wait3A_170 : memref<128xi32, #tpu.memory_space<hbm>>) dst(%arg11 : memref<128xi32, #tpu.memory_space<vmem>>)
        tpu.yield
      }) : () -> ()
      %dma_start3A = arith.constant 0 : i32
      %dma_start3A_19 = arith.constant 0 : i32
      %dma_start3A_20 = tpu.memref_slice %arg2[%dma_start3A, %dma_start3A_19] : memref<10112x128xf32, #tpu.memory_space<hbm>> -> memref<10112x128xf32, #tpu.memory_space<hbm>>
      tpu.enqueue_indirect_dma source(%dma_start3A_20 : memref<10112x128xf32, #tpu.memory_space<hbm>>) target(%arg16 : memref<128x128xf32, #tpu.memory_space<vmem>>) offsets(%arg10 : memref<128xi32, #tpu.memory_space<vmem>>) semaphore(%arg18 : memref<!tpu.dma_semaphore, #tpu.memory_space<semaphore_mem>>)
      %get3A_21 = arith.constant 0 : index
      %get3A_22 = tpu.vector_load %arg10[%get3A_21] {strides = array<i32>} : memref<128xi32, #tpu.memory_space<vmem>>, vector<16xi32>,
      %get3A_23 = arith.constant 0 : index
      %get3A_24 = tpu.vector_load %arg11[%get3A_23] {strides = array<i32>} : memref<128xi32, #tpu.memory_space<vmem>>, vector<16xi32>,
      %gather3A = tpu.vector_load_idx %arg13[%get3A_22] : memref<10112xf32, #tpu.memory_space<vmem>>[vector<16xi32>], vector<16xf32>,
      %gather3A_25 = tpu.vector_load_idx %arg14[%get3A_24] : memref<10112xf32, #tpu.memory_space<vmem>>[vector<16xi32>], vector<16xf32>,
      %add3A_26 = arith.addf %gather3A, %gather3A_25 : vector<16xf32>
      %ge3A = arith.constant 0.000000e+00 : f32
      %ge3A_27 = vector.broadcast %ge3A : f32 to vector<16xf32>
      %ge3A_28 = arith.cmpf oge, %add3A_26, %ge3A_27 : vector<16xf32>
      %mul3A_29 = arith.constant 2.000000e-01 : f32
      %mul3A_30 = vector.broadcast %mul3A_29 : f32 to vector<16xf32>
      %mul3A_31 = arith.mulf %add3A_26, %mul3A_30 : vector<16xf32>
      %select_n3A = arith.select %ge3A_28, %add3A_26, %mul3A_31 : vector<16xi1>, vector<16xf32>
      %sub3A = arith.subf %select_n3A, %get3A_3 : vector<16xf32>
      %exp3A = math.exp %sub3A : vector<16xf32>
      %swap3A = arith.constant 0 : index
      %swap3A_32 = tpu.vector_load %arg12[%swap3A] {strides = array<i32>} : memref<128xf32, #tpu.memory_space<vmem>>, vector<16xf32>,
      tpu.vector_store %arg12[%swap3A], %exp3A {strides = array<i32>} : memref<128xf32, #tpu.memory_space<vmem>>, vector<16xf32>,
      %get3A_33 = arith.constant 16 : index
      %get3A_34 = tpu.vector_load %arg10[%get3A_33] {strides = array<i32>} : memref<128xi32, #tpu.memory_space<vmem>>, vector<16xi32>,
      %get3A_35 = arith.constant 16 : index
      %get3A_36 = tpu.vector_load %arg11[%get3A_35] {strides = array<i32>} : memref<128xi32, #tpu.memory_space<vmem>>, vector<16xi32>,
      %gather3A_37 = tpu.vector_load_idx %arg13[%get3A_34] : memref<10112xf32, #tpu.memory_space<vmem>>[vector<16xi32>], vector<16xf32>,
      %gather3A_38 = tpu.vector_load_idx %arg14[%get3A_36] : memref<10112xf32, #tpu.memory_space<vmem>>[vector<16xi32>], vector<16xf32>,
      %add3A_39 = arith.addf %gather3A_37, %gather3A_38 : vector<16xf32>
      %ge3A_40 = arith.constant 0.000000e+00 : f32
      %ge3A_41 = vector.broadcast %ge3A_40 : f32 to vector<16xf32>
      %ge3A_42 = arith.cmpf oge, %add3A_39, %ge3A_41 : vector<16xf32>
      %mul3A_43 = arith.constant 2.000000e-01 : f32
      %mul3A_44 = vector.broadcast %mul3A_43 : f32 to vector<16xf32>
      %mul3A_45 = arith.mulf %add3A_39, %mul3A_44 : vector<16xf32>
      %select_n3A_46 = arith.select %ge3A_42, %add3A_39, %mul3A_45 : vector<16xi1>, vector<16xf32>
      %sub3A_47 = arith.subf %select_n3A_46, %get3A_3 : vector<16xf32>
      %exp3A_48 = math.exp %sub3A_47 : vector<16xf32>
      %swap3A_49 = arith.constant 16 : index
      %swap3A_50 = tpu.vector_load %arg12[%swap3A_49] {strides = array<i32>} : memref<128xf32, #tpu.memory_space<vmem>>, vector<16xf32>,
      tpu.vector_store %arg12[%swap3A_49], %exp3A_48 {strides = array<i32>} : memref<128xf32, #tpu.memory_space<vmem>>, vector<16xf32>,
      %get3A_51 = arith.constant 32 : index
      %get3A_52 = tpu.vector_load %arg10[%get3A_51] {strides = array<i32>} : memref<128xi32, #tpu.memory_space<vmem>>, vector<16xi32>,
      %get3A_53 = arith.constant 32 : index
      %get3A_54 = tpu.vector_load %arg11[%get3A_53] {strides = array<i32>} : memref<128xi32, #tpu.memory_space<vmem>>, vector<16xi32>,
      %gather3A_55 = tpu.vector_load_idx %arg13[%get3A_52] : memref<10112xf32, #tpu.memory_space<vmem>>[vector<16xi32>], vector<16xf32>,
      %gather3A_56 = tpu.vector_load_idx %arg14[%get3A_54] : memref<10112xf32, #tpu.memory_space<vmem>>[vector<16xi32>], vector<16xf32>,
      %add3A_57 = arith.addf %gather3A_55, %gather3A_56 : vector<16xf32>
      %ge3A_58 = arith.constant 0.000000e+00 : f32
      %ge3A_59 = vector.broadcast %ge3A_58 : f32 to vector<16xf32>
      %ge3A_60 = arith.cmpf oge, %add3A_57, %ge3A_59 : vector<16xf32>
      %mul3A_61 = arith.constant 2.000000e-01 : f32
      %mul3A_62 = vector.broadcast %mul3A_61 : f32 to vector<16xf32>
      %mul3A_63 = arith.mulf %add3A_57, %mul3A_62 : vector<16xf32>
      %select_n3A_64 = arith.select %ge3A_60, %add3A_57, %mul3A_63 : vector<16xi1>, vector<16xf32>
      %sub3A_65 = arith.subf %select_n3A_64, %get3A_3 : vector<16xf32>
      %exp3A_66 = math.exp %sub3A_65 : vector<16xf32>
      %swap3A_67 = arith.constant 32 : index
      %swap3A_68 = tpu.vector_load %arg12[%swap3A_67] {strides = array<i32>} : memref<128xf32, #tpu.memory_space<vmem>>, vector<16xf32>,
      tpu.vector_store %arg12[%swap3A_67], %exp3A_66 {strides = array<i32>} : memref<128xf32, #tpu.memory_space<vmem>>, vector<16xf32>,
      %get3A_69 = arith.constant 48 : index
      %get3A_70 = tpu.vector_load %arg10[%get3A_69] {strides = array<i32>} : memref<128xi32, #tpu.memory_space<vmem>>, vector<16xi32>,
      %get3A_71 = arith.constant 48 : index
      %get3A_72 = tpu.vector_load %arg11[%get3A_71] {strides = array<i32>} : memref<128xi32, #tpu.memory_space<vmem>>, vector<16xi32>,
      %gather3A_73 = tpu.vector_load_idx %arg13[%get3A_70] : memref<10112xf32, #tpu.memory_space<vmem>>[vector<16xi32>], vector<16xf32>,
      %gather3A_74 = tpu.vector_load_idx %arg14[%get3A_72] : memref<10112xf32, #tpu.memory_space<vmem>>[vector<16xi32>], vector<16xf32>,
      %add3A_75 = arith.addf %gather3A_73, %gather3A_74 : vector<16xf32>
      %ge3A_76 = arith.constant 0.000000e+00 : f32
      %ge3A_77 = vector.broadcast %ge3A_76 : f32 to vector<16xf32>
      %ge3A_78 = arith.cmpf oge, %add3A_75, %ge3A_77 : vector<16xf32>
      %mul3A_79 = arith.constant 2.000000e-01 : f32
      %mul3A_80 = vector.broadcast %mul3A_79 : f32 to vector<16xf32>
      %mul3A_81 = arith.mulf %add3A_75, %mul3A_80 : vector<16xf32>
      %select_n3A_82 = arith.select %ge3A_78, %add3A_75, %mul3A_81 : vector<16xi1>, vector<16xf32>
      %sub3A_83 = arith.subf %select_n3A_82, %get3A_3 : vector<16xf32>
      %exp3A_84 = math.exp %sub3A_83 : vector<16xf32>
      %swap3A_85 = arith.constant 48 : index
      %swap3A_86 = tpu.vector_load %arg12[%swap3A_85] {strides = array<i32>} : memref<128xf32, #tpu.memory_space<vmem>>, vector<16xf32>,
      tpu.vector_store %arg12[%swap3A_85], %exp3A_84 {strides = array<i32>} : memref<128xf32, #tpu.memory_space<vmem>>, vector<16xf32>,
      %get3A_87 = arith.constant 64 : index
      %get3A_88 = tpu.vector_load %arg10[%get3A_87] {strides = array<i32>} : memref<128xi32, #tpu.memory_space<vmem>>, vector<16xi32>,
      %get3A_89 = arith.constant 64 : index
      %get3A_90 = tpu.vector_load %arg11[%get3A_89] {strides = array<i32>} : memref<128xi32, #tpu.memory_space<vmem>>, vector<16xi32>,
      %gather3A_91 = tpu.vector_load_idx %arg13[%get3A_88] : memref<10112xf32, #tpu.memory_space<vmem>>[vector<16xi32>], vector<16xf32>,
      %gather3A_92 = tpu.vector_load_idx %arg14[%get3A_90] : memref<10112xf32, #tpu.memory_space<vmem>>[vector<16xi32>], vector<16xf32>,
      %add3A_93 = arith.addf %gather3A_91, %gather3A_92 : vector<16xf32>
      %ge3A_94 = arith.constant 0.000000e+00 : f32
      %ge3A_95 = vector.broadcast %ge3A_94 : f32 to vector<16xf32>
      %ge3A_96 = arith.cmpf oge, %add3A_93, %ge3A_95 : vector<16xf32>
      %mul3A_97 = arith.constant 2.000000e-01 : f32
      %mul3A_98 = vector.broadcast %mul3A_97 : f32 to vector<16xf32>
      %mul3A_99 = arith.mulf %add3A_93, %mul3A_98 : vector<16xf32>
      %select_n3A_100 = arith.select %ge3A_96, %add3A_93, %mul3A_99 : vector<16xi1>, vector<16xf32>
      %sub3A_101 = arith.subf %select_n3A_100, %get3A_3 : vector<16xf32>
      %exp3A_102 = math.exp %sub3A_101 : vector<16xf32>
      %swap3A_103 = arith.constant 64 : index
      %swap3A_104 = tpu.vector_load %arg12[%swap3A_103] {strides = array<i32>} : memref<128xf32, #tpu.memory_space<vmem>>, vector<16xf32>,
      tpu.vector_store %arg12[%swap3A_103], %exp3A_102 {strides = array<i32>} : memref<128xf32, #tpu.memory_space<vmem>>, vector<16xf32>,
      %get3A_105 = arith.constant 80 : index
      %get3A_106 = tpu.vector_load %arg10[%get3A_105] {strides = array<i32>} : memref<128xi32, #tpu.memory_space<vmem>>, vector<16xi32>,
      %get3A_107 = arith.constant 80 : index
      %get3A_108 = tpu.vector_load %arg11[%get3A_107] {strides = array<i32>} : memref<128xi32, #tpu.memory_space<vmem>>, vector<16xi32>,
      %gather3A_109 = tpu.vector_load_idx %arg13[%get3A_106] : memref<10112xf32, #tpu.memory_space<vmem>>[vector<16xi32>], vector<16xf32>,
      %gather3A_110 = tpu.vector_load_idx %arg14[%get3A_108] : memref<10112xf32, #tpu.memory_space<vmem>>[vector<16xi32>], vector<16xf32>,
      %add3A_111 = arith.addf %gather3A_109, %gather3A_110 : vector<16xf32>
      %ge3A_112 = arith.constant 0.000000e+00 : f32
      %ge3A_113 = vector.broadcast %ge3A_112 : f32 to vector<16xf32>
      %ge3A_114 = arith.cmpf oge, %add3A_111, %ge3A_113 : vector<16xf32>
      %mul3A_115 = arith.constant 2.000000e-01 : f32
      %mul3A_116 = vector.broadcast %mul3A_115 : f32 to vector<16xf32>
      %mul3A_117 = arith.mulf %add3A_111, %mul3A_116 : vector<16xf32>
      %select_n3A_118 = arith.select %ge3A_114, %add3A_111, %mul3A_117 : vector<16xi1>, vector<16xf32>
      %sub3A_119 = arith.subf %select_n3A_118, %get3A_3 : vector<16xf32>
      %exp3A_120 = math.exp %sub3A_119 : vector<16xf32>
      %swap3A_121 = arith.constant 80 : index
      %swap3A_122 = tpu.vector_load %arg12[%swap3A_121] {strides = array<i32>} : memref<128xf32, #tpu.memory_space<vmem>>, vector<16xf32>,
      tpu.vector_store %arg12[%swap3A_121], %exp3A_120 {strides = array<i32>} : memref<128xf32, #tpu.memory_space<vmem>>, vector<16xf32>,
      %get3A_123 = arith.constant 96 : index
      %get3A_124 = tpu.vector_load %arg10[%get3A_123] {strides = array<i32>} : memref<128xi32, #tpu.memory_space<vmem>>, vector<16xi32>,
      %get3A_125 = arith.constant 96 : index
      %get3A_126 = tpu.vector_load %arg11[%get3A_125] {strides = array<i32>} : memref<128xi32, #tpu.memory_space<vmem>>, vector<16xi32>,
      %gather3A_127 = tpu.vector_load_idx %arg13[%get3A_124] : memref<10112xf32, #tpu.memory_space<vmem>>[vector<16xi32>], vector<16xf32>,
      %gather3A_128 = tpu.vector_load_idx %arg14[%get3A_126] : memref<10112xf32, #tpu.memory_space<vmem>>[vector<16xi32>], vector<16xf32>,
      %add3A_129 = arith.addf %gather3A_127, %gather3A_128 : vector<16xf32>
      %ge3A_130 = arith.constant 0.000000e+00 : f32
      %ge3A_131 = vector.broadcast %ge3A_130 : f32 to vector<16xf32>
      %ge3A_132 = arith.cmpf oge, %add3A_129, %ge3A_131 : vector<16xf32>
      %mul3A_133 = arith.constant 2.000000e-01 : f32
      %mul3A_134 = vector.broadcast %mul3A_133 : f32 to vector<16xf32>
      %mul3A_135 = arith.mulf %add3A_129, %mul3A_134 : vector<16xf32>
      %select_n3A_136 = arith.select %ge3A_132, %add3A_129, %mul3A_135 : vector<16xi1>, vector<16xf32>
      %sub3A_137 = arith.subf %select_n3A_136, %get3A_3 : vector<16xf32>
      %exp3A_138 = math.exp %sub3A_137 : vector<16xf32>
      %swap3A_139 = arith.constant 96 : index
      %swap3A_140 = tpu.vector_load %arg12[%swap3A_139] {strides = array<i32>} : memref<128xf32, #tpu.memory_space<vmem>>, vector<16xf32>,
      tpu.vector_store %arg12[%swap3A_139], %exp3A_138 {strides = array<i32>} : memref<128xf32, #tpu.memory_space<vmem>>, vector<16xf32>,
      %get3A_141 = arith.constant 112 : index
      %get3A_142 = tpu.vector_load %arg10[%get3A_141] {strides = array<i32>} : memref<128xi32, #tpu.memory_space<vmem>>, vector<16xi32>,
      %get3A_143 = arith.constant 112 : index
      %get3A_144 = tpu.vector_load %arg11[%get3A_143] {strides = array<i32>} : memref<128xi32, #tpu.memory_space<vmem>>, vector<16xi32>,
      %gather3A_145 = tpu.vector_load_idx %arg13[%get3A_142] : memref<10112xf32, #tpu.memory_space<vmem>>[vector<16xi32>], vector<16xf32>,
      %gather3A_146 = tpu.vector_load_idx %arg14[%get3A_144] : memref<10112xf32, #tpu.memory_space<vmem>>[vector<16xi32>], vector<16xf32>,
      %add3A_147 = arith.addf %gather3A_145, %gather3A_146 : vector<16xf32>
      %ge3A_148 = arith.constant 0.000000e+00 : f32
      %ge3A_149 = vector.broadcast %ge3A_148 : f32 to vector<16xf32>
      %ge3A_150 = arith.cmpf oge, %add3A_147, %ge3A_149 : vector<16xf32>
      %mul3A_151 = arith.constant 2.000000e-01 : f32
      %mul3A_152 = vector.broadcast %mul3A_151 : f32 to vector<16xf32>
      %mul3A_153 = arith.mulf %add3A_147, %mul3A_152 : vector<16xf32>
      %select_n3A_154 = arith.select %ge3A_150, %add3A_147, %mul3A_153 : vector<16xi1>, vector<16xf32>
      %sub3A_155 = arith.subf %select_n3A_154, %get3A_3 : vector<16xf32>
      %exp3A_156 = math.exp %sub3A_155 : vector<16xf32>
      %swap3A_157 = arith.constant 112 : index
      %swap3A_158 = tpu.vector_load %arg12[%swap3A_157] {strides = array<i32>} : memref<128xf32, #tpu.memory_space<vmem>>, vector<16xf32>,
      tpu.vector_store %arg12[%swap3A_157], %exp3A_156 {strides = array<i32>} : memref<128xf32, #tpu.memory_space<vmem>>, vector<16xf32>,
      %dma_wait3A = arith.constant 0 : i32
      %dma_wait3A_159 = arith.constant 0 : i32
      %dma_wait3A_160 = tpu.memref_slice %arg2[%dma_wait3A, %dma_wait3A_159] : memref<10112x128xf32, #tpu.memory_space<hbm>> -> memref<10112x128xf32, #tpu.memory_space<hbm>>
      tpu.wait_indirect_dma semaphore(%arg18 : memref<!tpu.dma_semaphore, #tpu.memory_space<semaphore_mem>>) src(%dma_wait3A_160 : memref<10112x128xf32, #tpu.memory_space<hbm>>) dst(%arg16 : memref<128x128xf32, #tpu.memory_space<vmem>>)
      %scan3A_161 = arith.constant 0 : i32
      %scan3A_162 = arith.constant 0 : i32
      %scan3A_163 = arith.constant 8 : i32
      %scan3A_164 = arith.addi %scan3A_162, %scan3A_163 : i32
      %scan3A_165 = arith.constant 1 : i32
      scf.for %scan3A_167 = %scan3A_162 to %scan3A_164 step %scan3A_165  : i32 {
        %mul3A_168 = arith.constant 16 : i32
        %mul3A_169 = arith.muli %scan3A_167, %mul3A_168 : i32
        %get3A_170 = arith.index_cast %mul3A_169 : i32 to index
        %get3A_171 = tpu.vector_load %arg12[%get3A_170] {strides = array<i32>} : memref<128xf32, #tpu.memory_space<vmem>>, vector<16xf32>,
        %slice3A = vector.extract_strided_slice %get3A_171 {offsets = [0], sizes = [1], strides = [1]} : vector<16xf32> to vector<1xf32>
        %squeeze3A = vector.extract %slice3A[0] : f32 from vector<1xf32>
        %mul3A_172 = arith.constant 16 : i32
        %mul3A_173 = arith.muli %scan3A_167, %mul3A_172 : i32
        %add3A_174 = arith.constant 0 : i32
        %add3A_175 = arith.addi %mul3A_173, %add3A_174 : i32
        %get3A_176 = arith.index_cast %add3A_175 : i32 to index
        %get3A_177 = arith.constant 0 : index
        %get3A_178 = tpu.vector_load %arg16[%get3A_176, %get3A_177] {strides = array<i32>} : memref<128x128xf32, #tpu.memory_space<vmem>>, vector<16xf32>,
        %mul3A_179 = vector.broadcast %squeeze3A : f32 to vector<16xf32>
        %mul3A_180 = arith.mulf %get3A_178, %mul3A_179 : vector<16xf32>
        %mul3A_181 = arith.constant 16 : i32
        %mul3A_182 = arith.muli %scan3A_167, %mul3A_181 : i32
        %add3A_183 = arith.constant 0 : i32
        %add3A_184 = arith.addi %mul3A_182, %add3A_183 : i32
        %swap3A_185 = arith.index_cast %add3A_184 : i32 to index
        %swap3A_186 = arith.constant 0 : index
        %swap3A_187 = tpu.vector_load %arg16[%swap3A_185, %swap3A_186] {strides = array<i32>} : memref<128x128xf32, #tpu.memory_space<vmem>>, vector<16xf32>,
        tpu.vector_store %arg16[%swap3A_185, %swap3A_186], %mul3A_180 {strides = array<i32>} : memref<128x128xf32, #tpu.memory_space<vmem>>, vector<16xf32>,
        %mul3A_188 = arith.constant 16 : i32
        %mul3A_189 = arith.muli %scan3A_167, %mul3A_188 : i32
        %add3A_190 = arith.constant 0 : i32
        %add3A_191 = arith.addi %mul3A_189, %add3A_190 : i32
        %get3A_192 = arith.index_cast %add3A_191 : i32 to index
        %get3A_193 = arith.constant 16 : index
        %get3A_194 = tpu.vector_load %arg16[%get3A_192, %get3A_193] {strides = array<i32>} : memref<128x128xf32, #tpu.memory_space<vmem>>, vector<16xf32>,
        %mul3A_195 = vector.broadcast %squeeze3A : f32 to vector<16xf32>
        %mul3A_196 = arith.mulf %get3A_194, %mul3A_195 : vector<16xf32>
        %mul3A_197 = arith.constant 16 : i32
        %mul3A_198 = arith.muli %scan3A_167, %mul3A_197 : i32
        %add3A_199 = arith.constant 0 : i32
        %add3A_200 = arith.addi %mul3A_198, %add3A_199 : i32
        %swap3A_201 = arith.index_cast %add3A_200 : i32 to index
        %swap3A_202 = arith.constant 16 : index
        %swap3A_203 = tpu.vector_load %arg16[%swap3A_201, %swap3A_202] {strides = array<i32>} : memref<128x128xf32, #tpu.memory_space<vmem>>, vector<16xf32>,
        tpu.vector_store %arg16[%swap3A_201, %swap3A_202], %mul3A_196 {strides = array<i32>} : memref<128x128xf32, #tpu.memory_space<vmem>>, vector<16xf32>,
        %mul3A_204 = arith.constant 16 : i32
        %mul3A_205 = arith.muli %scan3A_167, %mul3A_204 : i32
        %add3A_206 = arith.constant 0 : i32
        %add3A_207 = arith.addi %mul3A_205, %add3A_206 : i32
        %get3A_208 = arith.index_cast %add3A_207 : i32 to index
        %get3A_209 = arith.constant 32 : index
        %get3A_210 = tpu.vector_load %arg16[%get3A_208, %get3A_209] {strides = array<i32>} : memref<128x128xf32, #tpu.memory_space<vmem>>, vector<16xf32>,
        %mul3A_211 = vector.broadcast %squeeze3A : f32 to vector<16xf32>
        %mul3A_212 = arith.mulf %get3A_210, %mul3A_211 : vector<16xf32>
        %mul3A_213 = arith.constant 16 : i32
        %mul3A_214 = arith.muli %scan3A_167, %mul3A_213 : i32
        %add3A_215 = arith.constant 0 : i32
        %add3A_216 = arith.addi %mul3A_214, %add3A_215 : i32
        %swap3A_217 = arith.index_cast %add3A_216 : i32 to index
        %swap3A_218 = arith.constant 32 : index
        %swap3A_219 = tpu.vector_load %arg16[%swap3A_217, %swap3A_218] {strides = array<i32>} : memref<128x128xf32, #tpu.memory_space<vmem>>, vector<16xf32>,
        tpu.vector_store %arg16[%swap3A_217, %swap3A_218], %mul3A_212 {strides = array<i32>} : memref<128x128xf32, #tpu.memory_space<vmem>>, vector<16xf32>,
        %mul3A_220 = arith.constant 16 : i32
        %mul3A_221 = arith.muli %scan3A_167, %mul3A_220 : i32
        %add3A_222 = arith.constant 0 : i32
        %add3A_223 = arith.addi %mul3A_221, %add3A_222 : i32
        %get3A_224 = arith.index_cast %add3A_223 : i32 to index
        %get3A_225 = arith.constant 48 : index
        %get3A_226 = tpu.vector_load %arg16[%get3A_224, %get3A_225] {strides = array<i32>} : memref<128x128xf32, #tpu.memory_space<vmem>>, vector<16xf32>,
        %mul3A_227 = vector.broadcast %squeeze3A : f32 to vector<16xf32>
        %mul3A_228 = arith.mulf %get3A_226, %mul3A_227 : vector<16xf32>
        %mul3A_229 = arith.constant 16 : i32
        %mul3A_230 = arith.muli %scan3A_167, %mul3A_229 : i32
        %add3A_231 = arith.constant 0 : i32
        %add3A_232 = arith.addi %mul3A_230, %add3A_231 : i32
        %swap3A_233 = arith.index_cast %add3A_232 : i32 to index
        %swap3A_234 = arith.constant 48 : index
        %swap3A_235 = tpu.vector_load %arg16[%swap3A_233, %swap3A_234] {strides = array<i32>} : memref<128x128xf32, #tpu.memory_space<vmem>>, vector<16xf32>,
        tpu.vector_store %arg16[%swap3A_233, %swap3A_234], %mul3A_228 {strides = array<i32>} : memref<128x128xf32, #tpu.memory_space<vmem>>, vector<16xf32>,
        %mul3A_236 = arith.constant 16 : i32
        %mul3A_237 = arith.muli %scan3A_167, %mul3A_236 : i32
        %add3A_238 = arith.constant 0 : i32
        %add3A_239 = arith.addi %mul3A_237, %add3A_238 : i32
        %get3A_240 = arith.index_cast %add3A_239 : i32 to index
        %get3A_241 = arith.constant 64 : index
        %get3A_242 = tpu.vector_load %arg16[%get3A_240, %get3A_241] {strides = array<i32>} : memref<128x128xf32, #tpu.memory_space<vmem>>, vector<16xf32>,
        %mul3A_243 = vector.broadcast %squeeze3A : f32 to vector<16xf32>
        %mul3A_244 = arith.mulf %get3A_242, %mul3A_243 : vector<16xf32>
        %mul3A_245 = arith.constant 16 : i32
        %mul3A_246 = arith.muli %scan3A_167, %mul3A_245 : i32
        %add3A_247 = arith.constant 0 : i32
        %add3A_248 = arith.addi %mul3A_246, %add3A_247 : i32
        %swap3A_249 = arith.index_cast %add3A_248 : i32 to index
        %swap3A_250 = arith.constant 64 : index
        %swap3A_251 = tpu.vector_load %arg16[%swap3A_249, %swap3A_250] {strides = array<i32>} : memref<128x128xf32, #tpu.memory_space<vmem>>, vector<16xf32>,
        tpu.vector_store %arg16[%swap3A_249, %swap3A_250], %mul3A_244 {strides = array<i32>} : memref<128x128xf32, #tpu.memory_space<vmem>>, vector<16xf32>,
        %mul3A_252 = arith.constant 16 : i32
        %mul3A_253 = arith.muli %scan3A_167, %mul3A_252 : i32
        %add3A_254 = arith.constant 0 : i32
        %add3A_255 = arith.addi %mul3A_253, %add3A_254 : i32
        %get3A_256 = arith.index_cast %add3A_255 : i32 to index
        %get3A_257 = arith.constant 80 : index
        %get3A_258 = tpu.vector_load %arg16[%get3A_256, %get3A_257] {strides = array<i32>} : memref<128x128xf32, #tpu.memory_space<vmem>>, vector<16xf32>,
        %mul3A_259 = vector.broadcast %squeeze3A : f32 to vector<16xf32>
        %mul3A_260 = arith.mulf %get3A_258, %mul3A_259 : vector<16xf32>
        %mul3A_261 = arith.constant 16 : i32
        %mul3A_262 = arith.muli %scan3A_167, %mul3A_261 : i32
        %add3A_263 = arith.constant 0 : i32
        %add3A_264 = arith.addi %mul3A_262, %add3A_263 : i32
        %swap3A_265 = arith.index_cast %add3A_264 : i32 to index
        %swap3A_266 = arith.constant 80 : index
        %swap3A_267 = tpu.vector_load %arg16[%swap3A_265, %swap3A_266] {strides = array<i32>} : memref<128x128xf32, #tpu.memory_space<vmem>>, vector<16xf32>,
        tpu.vector_store %arg16[%swap3A_265, %swap3A_266], %mul3A_260 {strides = array<i32>} : memref<128x128xf32, #tpu.memory_space<vmem>>, vector<16xf32>,
        %mul3A_268 = arith.constant 16 : i32
        %mul3A_269 = arith.muli %scan3A_167, %mul3A_268 : i32
        %add3A_270 = arith.constant 0 : i32
        %add3A_271 = arith.addi %mul3A_269, %add3A_270 : i32
        %get3A_272 = arith.index_cast %add3A_271 : i32 to index
        %get3A_273 = arith.constant 96 : index
        %get3A_274 = tpu.vector_load %arg16[%get3A_272, %get3A_273] {strides = array<i32>} : memref<128x128xf32, #tpu.memory_space<vmem>>, vector<16xf32>,
        %mul3A_275 = vector.broadcast %squeeze3A : f32 to vector<16xf32>
        %mul3A_276 = arith.mulf %get3A_274, %mul3A_275 : vector<16xf32>
        %mul3A_277 = arith.constant 16 : i32
        %mul3A_278 = arith.muli %scan3A_167, %mul3A_277 : i32
        %add3A_279 = arith.constant 0 : i32
        %add3A_280 = arith.addi %mul3A_278, %add3A_279 : i32
        %swap3A_281 = arith.index_cast %add3A_280 : i32 to index
        %swap3A_282 = arith.constant 96 : index
        %swap3A_283 = tpu.vector_load %arg16[%swap3A_281, %swap3A_282] {strides = array<i32>} : memref<128x128xf32, #tpu.memory_space<vmem>>, vector<16xf32>,
        tpu.vector_store %arg16[%swap3A_281, %swap3A_282], %mul3A_276 {strides = array<i32>} : memref<128x128xf32, #tpu.memory_space<vmem>>, vector<16xf32>,
        %mul3A_284 = arith.constant 16 : i32
        %mul3A_285 = arith.muli %scan3A_167, %mul3A_284 : i32
        %add3A_286 = arith.constant 0 : i32
        %add3A_287 = arith.addi %mul3A_285, %add3A_286 : i32
        %get3A_288 = arith.index_cast %add3A_287 : i32 to index
        %get3A_289 = arith.constant 112 : index
        %get3A_290 = tpu.vector_load %arg16[%get3A_288, %get3A_289] {strides = array<i32>} : memref<128x128xf32, #tpu.memory_space<vmem>>, vector<16xf32>,
        %mul3A_291 = vector.broadcast %squeeze3A : f32 to vector<16xf32>
        %mul3A_292 = arith.mulf %get3A_290, %mul3A_291 : vector<16xf32>
        %mul3A_293 = arith.constant 16 : i32
        %mul3A_294 = arith.muli %scan3A_167, %mul3A_293 : i32
        %add3A_295 = arith.constant 0 : i32
        %add3A_296 = arith.addi %mul3A_294, %add3A_295 : i32
        %swap3A_297 = arith.index_cast %add3A_296 : i32 to index
        %swap3A_298 = arith.constant 112 : index
        %swap3A_299 = tpu.vector_load %arg16[%swap3A_297, %swap3A_298] {strides = array<i32>} : memref<128x128xf32, #tpu.memory_space<vmem>>, vector<16xf32>,
        tpu.vector_store %arg16[%swap3A_297, %swap3A_298], %mul3A_292 {strides = array<i32>} : memref<128x128xf32, #tpu.memory_space<vmem>>, vector<16xf32>,
        %slice3A_300 = vector.extract_strided_slice %get3A_171 {offsets = [1], sizes = [1], strides = [1]} : vector<16xf32> to vector<1xf32>
        %squeeze3A_301 = vector.extract %slice3A_300[0] : f32 from vector<1xf32>
        %mul3A_302 = arith.constant 16 : i32
        %mul3A_303 = arith.muli %scan3A_167, %mul3A_302 : i32
        %add3A_304 = arith.constant 1 : i32
        %add3A_305 = arith.addi %mul3A_303, %add3A_304 : i32
        %get3A_306 = arith.index_cast %add3A_305 : i32 to index
        %get3A_307 = arith.constant 0 : index
        %get3A_308 = tpu.vector_load %arg16[%get3A_306, %get3A_307] {strides = array<i32>} : memref<128x128xf32, #tpu.memory_space<vmem>>, vector<16xf32>,
        %mul3A_309 = vector.broadcast %squeeze3A_301 : f32 to vector<16xf32>
        %mul3A_310 = arith.mulf %get3A_308, %mul3A_309 : vector<16xf32>
        %mul3A_311 = arith.constant 16 : i32
        %mul3A_312 = arith.muli %scan3A_167, %mul3A_311 : i32
        %add3A_313 = arith.constant 1 : i32
        %add3A_314 = arith.addi %mul3A_312, %add3A_313 : i32
        %swap3A_315 = arith.index_cast %add3A_314 : i32 to index
        %swap3A_316 = arith.constant 0 : index
        %swap3A_317 = tpu.vector_load %arg16[%swap3A_315, %swap3A_316] {strides = array<i32>} : memref<128x128xf32, #tpu.memory_space<vmem>>, vector<16xf32>,
        tpu.vector_store %arg16[%swap3A_315, %swap3A_316], %mul3A_310 {strides = array<i32>} : memref<128x128xf32, #tpu.memory_space<vmem>>, vector<16xf32>,
        %mul3A_318 = arith.constant 16 : i32
        %mul3A_319 = arith.muli %scan3A_167, %mul3A_318 : i32
        %add3A_320 = arith.constant 1 : i32
        %add3A_321 = arith.addi %mul3A_319, %add3A_320 : i32
        %get3A_322 = arith.index_cast %add3A_321 : i32 to index
        %get3A_323 = arith.constant 16 : index
        %get3A_324 = tpu.vector_load %arg16[%get3A_322, %get3A_323] {strides = array<i32>} : memref<128x128xf32, #tpu.memory_space<vmem>>, vector<16xf32>,
        %mul3A_325 = vector.broadcast %squeeze3A_301 : f32 to vector<16xf32>
        %mul3A_326 = arith.mulf %get3A_324, %mul3A_325 : vector<16xf32>
        %mul3A_327 = arith.constant 16 : i32
        %mul3A_328 = arith.muli %scan3A_167, %mul3A_327 : i32
        %add3A_329 = arith.constant 1 : i32
        %add3A_330 = arith.addi %mul3A_328, %add3A_329 : i32
        %swap3A_331 = arith.index_cast %add3A_330 : i32 to index
        %swap3A_332 = arith.constant 16 : index
        %swap3A_333 = tpu.vector_load %arg16[%swap3A_331, %swap3A_332] {strides = array<i32>} : memref<128x128xf32, #tpu.memory_space<vmem>>, vector<16xf32>,
        tpu.vector_store %arg16[%swap3A_331, %swap3A_332], %mul3A_326 {strides = array<i32>} : memref<128x128xf32, #tpu.memory_space<vmem>>, vector<16xf32>,
        %mul3A_334 = arith.constant 16 : i32
        %mul3A_335 = arith.muli %scan3A_167, %mul3A_334 : i32
        %add3A_336 = arith.constant 1 : i32
        %add3A_337 = arith.addi %mul3A_335, %add3A_336 : i32
        %get3A_338 = arith.index_cast %add3A_337 : i32 to index
        %get3A_339 = arith.constant 32 : index
        %get3A_340 = tpu.vector_load %arg16[%get3A_338, %get3A_339] {strides = array<i32>} : memref<128x128xf32, #tpu.memory_space<vmem>>, vector<16xf32>,
        %mul3A_341 = vector.broadcast %squeeze3A_301 : f32 to vector<16xf32>
        %mul3A_342 = arith.mulf %get3A_340, %mul3A_341 : vector<16xf32>
        %mul3A_343 = arith.constant 16 : i32
        %mul3A_344 = arith.muli %scan3A_167, %mul3A_343 : i32
        %add3A_345 = arith.constant 1 : i32
        %add3A_346 = arith.addi %mul3A_344, %add3A_345 : i32
        %swap3A_347 = arith.index_cast %add3A_346 : i32 to index
        %swap3A_348 = arith.constant 32 : index
        %swap3A_349 = tpu.vector_load %arg16[%swap3A_347, %swap3A_348] {strides = array<i32>} : memref<128x128xf32, #tpu.memory_space<vmem>>, vector<16xf32>,
        tpu.vector_store %arg16[%swap3A_347, %swap3A_348], %mul3A_342 {strides = array<i32>} : memref<128x128xf32, #tpu.memory_space<vmem>>, vector<16xf32>,
        %mul3A_350 = arith.constant 16 : i32
        %mul3A_351 = arith.muli %scan3A_167, %mul3A_350 : i32
        %add3A_352 = arith.constant 1 : i32
        %add3A_353 = arith.addi %mul3A_351, %add3A_352 : i32
        %get3A_354 = arith.index_cast %add3A_353 : i32 to index
        %get3A_355 = arith.constant 48 : index
        %get3A_356 = tpu.vector_load %arg16[%get3A_354, %get3A_355] {strides = array<i32>} : memref<128x128xf32, #tpu.memory_space<vmem>>, vector<16xf32>,
        %mul3A_357 = vector.broadcast %squeeze3A_301 : f32 to vector<16xf32>
        %mul3A_358 = arith.mulf %get3A_356, %mul3A_357 : vector<16xf32>
        %mul3A_359 = arith.constant 16 : i32
        %mul3A_360 = arith.muli %scan3A_167, %mul3A_359 : i32
        %add3A_361 = arith.constant 1 : i32
        %add3A_362 = arith.addi %mul3A_360, %add3A_361 : i32
        %swap3A_363 = arith.index_cast %add3A_362 : i32 to index
        %swap3A_364 = arith.constant 48 : index
        %swap3A_365 = tpu.vector_load %arg16[%swap3A_363, %swap3A_364] {strides = array<i32>} : memref<128x128xf32, #tpu.memory_space<vmem>>, vector<16xf32>,
        tpu.vector_store %arg16[%swap3A_363, %swap3A_364], %mul3A_358 {strides = array<i32>} : memref<128x128xf32, #tpu.memory_space<vmem>>, vector<16xf32>,
        %mul3A_366 = arith.constant 16 : i32
        %mul3A_367 = arith.muli %scan3A_167, %mul3A_366 : i32
        %add3A_368 = arith.constant 1 : i32
        %add3A_369 = arith.addi %mul3A_367, %add3A_368 : i32
        %get3A_370 = arith.index_cast %add3A_369 : i32 to index
        %get3A_371 = arith.constant 64 : index
        %get3A_372 = tpu.vector_load %arg16[%get3A_370, %get3A_371] {strides = array<i32>} : memref<128x128xf32, #tpu.memory_space<vmem>>, vector<16xf32>,
        %mul3A_373 = vector.broadcast %squeeze3A_301 : f32 to vector<16xf32>
        %mul3A_374 = arith.mulf %get3A_372, %mul3A_373 : vector<16xf32>
        %mul3A_375 = arith.constant 16 : i32
        %mul3A_376 = arith.muli %scan3A_167, %mul3A_375 : i32
        %add3A_377 = arith.constant 1 : i32
        %add3A_378 = arith.addi %mul3A_376, %add3A_377 : i32
        %swap3A_379 = arith.index_cast %add3A_378 : i32 to index
        %swap3A_380 = arith.constant 64 : index
        %swap3A_381 = tpu.vector_load %arg16[%swap3A_379, %swap3A_380] {strides = array<i32>} : memref<128x128xf32, #tpu.memory_space<vmem>>, vector<16xf32>,
        tpu.vector_store %arg16[%swap3A_379, %swap3A_380], %mul3A_374 {strides = array<i32>} : memref<128x128xf32, #tpu.memory_space<vmem>>, vector<16xf32>,
        %mul3A_382 = arith.constant 16 : i32
        %mul3A_383 = arith.muli %scan3A_167, %mul3A_382 : i32
        %add3A_384 = arith.constant 1 : i32
        %add3A_385 = arith.addi %mul3A_383, %add3A_384 : i32
        %get3A_386 = arith.index_cast %add3A_385 : i32 to index
        %get3A_387 = arith.constant 80 : index
        %get3A_388 = tpu.vector_load %arg16[%get3A_386, %get3A_387] {strides = array<i32>} : memref<128x128xf32, #tpu.memory_space<vmem>>, vector<16xf32>,
        %mul3A_389 = vector.broadcast %squeeze3A_301 : f32 to vector<16xf32>
        %mul3A_390 = arith.mulf %get3A_388, %mul3A_389 : vector<16xf32>
        %mul3A_391 = arith.constant 16 : i32
        %mul3A_392 = arith.muli %scan3A_167, %mul3A_391 : i32
        %add3A_393 = arith.constant 1 : i32
        %add3A_394 = arith.addi %mul3A_392, %add3A_393 : i32
        %swap3A_395 = arith.index_cast %add3A_394 : i32 to index
        %swap3A_396 = arith.constant 80 : index
        %swap3A_397 = tpu.vector_load %arg16[%swap3A_395, %swap3A_396] {strides = array<i32>} : memref<128x128xf32, #tpu.memory_space<vmem>>, vector<16xf32>,
        tpu.vector_store %arg16[%swap3A_395, %swap3A_396], %mul3A_390 {strides = array<i32>} : memref<128x128xf32, #tpu.memory_space<vmem>>, vector<16xf32>,
        %mul3A_398 = arith.constant 16 : i32
        %mul3A_399 = arith.muli %scan3A_167, %mul3A_398 : i32
        %add3A_400 = arith.constant 1 : i32
        %add3A_401 = arith.addi %mul3A_399, %add3A_400 : i32
        %get3A_402 = arith.index_cast %add3A_401 : i32 to index
        %get3A_403 = arith.constant 96 : index
        %get3A_404 = tpu.vector_load %arg16[%get3A_402, %get3A_403] {strides = array<i32>} : memref<128x128xf32, #tpu.memory_space<vmem>>, vector<16xf32>,
        %mul3A_405 = vector.broadcast %squeeze3A_301 : f32 to vector<16xf32>
        %mul3A_406 = arith.mulf %get3A_404, %mul3A_405 : vector<16xf32>
        %mul3A_407 = arith.constant 16 : i32
        %mul3A_408 = arith.muli %scan3A_167, %mul3A_407 : i32
        %add3A_409 = arith.constant 1 : i32
        %add3A_410 = arith.addi %mul3A_408, %add3A_409 : i32
        %swap3A_411 = arith.index_cast %add3A_410 : i32 to index
        %swap3A_412 = arith.constant 96 : index
        %swap3A_413 = tpu.vector_load %arg16[%swap3A_411, %swap3A_412] {strides = array<i32>} : memref<128x128xf32, #tpu.memory_space<vmem>>, vector<16xf32>,
        tpu.vector_store %arg16[%swap3A_411, %swap3A_412], %mul3A_406 {strides = array<i32>} : memref<128x128xf32, #tpu.memory_space<vmem>>, vector<16xf32>,
        %mul3A_414 = arith.constant 16 : i32
        %mul3A_415 = arith.muli %scan3A_167, %mul3A_414 : i32
        %add3A_416 = arith.constant 1 : i32
        %add3A_417 = arith.addi %mul3A_415, %add3A_416 : i32
        %get3A_418 = arith.index_cast %add3A_417 : i32 to index
        %get3A_419 = arith.constant 112 : index
        %get3A_420 = tpu.vector_load %arg16[%get3A_418, %get3A_419] {strides = array<i32>} : memref<128x128xf32, #tpu.memory_space<vmem>>, vector<16xf32>,
        %mul3A_421 = vector.broadcast %squeeze3A_301 : f32 to vector<16xf32>
        %mul3A_422 = arith.mulf %get3A_420, %mul3A_421 : vector<16xf32>
        %mul3A_423 = arith.constant 16 : i32
        %mul3A_424 = arith.muli %scan3A_167, %mul3A_423 : i32
        %add3A_425 = arith.constant 1 : i32
        %add3A_426 = arith.addi %mul3A_424, %add3A_425 : i32
        %swap3A_427 = arith.index_cast %add3A_426 : i32 to index
        %swap3A_428 = arith.constant 112 : index
        %swap3A_429 = tpu.vector_load %arg16[%swap3A_427, %swap3A_428] {strides = array<i32>} : memref<128x128xf32, #tpu.memory_space<vmem>>, vector<16xf32>,
        tpu.vector_store %arg16[%swap3A_427, %swap3A_428], %mul3A_422 {strides = array<i32>} : memref<128x128xf32, #tpu.memory_space<vmem>>, vector<16xf32>,
        %slice3A_430 = vector.extract_strided_slice %get3A_171 {offsets = [2], sizes = [1], strides = [1]} : vector<16xf32> to vector<1xf32>
        %squeeze3A_431 = vector.extract %slice3A_430[0] : f32 from vector<1xf32>
        %mul3A_432 = arith.constant 16 : i32
        %mul3A_433 = arith.muli %scan3A_167, %mul3A_432 : i32
        %add3A_434 = arith.constant 2 : i32
        %add3A_435 = arith.addi %mul3A_433, %add3A_434 : i32
        %get3A_436 = arith.index_cast %add3A_435 : i32 to index
        %get3A_437 = arith.constant 0 : index
        %get3A_438 = tpu.vector_load %arg16[%get3A_436, %get3A_437] {strides = array<i32>} : memref<128x128xf32, #tpu.memory_space<vmem>>, vector<16xf32>,
        %mul3A_439 = vector.broadcast %squeeze3A_431 : f32 to vector<16xf32>
        %mul3A_440 = arith.mulf %get3A_438, %mul3A_439 : vector<16xf32>
        %mul3A_441 = arith.constant 16 : i32
        %mul3A_442 = arith.muli %scan3A_167, %mul3A_441 : i32
        %add3A_443 = arith.constant 2 : i32
        %add3A_444 = arith.addi %mul3A_442, %add3A_443 : i32
        %swap3A_445 = arith.index_cast %add3A_444 : i32 to index
        %swap3A_446 = arith.constant 0 : index
        %swap3A_447 = tpu.vector_load %arg16[%swap3A_445, %swap3A_446] {strides = array<i32>} : memref<128x128xf32, #tpu.memory_space<vmem>>, vector<16xf32>,
        tpu.vector_store %arg16[%swap3A_445, %swap3A_446], %mul3A_440 {strides = array<i32>} : memref<128x128xf32, #tpu.memory_space<vmem>>, vector<16xf32>,
        %mul3A_448 = arith.constant 16 : i32
        %mul3A_449 = arith.muli %scan3A_167, %mul3A_448 : i32
        %add3A_450 = arith.constant 2 : i32
        %add3A_451 = arith.addi %mul3A_449, %add3A_450 : i32
        %get3A_452 = arith.index_cast %add3A_451 : i32 to index
        %get3A_453 = arith.constant 16 : index
        %get3A_454 = tpu.vector_load %arg16[%get3A_452, %get3A_453] {strides = array<i32>} : memref<128x128xf32, #tpu.memory_space<vmem>>, vector<16xf32>,
        %mul3A_455 = vector.broadcast %squeeze3A_431 : f32 to vector<16xf32>
        %mul3A_456 = arith.mulf %get3A_454, %mul3A_455 : vector<16xf32>
        %mul3A_457 = arith.constant 16 : i32
        %mul3A_458 = arith.muli %scan3A_167, %mul3A_457 : i32
        %add3A_459 = arith.constant 2 : i32
        %add3A_460 = arith.addi %mul3A_458, %add3A_459 : i32
        %swap3A_461 = arith.index_cast %add3A_460 : i32 to index
        %swap3A_462 = arith.constant 16 : index
        %swap3A_463 = tpu.vector_load %arg16[%swap3A_461, %swap3A_462] {strides = array<i32>} : memref<128x128xf32, #tpu.memory_space<vmem>>, vector<16xf32>,
        tpu.vector_store %arg16[%swap3A_461, %swap3A_462], %mul3A_456 {strides = array<i32>} : memref<128x128xf32, #tpu.memory_space<vmem>>, vector<16xf32>,
        %mul3A_464 = arith.constant 16 : i32
        %mul3A_465 = arith.muli %scan3A_167, %mul3A_464 : i32
        %add3A_466 = arith.constant 2 : i32
        %add3A_467 = arith.addi %mul3A_465, %add3A_466 : i32
        %get3A_468 = arith.index_cast %add3A_467 : i32 to index
        %get3A_469 = arith.constant 32 : index
        %get3A_470 = tpu.vector_load %arg16[%get3A_468, %get3A_469] {strides = array<i32>} : memref<128x128xf32, #tpu.memory_space<vmem>>, vector<16xf32>,
        %mul3A_471 = vector.broadcast %squeeze3A_431 : f32 to vector<16xf32>
        %mul3A_472 = arith.mulf %get3A_470, %mul3A_471 : vector<16xf32>
        %mul3A_473 = arith.constant 16 : i32
        %mul3A_474 = arith.muli %scan3A_167, %mul3A_473 : i32
        %add3A_475 = arith.constant 2 : i32
        %add3A_476 = arith.addi %mul3A_474, %add3A_475 : i32
        %swap3A_477 = arith.index_cast %add3A_476 : i32 to index
        %swap3A_478 = arith.constant 32 : index
        %swap3A_479 = tpu.vector_load %arg16[%swap3A_477, %swap3A_478] {strides = array<i32>} : memref<128x128xf32, #tpu.memory_space<vmem>>, vector<16xf32>,
        tpu.vector_store %arg16[%swap3A_477, %swap3A_478], %mul3A_472 {strides = array<i32>} : memref<128x128xf32, #tpu.memory_space<vmem>>, vector<16xf32>,
        %mul3A_480 = arith.constant 16 : i32
        %mul3A_481 = arith.muli %scan3A_167, %mul3A_480 : i32
        %add3A_482 = arith.constant 2 : i32
        %add3A_483 = arith.addi %mul3A_481, %add3A_482 : i32
        %get3A_484 = arith.index_cast %add3A_483 : i32 to index
        %get3A_485 = arith.constant 48 : index
        %get3A_486 = tpu.vector_load %arg16[%get3A_484, %get3A_485] {strides = array<i32>} : memref<128x128xf32, #tpu.memory_space<vmem>>, vector<16xf32>,
        %mul3A_487 = vector.broadcast %squeeze3A_431 : f32 to vector<16xf32>
        %mul3A_488 = arith.mulf %get3A_486, %mul3A_487 : vector<16xf32>
        %mul3A_489 = arith.constant 16 : i32
        %mul3A_490 = arith.muli %scan3A_167, %mul3A_489 : i32
        %add3A_491 = arith.constant 2 : i32
        %add3A_492 = arith.addi %mul3A_490, %add3A_491 : i32
        %swap3A_493 = arith.index_cast %add3A_492 : i32 to index
        %swap3A_494 = arith.constant 48 : index
        %swap3A_495 = tpu.vector_load %arg16[%swap3A_493, %swap3A_494] {strides = array<i32>} : memref<128x128xf32, #tpu.memory_space<vmem>>, vector<16xf32>,
        tpu.vector_store %arg16[%swap3A_493, %swap3A_494], %mul3A_488 {strides = array<i32>} : memref<128x128xf32, #tpu.memory_space<vmem>>, vector<16xf32>,
        %mul3A_496 = arith.constant 16 : i32
        %mul3A_497 = arith.muli %scan3A_167, %mul3A_496 : i32
        %add3A_498 = arith.constant 2 : i32
        %add3A_499 = arith.addi %mul3A_497, %add3A_498 : i32
        %get3A_500 = arith.index_cast %add3A_499 : i32 to index
        %get3A_501 = arith.constant 64 : index
        %get3A_502 = tpu.vector_load %arg16[%get3A_500, %get3A_501] {strides = array<i32>} : memref<128x128xf32, #tpu.memory_space<vmem>>, vector<16xf32>,
        %mul3A_503 = vector.broadcast %squeeze3A_431 : f32 to vector<16xf32>
        %mul3A_504 = arith.mulf %get3A_502, %mul3A_503 : vector<16xf32>
        %mul3A_505 = arith.constant 16 : i32
        %mul3A_506 = arith.muli %scan3A_167, %mul3A_505 : i32
        %add3A_507 = arith.constant 2 : i32
        %add3A_508 = arith.addi %mul3A_506, %add3A_507 : i32
        %swap3A_509 = arith.index_cast %add3A_508 : i32 to index
        %swap3A_510 = arith.constant 64 : index
        %swap3A_511 = tpu.vector_load %arg16[%swap3A_509, %swap3A_510] {strides = array<i32>} : memref<128x128xf32, #tpu.memory_space<vmem>>, vector<16xf32>,
        tpu.vector_store %arg16[%swap3A_509, %swap3A_510], %mul3A_504 {strides = array<i32>} : memref<128x128xf32, #tpu.memory_space<vmem>>, vector<16xf32>,
        %mul3A_512 = arith.constant 16 : i32
        %mul3A_513 = arith.muli %scan3A_167, %mul3A_512 : i32
        %add3A_514 = arith.constant 2 : i32
        %add3A_515 = arith.addi %mul3A_513, %add3A_514 : i32
        %get3A_516 = arith.index_cast %add3A_515 : i32 to index
        %get3A_517 = arith.constant 80 : index
        %get3A_518 = tpu.vector_load %arg16[%get3A_516, %get3A_517] {strides = array<i32>} : memref<128x128xf32, #tpu.memory_space<vmem>>, vector<16xf32>,
        %mul3A_519 = vector.broadcast %squeeze3A_431 : f32 to vector<16xf32>
        %mul3A_520 = arith.mulf %get3A_518, %mul3A_519 : vector<16xf32>
        %mul3A_521 = arith.constant 16 : i32
        %mul3A_522 = arith.muli %scan3A_167, %mul3A_521 : i32
        %add3A_523 = arith.constant 2 : i32
        %add3A_524 = arith.addi %mul3A_522, %add3A_523 : i32
        %swap3A_525 = arith.index_cast %add3A_524 : i32 to index
        %swap3A_526 = arith.constant 80 : index
        %swap3A_527 = tpu.vector_load %arg16[%swap3A_525, %swap3A_526] {strides = array<i32>} : memref<128x128xf32, #tpu.memory_space<vmem>>, vector<16xf32>,
        tpu.vector_store %arg16[%swap3A_525, %swap3A_526], %mul3A_520 {strides = array<i32>} : memref<128x128xf32, #tpu.memory_space<vmem>>, vector<16xf32>,
        %mul3A_528 = arith.constant 16 : i32
        %mul3A_529 = arith.muli %scan3A_167, %mul3A_528 : i32
        %add3A_530 = arith.constant 2 : i32
        %add3A_531 = arith.addi %mul3A_529, %add3A_530 : i32
        %get3A_532 = arith.index_cast %add3A_531 : i32 to index
        %get3A_533 = arith.constant 96 : index
        %get3A_534 = tpu.vector_load %arg16[%get3A_532, %get3A_533] {strides = array<i32>} : memref<128x128xf32, #tpu.memory_space<vmem>>, vector<16xf32>,
        %mul3A_535 = vector.broadcast %squeeze3A_431 : f32 to vector<16xf32>
        %mul3A_536 = arith.mulf %get3A_534, %mul3A_535 : vector<16xf32>
        %mul3A_537 = arith.constant 16 : i32
        %mul3A_538 = arith.muli %scan3A_167, %mul3A_537 : i32
        %add3A_539 = arith.constant 2 : i32
        %add3A_540 = arith.addi %mul3A_538, %add3A_539 : i32
        %swap3A_541 = arith.index_cast %add3A_540 : i32 to index
        %swap3A_542 = arith.constant 96 : index
        %swap3A_543 = tpu.vector_load %arg16[%swap3A_541, %swap3A_542] {strides = array<i32>} : memref<128x128xf32, #tpu.memory_space<vmem>>, vector<16xf32>,
        tpu.vector_store %arg16[%swap3A_541, %swap3A_542], %mul3A_536 {strides = array<i32>} : memref<128x128xf32, #tpu.memory_space<vmem>>, vector<16xf32>,
        %mul3A_544 = arith.constant 16 : i32
        %mul3A_545 = arith.muli %scan3A_167, %mul3A_544 : i32
        %add3A_546 = arith.constant 2 : i32
        %add3A_547 = arith.addi %mul3A_545, %add3A_546 : i32
        %get3A_548 = arith.index_cast %add3A_547 : i32 to index
        %get3A_549 = arith.constant 112 : index
        %get3A_550 = tpu.vector_load %arg16[%get3A_548, %get3A_549] {strides = array<i32>} : memref<128x128xf32, #tpu.memory_space<vmem>>, vector<16xf32>,
        %mul3A_551 = vector.broadcast %squeeze3A_431 : f32 to vector<16xf32>
        %mul3A_552 = arith.mulf %get3A_550, %mul3A_551 : vector<16xf32>
        %mul3A_553 = arith.constant 16 : i32
        %mul3A_554 = arith.muli %scan3A_167, %mul3A_553 : i32
        %add3A_555 = arith.constant 2 : i32
        %add3A_556 = arith.addi %mul3A_554, %add3A_555 : i32
        %swap3A_557 = arith.index_cast %add3A_556 : i32 to index
        %swap3A_558 = arith.constant 112 : index
        %swap3A_559 = tpu.vector_load %arg16[%swap3A_557, %swap3A_558] {strides = array<i32>} : memref<128x128xf32, #tpu.memory_space<vmem>>, vector<16xf32>,
        tpu.vector_store %arg16[%swap3A_557, %swap3A_558], %mul3A_552 {strides = array<i32>} : memref<128x128xf32, #tpu.memory_space<vmem>>, vector<16xf32>,
        %slice3A_560 = vector.extract_strided_slice %get3A_171 {offsets = [3], sizes = [1], strides = [1]} : vector<16xf32> to vector<1xf32>
        %squeeze3A_561 = vector.extract %slice3A_560[0] : f32 from vector<1xf32>
        %mul3A_562 = arith.constant 16 : i32
        %mul3A_563 = arith.muli %scan3A_167, %mul3A_562 : i32
        %add3A_564 = arith.constant 3 : i32
        %add3A_565 = arith.addi %mul3A_563, %add3A_564 : i32
        %get3A_566 = arith.index_cast %add3A_565 : i32 to index
        %get3A_567 = arith.constant 0 : index
        %get3A_568 = tpu.vector_load %arg16[%get3A_566, %get3A_567] {strides = array<i32>} : memref<128x128xf32, #tpu.memory_space<vmem>>, vector<16xf32>,
        %mul3A_569 = vector.broadcast %squeeze3A_561 : f32 to vector<16xf32>
        %mul3A_570 = arith.mulf %get3A_568, %mul3A_569 : vector<16xf32>
        %mul3A_571 = arith.constant 16 : i32
        %mul3A_572 = arith.muli %scan3A_167, %mul3A_571 : i32
        %add3A_573 = arith.constant 3 : i32
        %add3A_574 = arith.addi %mul3A_572, %add3A_573 : i32
        %swap3A_575 = arith.index_cast %add3A_574 : i32 to index
        %swap3A_576 = arith.constant 0 : index
        %swap3A_577 = tpu.vector_load %arg16[%swap3A_575, %swap3A_576] {strides = array<i32>} : memref<128x128xf32, #tpu.memory_space<vmem>>, vector<16xf32>,
        tpu.vector_store %arg16[%swap3A_575, %swap3A_576], %mul3A_570 {strides = array<i32>} : memref<128x128xf32, #tpu.memory_space<vmem>>, vector<16xf32>,
        %mul3A_578 = arith.constant 16 : i32
        %mul3A_579 = arith.muli %scan3A_167, %mul3A_578 : i32
        %add3A_580 = arith.constant 3 : i32
        %add3A_581 = arith.addi %mul3A_579, %add3A_580 : i32
        %get3A_582 = arith.index_cast %add3A_581 : i32 to index
        %get3A_583 = arith.constant 16 : index
        %get3A_584 = tpu.vector_load %arg16[%get3A_582, %get3A_583] {strides = array<i32>} : memref<128x128xf32, #tpu.memory_space<vmem>>, vector<16xf32>,
        %mul3A_585 = vector.broadcast %squeeze3A_561 : f32 to vector<16xf32>
        %mul3A_586 = arith.mulf %get3A_584, %mul3A_585 : vector<16xf32>
        %mul3A_587 = arith.constant 16 : i32
        %mul3A_588 = arith.muli %scan3A_167, %mul3A_587 : i32
        %add3A_589 = arith.constant 3 : i32
        %add3A_590 = arith.addi %mul3A_588, %add3A_589 : i32
        %swap3A_591 = arith.index_cast %add3A_590 : i32 to index
        %swap3A_592 = arith.constant 16 : index
        %swap3A_593 = tpu.vector_load %arg16[%swap3A_591, %swap3A_592] {strides = array<i32>} : memref<128x128xf32, #tpu.memory_space<vmem>>, vector<16xf32>,
        tpu.vector_store %arg16[%swap3A_591, %swap3A_592], %mul3A_586 {strides = array<i32>} : memref<128x128xf32, #tpu.memory_space<vmem>>, vector<16xf32>,
        %mul3A_594 = arith.constant 16 : i32
        %mul3A_595 = arith.muli %scan3A_167, %mul3A_594 : i32
        %add3A_596 = arith.constant 3 : i32
        %add3A_597 = arith.addi %mul3A_595, %add3A_596 : i32
        %get3A_598 = arith.index_cast %add3A_597 : i32 to index
        %get3A_599 = arith.constant 32 : index
        %get3A_600 = tpu.vector_load %arg16[%get3A_598, %get3A_599] {strides = array<i32>} : memref<128x128xf32, #tpu.memory_space<vmem>>, vector<16xf32>,
        %mul3A_601 = vector.broadcast %squeeze3A_561 : f32 to vector<16xf32>
        %mul3A_602 = arith.mulf %get3A_600, %mul3A_601 : vector<16xf32>
        %mul3A_603 = arith.constant 16 : i32
        %mul3A_604 = arith.muli %scan3A_167, %mul3A_603 : i32
        %add3A_605 = arith.constant 3 : i32
        %add3A_606 = arith.addi %mul3A_604, %add3A_605 : i32
        %swap3A_607 = arith.index_cast %add3A_606 : i32 to index
        %swap3A_608 = arith.constant 32 : index
        %swap3A_609 = tpu.vector_load %arg16[%swap3A_607, %swap3A_608] {strides = array<i32>} : memref<128x128xf32, #tpu.memory_space<vmem>>, vector<16xf32>,
        tpu.vector_store %arg16[%swap3A_607, %swap3A_608], %mul3A_602 {strides = array<i32>} : memref<128x128xf32, #tpu.memory_space<vmem>>, vector<16xf32>,
        %mul3A_610 = arith.constant 16 : i32
        %mul3A_611 = arith.muli %scan3A_167, %mul3A_610 : i32
        %add3A_612 = arith.constant 3 : i32
        %add3A_613 = arith.addi %mul3A_611, %add3A_612 : i32
        %get3A_614 = arith.index_cast %add3A_613 : i32 to index
        %get3A_615 = arith.constant 48 : index
        %get3A_616 = tpu.vector_load %arg16[%get3A_614, %get3A_615] {strides = array<i32>} : memref<128x128xf32, #tpu.memory_space<vmem>>, vector<16xf32>,
        %mul3A_617 = vector.broadcast %squeeze3A_561 : f32 to vector<16xf32>
        %mul3A_618 = arith.mulf %get3A_616, %mul3A_617 : vector<16xf32>
        %mul3A_619 = arith.constant 16 : i32
        %mul3A_620 = arith.muli %scan3A_167, %mul3A_619 : i32
        %add3A_621 = arith.constant 3 : i32
        %add3A_622 = arith.addi %mul3A_620, %add3A_621 : i32
        %swap3A_623 = arith.index_cast %add3A_622 : i32 to index
        %swap3A_624 = arith.constant 48 : index
        %swap3A_625 = tpu.vector_load %arg16[%swap3A_623, %swap3A_624] {strides = array<i32>} : memref<128x128xf32, #tpu.memory_space<vmem>>, vector<16xf32>,
        tpu.vector_store %arg16[%swap3A_623, %swap3A_624], %mul3A_618 {strides = array<i32>} : memref<128x128xf32, #tpu.memory_space<vmem>>, vector<16xf32>,
        %mul3A_626 = arith.constant 16 : i32
        %mul3A_627 = arith.muli %scan3A_167, %mul3A_626 : i32
        %add3A_628 = arith.constant 3 : i32
        %add3A_629 = arith.addi %mul3A_627, %add3A_628 : i32
        %get3A_630 = arith.index_cast %add3A_629 : i32 to index
        %get3A_631 = arith.constant 64 : index
        %get3A_632 = tpu.vector_load %arg16[%get3A_630, %get3A_631] {strides = array<i32>} : memref<128x128xf32, #tpu.memory_space<vmem>>, vector<16xf32>,
        %mul3A_633 = vector.broadcast %squeeze3A_561 : f32 to vector<16xf32>
        %mul3A_634 = arith.mulf %get3A_632, %mul3A_633 : vector<16xf32>
        %mul3A_635 = arith.constant 16 : i32
        %mul3A_636 = arith.muli %scan3A_167, %mul3A_635 : i32
        %add3A_637 = arith.constant 3 : i32
        %add3A_638 = arith.addi %mul3A_636, %add3A_637 : i32
        %swap3A_639 = arith.index_cast %add3A_638 : i32 to index
        %swap3A_640 = arith.constant 64 : index
        %swap3A_641 = tpu.vector_load %arg16[%swap3A_639, %swap3A_640] {strides = array<i32>} : memref<128x128xf32, #tpu.memory_space<vmem>>, vector<16xf32>,
        tpu.vector_store %arg16[%swap3A_639, %swap3A_640], %mul3A_634 {strides = array<i32>} : memref<128x128xf32, #tpu.memory_space<vmem>>, vector<16xf32>,
        %mul3A_642 = arith.constant 16 : i32
        %mul3A_643 = arith.muli %scan3A_167, %mul3A_642 : i32
        %add3A_644 = arith.constant 3 : i32
        %add3A_645 = arith.addi %mul3A_643, %add3A_644 : i32
        %get3A_646 = arith.index_cast %add3A_645 : i32 to index
        %get3A_647 = arith.constant 80 : index
        %get3A_648 = tpu.vector_load %arg16[%get3A_646, %get3A_647] {strides = array<i32>} : memref<128x128xf32, #tpu.memory_space<vmem>>, vector<16xf32>,
        %mul3A_649 = vector.broadcast %squeeze3A_561 : f32 to vector<16xf32>
        %mul3A_650 = arith.mulf %get3A_648, %mul3A_649 : vector<16xf32>
        %mul3A_651 = arith.constant 16 : i32
        %mul3A_652 = arith.muli %scan3A_167, %mul3A_651 : i32
        %add3A_653 = arith.constant 3 : i32
        %add3A_654 = arith.addi %mul3A_652, %add3A_653 : i32
        %swap3A_655 = arith.index_cast %add3A_654 : i32 to index
        %swap3A_656 = arith.constant 80 : index
        %swap3A_657 = tpu.vector_load %arg16[%swap3A_655, %swap3A_656] {strides = array<i32>} : memref<128x128xf32, #tpu.memory_space<vmem>>, vector<16xf32>,
        tpu.vector_store %arg16[%swap3A_655, %swap3A_656], %mul3A_650 {strides = array<i32>} : memref<128x128xf32, #tpu.memory_space<vmem>>, vector<16xf32>,
        %mul3A_658 = arith.constant 16 : i32
        %mul3A_659 = arith.muli %scan3A_167, %mul3A_658 : i32
        %add3A_660 = arith.constant 3 : i32
        %add3A_661 = arith.addi %mul3A_659, %add3A_660 : i32
        %get3A_662 = arith.index_cast %add3A_661 : i32 to index
        %get3A_663 = arith.constant 96 : index
        %get3A_664 = tpu.vector_load %arg16[%get3A_662, %get3A_663] {strides = array<i32>} : memref<128x128xf32, #tpu.memory_space<vmem>>, vector<16xf32>,
        %mul3A_665 = vector.broadcast %squeeze3A_561 : f32 to vector<16xf32>
        %mul3A_666 = arith.mulf %get3A_664, %mul3A_665 : vector<16xf32>
        %mul3A_667 = arith.constant 16 : i32
        %mul3A_668 = arith.muli %scan3A_167, %mul3A_667 : i32
        %add3A_669 = arith.constant 3 : i32
        %add3A_670 = arith.addi %mul3A_668, %add3A_669 : i32
        %swap3A_671 = arith.index_cast %add3A_670 : i32 to index
        %swap3A_672 = arith.constant 96 : index
        %swap3A_673 = tpu.vector_load %arg16[%swap3A_671, %swap3A_672] {strides = array<i32>} : memref<128x128xf32, #tpu.memory_space<vmem>>, vector<16xf32>,
        tpu.vector_store %arg16[%swap3A_671, %swap3A_672], %mul3A_666 {strides = array<i32>} : memref<128x128xf32, #tpu.memory_space<vmem>>, vector<16xf32>,
        %mul3A_674 = arith.constant 16 : i32
        %mul3A_675 = arith.muli %scan3A_167, %mul3A_674 : i32
        %add3A_676 = arith.constant 3 : i32
        %add3A_677 = arith.addi %mul3A_675, %add3A_676 : i32
        %get3A_678 = arith.index_cast %add3A_677 : i32 to index
        %get3A_679 = arith.constant 112 : index
        %get3A_680 = tpu.vector_load %arg16[%get3A_678, %get3A_679] {strides = array<i32>} : memref<128x128xf32, #tpu.memory_space<vmem>>, vector<16xf32>,
        %mul3A_681 = vector.broadcast %squeeze3A_561 : f32 to vector<16xf32>
        %mul3A_682 = arith.mulf %get3A_680, %mul3A_681 : vector<16xf32>
        %mul3A_683 = arith.constant 16 : i32
        %mul3A_684 = arith.muli %scan3A_167, %mul3A_683 : i32
        %add3A_685 = arith.constant 3 : i32
        %add3A_686 = arith.addi %mul3A_684, %add3A_685 : i32
        %swap3A_687 = arith.index_cast %add3A_686 : i32 to index
        %swap3A_688 = arith.constant 112 : index
        %swap3A_689 = tpu.vector_load %arg16[%swap3A_687, %swap3A_688] {strides = array<i32>} : memref<128x128xf32, #tpu.memory_space<vmem>>, vector<16xf32>,
        tpu.vector_store %arg16[%swap3A_687, %swap3A_688], %mul3A_682 {strides = array<i32>} : memref<128x128xf32, #tpu.memory_space<vmem>>, vector<16xf32>,
        %slice3A_690 = vector.extract_strided_slice %get3A_171 {offsets = [4], sizes = [1], strides = [1]} : vector<16xf32> to vector<1xf32>
        %squeeze3A_691 = vector.extract %slice3A_690[0] : f32 from vector<1xf32>
        %mul3A_692 = arith.constant 16 : i32
        %mul3A_693 = arith.muli %scan3A_167, %mul3A_692 : i32
        %add3A_694 = arith.constant 4 : i32
        %add3A_695 = arith.addi %mul3A_693, %add3A_694 : i32
        %get3A_696 = arith.index_cast %add3A_695 : i32 to index
        %get3A_697 = arith.constant 0 : index
        %get3A_698 = tpu.vector_load %arg16[%get3A_696, %get3A_697] {strides = array<i32>} : memref<128x128xf32, #tpu.memory_space<vmem>>, vector<16xf32>,
        %mul3A_699 = vector.broadcast %squeeze3A_691 : f32 to vector<16xf32>
        %mul3A_700 = arith.mulf %get3A_698, %mul3A_699 : vector<16xf32>
        %mul3A_701 = arith.constant 16 : i32
        %mul3A_702 = arith.muli %scan3A_167, %mul3A_701 : i32
        %add3A_703 = arith.constant 4 : i32
        %add3A_704 = arith.addi %mul3A_702, %add3A_703 : i32
        %swap3A_705 = arith.index_cast %add3A_704 : i32 to index
        %swap3A_706 = arith.constant 0 : index
        %swap3A_707 = tpu.vector_load %arg16[%swap3A_705, %swap3A_706] {strides = array<i32>} : memref<128x128xf32, #tpu.memory_space<vmem>>, vector<16xf32>,
        tpu.vector_store %arg16[%swap3A_705, %swap3A_706], %mul3A_700 {strides = array<i32>} : memref<128x128xf32, #tpu.memory_space<vmem>>, vector<16xf32>,
        %mul3A_708 = arith.constant 16 : i32
        %mul3A_709 = arith.muli %scan3A_167, %mul3A_708 : i32
        %add3A_710 = arith.constant 4 : i32
        %add3A_711 = arith.addi %mul3A_709, %add3A_710 : i32
        %get3A_712 = arith.index_cast %add3A_711 : i32 to index
        %get3A_713 = arith.constant 16 : index
        %get3A_714 = tpu.vector_load %arg16[%get3A_712, %get3A_713] {strides = array<i32>} : memref<128x128xf32, #tpu.memory_space<vmem>>, vector<16xf32>,
        %mul3A_715 = vector.broadcast %squeeze3A_691 : f32 to vector<16xf32>
        %mul3A_716 = arith.mulf %get3A_714, %mul3A_715 : vector<16xf32>
        %mul3A_717 = arith.constant 16 : i32
        %mul3A_718 = arith.muli %scan3A_167, %mul3A_717 : i32
        %add3A_719 = arith.constant 4 : i32
        %add3A_720 = arith.addi %mul3A_718, %add3A_719 : i32
        %swap3A_721 = arith.index_cast %add3A_720 : i32 to index
        %swap3A_722 = arith.constant 16 : index
        %swap3A_723 = tpu.vector_load %arg16[%swap3A_721, %swap3A_722] {strides = array<i32>} : memref<128x128xf32, #tpu.memory_space<vmem>>, vector<16xf32>,
        tpu.vector_store %arg16[%swap3A_721, %swap3A_722], %mul3A_716 {strides = array<i32>} : memref<128x128xf32, #tpu.memory_space<vmem>>, vector<16xf32>,
        %mul3A_724 = arith.constant 16 : i32
        %mul3A_725 = arith.muli %scan3A_167, %mul3A_724 : i32
        %add3A_726 = arith.constant 4 : i32
        %add3A_727 = arith.addi %mul3A_725, %add3A_726 : i32
        %get3A_728 = arith.index_cast %add3A_727 : i32 to index
        %get3A_729 = arith.constant 32 : index
        %get3A_730 = tpu.vector_load %arg16[%get3A_728, %get3A_729] {strides = array<i32>} : memref<128x128xf32, #tpu.memory_space<vmem>>, vector<16xf32>,
        %mul3A_731 = vector.broadcast %squeeze3A_691 : f32 to vector<16xf32>
        %mul3A_732 = arith.mulf %get3A_730, %mul3A_731 : vector<16xf32>
        %mul3A_733 = arith.constant 16 : i32
        %mul3A_734 = arith.muli %scan3A_167, %mul3A_733 : i32
        %add3A_735 = arith.constant 4 : i32
        %add3A_736 = arith.addi %mul3A_734, %add3A_735 : i32
        %swap3A_737 = arith.index_cast %add3A_736 : i32 to index
        %swap3A_738 = arith.constant 32 : index
        %swap3A_739 = tpu.vector_load %arg16[%swap3A_737, %swap3A_738] {strides = array<i32>} : memref<128x128xf32, #tpu.memory_space<vmem>>, vector<16xf32>,
        tpu.vector_store %arg16[%swap3A_737, %swap3A_738], %mul3A_732 {strides = array<i32>} : memref<128x128xf32, #tpu.memory_space<vmem>>, vector<16xf32>,
        %mul3A_740 = arith.constant 16 : i32
        %mul3A_741 = arith.muli %scan3A_167, %mul3A_740 : i32
        %add3A_742 = arith.constant 4 : i32
        %add3A_743 = arith.addi %mul3A_741, %add3A_742 : i32
        %get3A_744 = arith.index_cast %add3A_743 : i32 to index
        %get3A_745 = arith.constant 48 : index
        %get3A_746 = tpu.vector_load %arg16[%get3A_744, %get3A_745] {strides = array<i32>} : memref<128x128xf32, #tpu.memory_space<vmem>>, vector<16xf32>,
        %mul3A_747 = vector.broadcast %squeeze3A_691 : f32 to vector<16xf32>
        %mul3A_748 = arith.mulf %get3A_746, %mul3A_747 : vector<16xf32>
        %mul3A_749 = arith.constant 16 : i32
        %mul3A_750 = arith.muli %scan3A_167, %mul3A_749 : i32
        %add3A_751 = arith.constant 4 : i32
        %add3A_752 = arith.addi %mul3A_750, %add3A_751 : i32
        %swap3A_753 = arith.index_cast %add3A_752 : i32 to index
        %swap3A_754 = arith.constant 48 : index
        %swap3A_755 = tpu.vector_load %arg16[%swap3A_753, %swap3A_754] {strides = array<i32>} : memref<128x128xf32, #tpu.memory_space<vmem>>, vector<16xf32>,
        tpu.vector_store %arg16[%swap3A_753, %swap3A_754], %mul3A_748 {strides = array<i32>} : memref<128x128xf32, #tpu.memory_space<vmem>>, vector<16xf32>,
        %mul3A_756 = arith.constant 16 : i32
        %mul3A_757 = arith.muli %scan3A_167, %mul3A_756 : i32
        %add3A_758 = arith.constant 4 : i32
        %add3A_759 = arith.addi %mul3A_757, %add3A_758 : i32
        %get3A_760 = arith.index_cast %add3A_759 : i32 to index
        %get3A_761 = arith.constant 64 : index
        %get3A_762 = tpu.vector_load %arg16[%get3A_760, %get3A_761] {strides = array<i32>} : memref<128x128xf32, #tpu.memory_space<vmem>>, vector<16xf32>,
        %mul3A_763 = vector.broadcast %squeeze3A_691 : f32 to vector<16xf32>
        %mul3A_764 = arith.mulf %get3A_762, %mul3A_763 : vector<16xf32>
        %mul3A_765 = arith.constant 16 : i32
        %mul3A_766 = arith.muli %scan3A_167, %mul3A_765 : i32
        %add3A_767 = arith.constant 4 : i32
        %add3A_768 = arith.addi %mul3A_766, %add3A_767 : i32
        %swap3A_769 = arith.index_cast %add3A_768 : i32 to index
        %swap3A_770 = arith.constant 64 : index
        %swap3A_771 = tpu.vector_load %arg16[%swap3A_769, %swap3A_770] {strides = array<i32>} : memref<128x128xf32, #tpu.memory_space<vmem>>, vector<16xf32>,
        tpu.vector_store %arg16[%swap3A_769, %swap3A_770], %mul3A_764 {strides = array<i32>} : memref<128x128xf32, #tpu.memory_space<vmem>>, vector<16xf32>,
        %mul3A_772 = arith.constant 16 : i32
        %mul3A_773 = arith.muli %scan3A_167, %mul3A_772 : i32
        %add3A_774 = arith.constant 4 : i32
        %add3A_775 = arith.addi %mul3A_773, %add3A_774 : i32
        %get3A_776 = arith.index_cast %add3A_775 : i32 to index
        %get3A_777 = arith.constant 80 : index
        %get3A_778 = tpu.vector_load %arg16[%get3A_776, %get3A_777] {strides = array<i32>} : memref<128x128xf32, #tpu.memory_space<vmem>>, vector<16xf32>,
        %mul3A_779 = vector.broadcast %squeeze3A_691 : f32 to vector<16xf32>
        %mul3A_780 = arith.mulf %get3A_778, %mul3A_779 : vector<16xf32>
        %mul3A_781 = arith.constant 16 : i32
        %mul3A_782 = arith.muli %scan3A_167, %mul3A_781 : i32
        %add3A_783 = arith.constant 4 : i32
        %add3A_784 = arith.addi %mul3A_782, %add3A_783 : i32
        %swap3A_785 = arith.index_cast %add3A_784 : i32 to index
        %swap3A_786 = arith.constant 80 : index
        %swap3A_787 = tpu.vector_load %arg16[%swap3A_785, %swap3A_786] {strides = array<i32>} : memref<128x128xf32, #tpu.memory_space<vmem>>, vector<16xf32>,
        tpu.vector_store %arg16[%swap3A_785, %swap3A_786], %mul3A_780 {strides = array<i32>} : memref<128x128xf32, #tpu.memory_space<vmem>>, vector<16xf32>,
        %mul3A_788 = arith.constant 16 : i32
        %mul3A_789 = arith.muli %scan3A_167, %mul3A_788 : i32
        %add3A_790 = arith.constant 4 : i32
        %add3A_791 = arith.addi %mul3A_789, %add3A_790 : i32
        %get3A_792 = arith.index_cast %add3A_791 : i32 to index
        %get3A_793 = arith.constant 96 : index
        %get3A_794 = tpu.vector_load %arg16[%get3A_792, %get3A_793] {strides = array<i32>} : memref<128x128xf32, #tpu.memory_space<vmem>>, vector<16xf32>,
        %mul3A_795 = vector.broadcast %squeeze3A_691 : f32 to vector<16xf32>
        %mul3A_796 = arith.mulf %get3A_794, %mul3A_795 : vector<16xf32>
        %mul3A_797 = arith.constant 16 : i32
        %mul3A_798 = arith.muli %scan3A_167, %mul3A_797 : i32
        %add3A_799 = arith.constant 4 : i32
        %add3A_800 = arith.addi %mul3A_798, %add3A_799 : i32
        %swap3A_801 = arith.index_cast %add3A_800 : i32 to index
        %swap3A_802 = arith.constant 96 : index
        %swap3A_803 = tpu.vector_load %arg16[%swap3A_801, %swap3A_802] {strides = array<i32>} : memref<128x128xf32, #tpu.memory_space<vmem>>, vector<16xf32>,
        tpu.vector_store %arg16[%swap3A_801, %swap3A_802], %mul3A_796 {strides = array<i32>} : memref<128x128xf32, #tpu.memory_space<vmem>>, vector<16xf32>,
        %mul3A_804 = arith.constant 16 : i32
        %mul3A_805 = arith.muli %scan3A_167, %mul3A_804 : i32
        %add3A_806 = arith.constant 4 : i32
        %add3A_807 = arith.addi %mul3A_805, %add3A_806 : i32
        %get3A_808 = arith.index_cast %add3A_807 : i32 to index
        %get3A_809 = arith.constant 112 : index
        %get3A_810 = tpu.vector_load %arg16[%get3A_808, %get3A_809] {strides = array<i32>} : memref<128x128xf32, #tpu.memory_space<vmem>>, vector<16xf32>,
        %mul3A_811 = vector.broadcast %squeeze3A_691 : f32 to vector<16xf32>
        %mul3A_812 = arith.mulf %get3A_810, %mul3A_811 : vector<16xf32>
        %mul3A_813 = arith.constant 16 : i32
        %mul3A_814 = arith.muli %scan3A_167, %mul3A_813 : i32
        %add3A_815 = arith.constant 4 : i32
        %add3A_816 = arith.addi %mul3A_814, %add3A_815 : i32
        %swap3A_817 = arith.index_cast %add3A_816 : i32 to index
        %swap3A_818 = arith.constant 112 : index
        %swap3A_819 = tpu.vector_load %arg16[%swap3A_817, %swap3A_818] {strides = array<i32>} : memref<128x128xf32, #tpu.memory_space<vmem>>, vector<16xf32>,
        tpu.vector_store %arg16[%swap3A_817, %swap3A_818], %mul3A_812 {strides = array<i32>} : memref<128x128xf32, #tpu.memory_space<vmem>>, vector<16xf32>,
        %slice3A_820 = vector.extract_strided_slice %get3A_171 {offsets = [5], sizes = [1], strides = [1]} : vector<16xf32> to vector<1xf32>
        %squeeze3A_821 = vector.extract %slice3A_820[0] : f32 from vector<1xf32>
        %mul3A_822 = arith.constant 16 : i32
        %mul3A_823 = arith.muli %scan3A_167, %mul3A_822 : i32
        %add3A_824 = arith.constant 5 : i32
        %add3A_825 = arith.addi %mul3A_823, %add3A_824 : i32
        %get3A_826 = arith.index_cast %add3A_825 : i32 to index
        %get3A_827 = arith.constant 0 : index
        %get3A_828 = tpu.vector_load %arg16[%get3A_826, %get3A_827] {strides = array<i32>} : memref<128x128xf32, #tpu.memory_space<vmem>>, vector<16xf32>,
        %mul3A_829 = vector.broadcast %squeeze3A_821 : f32 to vector<16xf32>
        %mul3A_830 = arith.mulf %get3A_828, %mul3A_829 : vector<16xf32>
        %mul3A_831 = arith.constant 16 : i32
        %mul3A_832 = arith.muli %scan3A_167, %mul3A_831 : i32
        %add3A_833 = arith.constant 5 : i32
        %add3A_834 = arith.addi %mul3A_832, %add3A_833 : i32
        %swap3A_835 = arith.index_cast %add3A_834 : i32 to index
        %swap3A_836 = arith.constant 0 : index
        %swap3A_837 = tpu.vector_load %arg16[%swap3A_835, %swap3A_836] {strides = array<i32>} : memref<128x128xf32, #tpu.memory_space<vmem>>, vector<16xf32>,
        tpu.vector_store %arg16[%swap3A_835, %swap3A_836], %mul3A_830 {strides = array<i32>} : memref<128x128xf32, #tpu.memory_space<vmem>>, vector<16xf32>,
        %mul3A_838 = arith.constant 16 : i32
        %mul3A_839 = arith.muli %scan3A_167, %mul3A_838 : i32
        %add3A_840 = arith.constant 5 : i32
        %add3A_841 = arith.addi %mul3A_839, %add3A_840 : i32
        %get3A_842 = arith.index_cast %add3A_841 : i32 to index
        %get3A_843 = arith.constant 16 : index
        %get3A_844 = tpu.vector_load %arg16[%get3A_842, %get3A_843] {strides = array<i32>} : memref<128x128xf32, #tpu.memory_space<vmem>>, vector<16xf32>,
        %mul3A_845 = vector.broadcast %squeeze3A_821 : f32 to vector<16xf32>
        %mul3A_846 = arith.mulf %get3A_844, %mul3A_845 : vector<16xf32>
        %mul3A_847 = arith.constant 16 : i32
        %mul3A_848 = arith.muli %scan3A_167, %mul3A_847 : i32
        %add3A_849 = arith.constant 5 : i32
        %add3A_850 = arith.addi %mul3A_848, %add3A_849 : i32
        %swap3A_851 = arith.index_cast %add3A_850 : i32 to index
        %swap3A_852 = arith.constant 16 : index
        %swap3A_853 = tpu.vector_load %arg16[%swap3A_851, %swap3A_852] {strides = array<i32>} : memref<128x128xf32, #tpu.memory_space<vmem>>, vector<16xf32>,
        tpu.vector_store %arg16[%swap3A_851, %swap3A_852], %mul3A_846 {strides = array<i32>} : memref<128x128xf32, #tpu.memory_space<vmem>>, vector<16xf32>,
        %mul3A_854 = arith.constant 16 : i32
        %mul3A_855 = arith.muli %scan3A_167, %mul3A_854 : i32
        %add3A_856 = arith.constant 5 : i32
        %add3A_857 = arith.addi %mul3A_855, %add3A_856 : i32
        %get3A_858 = arith.index_cast %add3A_857 : i32 to index
        %get3A_859 = arith.constant 32 : index
        %get3A_860 = tpu.vector_load %arg16[%get3A_858, %get3A_859] {strides = array<i32>} : memref<128x128xf32, #tpu.memory_space<vmem>>, vector<16xf32>,
        %mul3A_861 = vector.broadcast %squeeze3A_821 : f32 to vector<16xf32>
        %mul3A_862 = arith.mulf %get3A_860, %mul3A_861 : vector<16xf32>
        %mul3A_863 = arith.constant 16 : i32
        %mul3A_864 = arith.muli %scan3A_167, %mul3A_863 : i32
        %add3A_865 = arith.constant 5 : i32
        %add3A_866 = arith.addi %mul3A_864, %add3A_865 : i32
        %swap3A_867 = arith.index_cast %add3A_866 : i32 to index
        %swap3A_868 = arith.constant 32 : index
        %swap3A_869 = tpu.vector_load %arg16[%swap3A_867, %swap3A_868] {strides = array<i32>} : memref<128x128xf32, #tpu.memory_space<vmem>>, vector<16xf32>,
        tpu.vector_store %arg16[%swap3A_867, %swap3A_868], %mul3A_862 {strides = array<i32>} : memref<128x128xf32, #tpu.memory_space<vmem>>, vector<16xf32>,
        %mul3A_870 = arith.constant 16 : i32
        %mul3A_871 = arith.muli %scan3A_167, %mul3A_870 : i32
        %add3A_872 = arith.constant 5 : i32
        %add3A_873 = arith.addi %mul3A_871, %add3A_872 : i32
        %get3A_874 = arith.index_cast %add3A_873 : i32 to index
        %get3A_875 = arith.constant 48 : index
        %get3A_876 = tpu.vector_load %arg16[%get3A_874, %get3A_875] {strides = array<i32>} : memref<128x128xf32, #tpu.memory_space<vmem>>, vector<16xf32>,
        %mul3A_877 = vector.broadcast %squeeze3A_821 : f32 to vector<16xf32>
        %mul3A_878 = arith.mulf %get3A_876, %mul3A_877 : vector<16xf32>
        %mul3A_879 = arith.constant 16 : i32
        %mul3A_880 = arith.muli %scan3A_167, %mul3A_879 : i32
        %add3A_881 = arith.constant 5 : i32
        %add3A_882 = arith.addi %mul3A_880, %add3A_881 : i32
        %swap3A_883 = arith.index_cast %add3A_882 : i32 to index
        %swap3A_884 = arith.constant 48 : index
        %swap3A_885 = tpu.vector_load %arg16[%swap3A_883, %swap3A_884] {strides = array<i32>} : memref<128x128xf32, #tpu.memory_space<vmem>>, vector<16xf32>,
        tpu.vector_store %arg16[%swap3A_883, %swap3A_884], %mul3A_878 {strides = array<i32>} : memref<128x128xf32, #tpu.memory_space<vmem>>, vector<16xf32>,
        %mul3A_886 = arith.constant 16 : i32
        %mul3A_887 = arith.muli %scan3A_167, %mul3A_886 : i32
        %add3A_888 = arith.constant 5 : i32
        %add3A_889 = arith.addi %mul3A_887, %add3A_888 : i32
        %get3A_890 = arith.index_cast %add3A_889 : i32 to index
        %get3A_891 = arith.constant 64 : index
        %get3A_892 = tpu.vector_load %arg16[%get3A_890, %get3A_891] {strides = array<i32>} : memref<128x128xf32, #tpu.memory_space<vmem>>, vector<16xf32>,
        %mul3A_893 = vector.broadcast %squeeze3A_821 : f32 to vector<16xf32>
        %mul3A_894 = arith.mulf %get3A_892, %mul3A_893 : vector<16xf32>
        %mul3A_895 = arith.constant 16 : i32
        %mul3A_896 = arith.muli %scan3A_167, %mul3A_895 : i32
        %add3A_897 = arith.constant 5 : i32
        %add3A_898 = arith.addi %mul3A_896, %add3A_897 : i32
        %swap3A_899 = arith.index_cast %add3A_898 : i32 to index
        %swap3A_900 = arith.constant 64 : index
        %swap3A_901 = tpu.vector_load %arg16[%swap3A_899, %swap3A_900] {strides = array<i32>} : memref<128x128xf32, #tpu.memory_space<vmem>>, vector<16xf32>,
        tpu.vector_store %arg16[%swap3A_899, %swap3A_900], %mul3A_894 {strides = array<i32>} : memref<128x128xf32, #tpu.memory_space<vmem>>, vector<16xf32>,
        %mul3A_902 = arith.constant 16 : i32
        %mul3A_903 = arith.muli %scan3A_167, %mul3A_902 : i32
        %add3A_904 = arith.constant 5 : i32
        %add3A_905 = arith.addi %mul3A_903, %add3A_904 : i32
        %get3A_906 = arith.index_cast %add3A_905 : i32 to index
        %get3A_907 = arith.constant 80 : index
        %get3A_908 = tpu.vector_load %arg16[%get3A_906, %get3A_907] {strides = array<i32>} : memref<128x128xf32, #tpu.memory_space<vmem>>, vector<16xf32>,
        %mul3A_909 = vector.broadcast %squeeze3A_821 : f32 to vector<16xf32>
        %mul3A_910 = arith.mulf %get3A_908, %mul3A_909 : vector<16xf32>
        %mul3A_911 = arith.constant 16 : i32
        %mul3A_912 = arith.muli %scan3A_167, %mul3A_911 : i32
        %add3A_913 = arith.constant 5 : i32
        %add3A_914 = arith.addi %mul3A_912, %add3A_913 : i32
        %swap3A_915 = arith.index_cast %add3A_914 : i32 to index
        %swap3A_916 = arith.constant 80 : index
        %swap3A_917 = tpu.vector_load %arg16[%swap3A_915, %swap3A_916] {strides = array<i32>} : memref<128x128xf32, #tpu.memory_space<vmem>>, vector<16xf32>,
        tpu.vector_store %arg16[%swap3A_915, %swap3A_916], %mul3A_910 {strides = array<i32>} : memref<128x128xf32, #tpu.memory_space<vmem>>, vector<16xf32>,
        %mul3A_918 = arith.constant 16 : i32
        %mul3A_919 = arith.muli %scan3A_167, %mul3A_918 : i32
        %add3A_920 = arith.constant 5 : i32
        %add3A_921 = arith.addi %mul3A_919, %add3A_920 : i32
        %get3A_922 = arith.index_cast %add3A_921 : i32 to index
        %get3A_923 = arith.constant 96 : index
        %get3A_924 = tpu.vector_load %arg16[%get3A_922, %get3A_923] {strides = array<i32>} : memref<128x128xf32, #tpu.memory_space<vmem>>, vector<16xf32>,
        %mul3A_925 = vector.broadcast %squeeze3A_821 : f32 to vector<16xf32>
        %mul3A_926 = arith.mulf %get3A_924, %mul3A_925 : vector<16xf32>
        %mul3A_927 = arith.constant 16 : i32
        %mul3A_928 = arith.muli %scan3A_167, %mul3A_927 : i32
        %add3A_929 = arith.constant 5 : i32
        %add3A_930 = arith.addi %mul3A_928, %add3A_929 : i32
        %swap3A_931 = arith.index_cast %add3A_930 : i32 to index
        %swap3A_932 = arith.constant 96 : index
        %swap3A_933 = tpu.vector_load %arg16[%swap3A_931, %swap3A_932] {strides = array<i32>} : memref<128x128xf32, #tpu.memory_space<vmem>>, vector<16xf32>,
        tpu.vector_store %arg16[%swap3A_931, %swap3A_932], %mul3A_926 {strides = array<i32>} : memref<128x128xf32, #tpu.memory_space<vmem>>, vector<16xf32>,
        %mul3A_934 = arith.constant 16 : i32
        %mul3A_935 = arith.muli %scan3A_167, %mul3A_934 : i32
        %add3A_936 = arith.constant 5 : i32
        %add3A_937 = arith.addi %mul3A_935, %add3A_936 : i32
        %get3A_938 = arith.index_cast %add3A_937 : i32 to index
        %get3A_939 = arith.constant 112 : index
        %get3A_940 = tpu.vector_load %arg16[%get3A_938, %get3A_939] {strides = array<i32>} : memref<128x128xf32, #tpu.memory_space<vmem>>, vector<16xf32>,
        %mul3A_941 = vector.broadcast %squeeze3A_821 : f32 to vector<16xf32>
        %mul3A_942 = arith.mulf %get3A_940, %mul3A_941 : vector<16xf32>
        %mul3A_943 = arith.constant 16 : i32
        %mul3A_944 = arith.muli %scan3A_167, %mul3A_943 : i32
        %add3A_945 = arith.constant 5 : i32
        %add3A_946 = arith.addi %mul3A_944, %add3A_945 : i32
        %swap3A_947 = arith.index_cast %add3A_946 : i32 to index
        %swap3A_948 = arith.constant 112 : index
        %swap3A_949 = tpu.vector_load %arg16[%swap3A_947, %swap3A_948] {strides = array<i32>} : memref<128x128xf32, #tpu.memory_space<vmem>>, vector<16xf32>,
        tpu.vector_store %arg16[%swap3A_947, %swap3A_948], %mul3A_942 {strides = array<i32>} : memref<128x128xf32, #tpu.memory_space<vmem>>, vector<16xf32>,
        %slice3A_950 = vector.extract_strided_slice %get3A_171 {offsets = [6], sizes = [1], strides = [1]} : vector<16xf32> to vector<1xf32>
        %squeeze3A_951 = vector.extract %slice3A_950[0] : f32 from vector<1xf32>
        %mul3A_952 = arith.constant 16 : i32
        %mul3A_953 = arith.muli %scan3A_167, %mul3A_952 : i32
        %add3A_954 = arith.constant 6 : i32
        %add3A_955 = arith.addi %mul3A_953, %add3A_954 : i32
        %get3A_956 = arith.index_cast %add3A_955 : i32 to index
        %get3A_957 = arith.constant 0 : index
        %get3A_958 = tpu.vector_load %arg16[%get3A_956, %get3A_957] {strides = array<i32>} : memref<128x128xf32, #tpu.memory_space<vmem>>, vector<16xf32>,
        %mul3A_959 = vector.broadcast %squeeze3A_951 : f32 to vector<16xf32>
        %mul3A_960 = arith.mulf %get3A_958, %mul3A_959 : vector<16xf32>
        %mul3A_961 = arith.constant 16 : i32
        %mul3A_962 = arith.muli %scan3A_167, %mul3A_961 : i32
        %add3A_963 = arith.constant 6 : i32
        %add3A_964 = arith.addi %mul3A_962, %add3A_963 : i32
        %swap3A_965 = arith.index_cast %add3A_964 : i32 to index
        %swap3A_966 = arith.constant 0 : index
        %swap3A_967 = tpu.vector_load %arg16[%swap3A_965, %swap3A_966] {strides = array<i32>} : memref<128x128xf32, #tpu.memory_space<vmem>>, vector<16xf32>,
        tpu.vector_store %arg16[%swap3A_965, %swap3A_966], %mul3A_960 {strides = array<i32>} : memref<128x128xf32, #tpu.memory_space<vmem>>, vector<16xf32>,
        %mul3A_968 = arith.constant 16 : i32
        %mul3A_969 = arith.muli %scan3A_167, %mul3A_968 : i32
        %add3A_970 = arith.constant 6 : i32
        %add3A_971 = arith.addi %mul3A_969, %add3A_970 : i32
        %get3A_972 = arith.index_cast %add3A_971 : i32 to index
        %get3A_973 = arith.constant 16 : index
        %get3A_974 = tpu.vector_load %arg16[%get3A_972, %get3A_973] {strides = array<i32>} : memref<128x128xf32, #tpu.memory_space<vmem>>, vector<16xf32>,
        %mul3A_975 = vector.broadcast %squeeze3A_951 : f32 to vector<16xf32>
        %mul3A_976 = arith.mulf %get3A_974, %mul3A_975 : vector<16xf32>
        %mul3A_977 = arith.constant 16 : i32
        %mul3A_978 = arith.muli %scan3A_167, %mul3A_977 : i32
        %add3A_979 = arith.constant 6 : i32
        %add3A_980 = arith.addi %mul3A_978, %add3A_979 : i32
        %swap3A_981 = arith.index_cast %add3A_980 : i32 to index
        %swap3A_982 = arith.constant 16 : index
        %swap3A_983 = tpu.vector_load %arg16[%swap3A_981, %swap3A_982] {strides = array<i32>} : memref<128x128xf32, #tpu.memory_space<vmem>>, vector<16xf32>,
        tpu.vector_store %arg16[%swap3A_981, %swap3A_982], %mul3A_976 {strides = array<i32>} : memref<128x128xf32, #tpu.memory_space<vmem>>, vector<16xf32>,
        %mul3A_984 = arith.constant 16 : i32
        %mul3A_985 = arith.muli %scan3A_167, %mul3A_984 : i32
        %add3A_986 = arith.constant 6 : i32
        %add3A_987 = arith.addi %mul3A_985, %add3A_986 : i32
        %get3A_988 = arith.index_cast %add3A_987 : i32 to index
        %get3A_989 = arith.constant 32 : index
        %get3A_990 = tpu.vector_load %arg16[%get3A_988, %get3A_989] {strides = array<i32>} : memref<128x128xf32, #tpu.memory_space<vmem>>, vector<16xf32>,
        %mul3A_991 = vector.broadcast %squeeze3A_951 : f32 to vector<16xf32>
        %mul3A_992 = arith.mulf %get3A_990, %mul3A_991 : vector<16xf32>
        %mul3A_993 = arith.constant 16 : i32
        %mul3A_994 = arith.muli %scan3A_167, %mul3A_993 : i32
        %add3A_995 = arith.constant 6 : i32
        %add3A_996 = arith.addi %mul3A_994, %add3A_995 : i32
        %swap3A_997 = arith.index_cast %add3A_996 : i32 to index
        %swap3A_998 = arith.constant 32 : index
        %swap3A_999 = tpu.vector_load %arg16[%swap3A_997, %swap3A_998] {strides = array<i32>} : memref<128x128xf32, #tpu.memory_space<vmem>>, vector<16xf32>,
        tpu.vector_store %arg16[%swap3A_997, %swap3A_998], %mul3A_992 {strides = array<i32>} : memref<128x128xf32, #tpu.memory_space<vmem>>, vector<16xf32>,
        %mul3A_1000 = arith.constant 16 : i32
        %mul3A_1001 = arith.muli %scan3A_167, %mul3A_1000 : i32
        %add3A_1002 = arith.constant 6 : i32
        %add3A_1003 = arith.addi %mul3A_1001, %add3A_1002 : i32
        %get3A_1004 = arith.index_cast %add3A_1003 : i32 to index
        %get3A_1005 = arith.constant 48 : index
        %get3A_1006 = tpu.vector_load %arg16[%get3A_1004, %get3A_1005] {strides = array<i32>} : memref<128x128xf32, #tpu.memory_space<vmem>>, vector<16xf32>,
        %mul3A_1007 = vector.broadcast %squeeze3A_951 : f32 to vector<16xf32>
        %mul3A_1008 = arith.mulf %get3A_1006, %mul3A_1007 : vector<16xf32>
        %mul3A_1009 = arith.constant 16 : i32
        %mul3A_1010 = arith.muli %scan3A_167, %mul3A_1009 : i32
        %add3A_1011 = arith.constant 6 : i32
        %add3A_1012 = arith.addi %mul3A_1010, %add3A_1011 : i32
        %swap3A_1013 = arith.index_cast %add3A_1012 : i32 to index
        %swap3A_1014 = arith.constant 48 : index
        %swap3A_1015 = tpu.vector_load %arg16[%swap3A_1013, %swap3A_1014] {strides = array<i32>} : memref<128x128xf32, #tpu.memory_space<vmem>>, vector<16xf32>,
        tpu.vector_store %arg16[%swap3A_1013, %swap3A_1014], %mul3A_1008 {strides = array<i32>} : memref<128x128xf32, #tpu.memory_space<vmem>>, vector<16xf32>,
        %mul3A_1016 = arith.constant 16 : i32
        %mul3A_1017 = arith.muli %scan3A_167, %mul3A_1016 : i32
        %add3A_1018 = arith.constant 6 : i32
        %add3A_1019 = arith.addi %mul3A_1017, %add3A_1018 : i32
        %get3A_1020 = arith.index_cast %add3A_1019 : i32 to index
        %get3A_1021 = arith.constant 64 : index
        %get3A_1022 = tpu.vector_load %arg16[%get3A_1020, %get3A_1021] {strides = array<i32>} : memref<128x128xf32, #tpu.memory_space<vmem>>, vector<16xf32>,
        %mul3A_1023 = vector.broadcast %squeeze3A_951 : f32 to vector<16xf32>
        %mul3A_1024 = arith.mulf %get3A_1022, %mul3A_1023 : vector<16xf32>
        %mul3A_1025 = arith.constant 16 : i32
        %mul3A_1026 = arith.muli %scan3A_167, %mul3A_1025 : i32
        %add3A_1027 = arith.constant 6 : i32
        %add3A_1028 = arith.addi %mul3A_1026, %add3A_1027 : i32
        %swap3A_1029 = arith.index_cast %add3A_1028 : i32 to index
        %swap3A_1030 = arith.constant 64 : index
        %swap3A_1031 = tpu.vector_load %arg16[%swap3A_1029, %swap3A_1030] {strides = array<i32>} : memref<128x128xf32, #tpu.memory_space<vmem>>, vector<16xf32>,
        tpu.vector_store %arg16[%swap3A_1029, %swap3A_1030], %mul3A_1024 {strides = array<i32>} : memref<128x128xf32, #tpu.memory_space<vmem>>, vector<16xf32>,
        %mul3A_1032 = arith.constant 16 : i32
        %mul3A_1033 = arith.muli %scan3A_167, %mul3A_1032 : i32
        %add3A_1034 = arith.constant 6 : i32
        %add3A_1035 = arith.addi %mul3A_1033, %add3A_1034 : i32
        %get3A_1036 = arith.index_cast %add3A_1035 : i32 to index
        %get3A_1037 = arith.constant 80 : index
        %get3A_1038 = tpu.vector_load %arg16[%get3A_1036, %get3A_1037] {strides = array<i32>} : memref<128x128xf32, #tpu.memory_space<vmem>>, vector<16xf32>,
        %mul3A_1039 = vector.broadcast %squeeze3A_951 : f32 to vector<16xf32>
        %mul3A_1040 = arith.mulf %get3A_1038, %mul3A_1039 : vector<16xf32>
        %mul3A_1041 = arith.constant 16 : i32
        %mul3A_1042 = arith.muli %scan3A_167, %mul3A_1041 : i32
        %add3A_1043 = arith.constant 6 : i32
        %add3A_1044 = arith.addi %mul3A_1042, %add3A_1043 : i32
        %swap3A_1045 = arith.index_cast %add3A_1044 : i32 to index
        %swap3A_1046 = arith.constant 80 : index
        %swap3A_1047 = tpu.vector_load %arg16[%swap3A_1045, %swap3A_1046] {strides = array<i32>} : memref<128x128xf32, #tpu.memory_space<vmem>>, vector<16xf32>,
        tpu.vector_store %arg16[%swap3A_1045, %swap3A_1046], %mul3A_1040 {strides = array<i32>} : memref<128x128xf32, #tpu.memory_space<vmem>>, vector<16xf32>,
        %mul3A_1048 = arith.constant 16 : i32
        %mul3A_1049 = arith.muli %scan3A_167, %mul3A_1048 : i32
        %add3A_1050 = arith.constant 6 : i32
        %add3A_1051 = arith.addi %mul3A_1049, %add3A_1050 : i32
        %get3A_1052 = arith.index_cast %add3A_1051 : i32 to index
        %get3A_1053 = arith.constant 96 : index
        %get3A_1054 = tpu.vector_load %arg16[%get3A_1052, %get3A_1053] {strides = array<i32>} : memref<128x128xf32, #tpu.memory_space<vmem>>, vector<16xf32>,
        %mul3A_1055 = vector.broadcast %squeeze3A_951 : f32 to vector<16xf32>
        %mul3A_1056 = arith.mulf %get3A_1054, %mul3A_1055 : vector<16xf32>
        %mul3A_1057 = arith.constant 16 : i32
        %mul3A_1058 = arith.muli %scan3A_167, %mul3A_1057 : i32
        %add3A_1059 = arith.constant 6 : i32
        %add3A_1060 = arith.addi %mul3A_1058, %add3A_1059 : i32
        %swap3A_1061 = arith.index_cast %add3A_1060 : i32 to index
        %swap3A_1062 = arith.constant 96 : index
        %swap3A_1063 = tpu.vector_load %arg16[%swap3A_1061, %swap3A_1062] {strides = array<i32>} : memref<128x128xf32, #tpu.memory_space<vmem>>, vector<16xf32>,
        tpu.vector_store %arg16[%swap3A_1061, %swap3A_1062], %mul3A_1056 {strides = array<i32>} : memref<128x128xf32, #tpu.memory_space<vmem>>, vector<16xf32>,
        %mul3A_1064 = arith.constant 16 : i32
        %mul3A_1065 = arith.muli %scan3A_167, %mul3A_1064 : i32
        %add3A_1066 = arith.constant 6 : i32
        %add3A_1067 = arith.addi %mul3A_1065, %add3A_1066 : i32
        %get3A_1068 = arith.index_cast %add3A_1067 : i32 to index
        %get3A_1069 = arith.constant 112 : index
        %get3A_1070 = tpu.vector_load %arg16[%get3A_1068, %get3A_1069] {strides = array<i32>} : memref<128x128xf32, #tpu.memory_space<vmem>>, vector<16xf32>,
        %mul3A_1071 = vector.broadcast %squeeze3A_951 : f32 to vector<16xf32>
        %mul3A_1072 = arith.mulf %get3A_1070, %mul3A_1071 : vector<16xf32>
        %mul3A_1073 = arith.constant 16 : i32
        %mul3A_1074 = arith.muli %scan3A_167, %mul3A_1073 : i32
        %add3A_1075 = arith.constant 6 : i32
        %add3A_1076 = arith.addi %mul3A_1074, %add3A_1075 : i32
        %swap3A_1077 = arith.index_cast %add3A_1076 : i32 to index
        %swap3A_1078 = arith.constant 112 : index
        %swap3A_1079 = tpu.vector_load %arg16[%swap3A_1077, %swap3A_1078] {strides = array<i32>} : memref<128x128xf32, #tpu.memory_space<vmem>>, vector<16xf32>,
        tpu.vector_store %arg16[%swap3A_1077, %swap3A_1078], %mul3A_1072 {strides = array<i32>} : memref<128x128xf32, #tpu.memory_space<vmem>>, vector<16xf32>,
        %slice3A_1080 = vector.extract_strided_slice %get3A_171 {offsets = [7], sizes = [1], strides = [1]} : vector<16xf32> to vector<1xf32>
        %squeeze3A_1081 = vector.extract %slice3A_1080[0] : f32 from vector<1xf32>
        %mul3A_1082 = arith.constant 16 : i32
        %mul3A_1083 = arith.muli %scan3A_167, %mul3A_1082 : i32
        %add3A_1084 = arith.constant 7 : i32
        %add3A_1085 = arith.addi %mul3A_1083, %add3A_1084 : i32
        %get3A_1086 = arith.index_cast %add3A_1085 : i32 to index
        %get3A_1087 = arith.constant 0 : index
        %get3A_1088 = tpu.vector_load %arg16[%get3A_1086, %get3A_1087] {strides = array<i32>} : memref<128x128xf32, #tpu.memory_space<vmem>>, vector<16xf32>,
        %mul3A_1089 = vector.broadcast %squeeze3A_1081 : f32 to vector<16xf32>
        %mul3A_1090 = arith.mulf %get3A_1088, %mul3A_1089 : vector<16xf32>
        %mul3A_1091 = arith.constant 16 : i32
        %mul3A_1092 = arith.muli %scan3A_167, %mul3A_1091 : i32
        %add3A_1093 = arith.constant 7 : i32
        %add3A_1094 = arith.addi %mul3A_1092, %add3A_1093 : i32
        %swap3A_1095 = arith.index_cast %add3A_1094 : i32 to index
        %swap3A_1096 = arith.constant 0 : index
        %swap3A_1097 = tpu.vector_load %arg16[%swap3A_1095, %swap3A_1096] {strides = array<i32>} : memref<128x128xf32, #tpu.memory_space<vmem>>, vector<16xf32>,
        tpu.vector_store %arg16[%swap3A_1095, %swap3A_1096], %mul3A_1090 {strides = array<i32>} : memref<128x128xf32, #tpu.memory_space<vmem>>, vector<16xf32>,
        %mul3A_1098 = arith.constant 16 : i32
        %mul3A_1099 = arith.muli %scan3A_167, %mul3A_1098 : i32
        %add3A_1100 = arith.constant 7 : i32
        %add3A_1101 = arith.addi %mul3A_1099, %add3A_1100 : i32
        %get3A_1102 = arith.index_cast %add3A_1101 : i32 to index
        %get3A_1103 = arith.constant 16 : index
        %get3A_1104 = tpu.vector_load %arg16[%get3A_1102, %get3A_1103] {strides = array<i32>} : memref<128x128xf32, #tpu.memory_space<vmem>>, vector<16xf32>,
        %mul3A_1105 = vector.broadcast %squeeze3A_1081 : f32 to vector<16xf32>
        %mul3A_1106 = arith.mulf %get3A_1104, %mul3A_1105 : vector<16xf32>
        %mul3A_1107 = arith.constant 16 : i32
        %mul3A_1108 = arith.muli %scan3A_167, %mul3A_1107 : i32
        %add3A_1109 = arith.constant 7 : i32
        %add3A_1110 = arith.addi %mul3A_1108, %add3A_1109 : i32
        %swap3A_1111 = arith.index_cast %add3A_1110 : i32 to index
        %swap3A_1112 = arith.constant 16 : index
        %swap3A_1113 = tpu.vector_load %arg16[%swap3A_1111, %swap3A_1112] {strides = array<i32>} : memref<128x128xf32, #tpu.memory_space<vmem>>, vector<16xf32>,
        tpu.vector_store %arg16[%swap3A_1111, %swap3A_1112], %mul3A_1106 {strides = array<i32>} : memref<128x128xf32, #tpu.memory_space<vmem>>, vector<16xf32>,
        %mul3A_1114 = arith.constant 16 : i32
        %mul3A_1115 = arith.muli %scan3A_167, %mul3A_1114 : i32
        %add3A_1116 = arith.constant 7 : i32
        %add3A_1117 = arith.addi %mul3A_1115, %add3A_1116 : i32
        %get3A_1118 = arith.index_cast %add3A_1117 : i32 to index
        %get3A_1119 = arith.constant 32 : index
        %get3A_1120 = tpu.vector_load %arg16[%get3A_1118, %get3A_1119] {strides = array<i32>} : memref<128x128xf32, #tpu.memory_space<vmem>>, vector<16xf32>,
        %mul3A_1121 = vector.broadcast %squeeze3A_1081 : f32 to vector<16xf32>
        %mul3A_1122 = arith.mulf %get3A_1120, %mul3A_1121 : vector<16xf32>
        %mul3A_1123 = arith.constant 16 : i32
        %mul3A_1124 = arith.muli %scan3A_167, %mul3A_1123 : i32
        %add3A_1125 = arith.constant 7 : i32
        %add3A_1126 = arith.addi %mul3A_1124, %add3A_1125 : i32
        %swap3A_1127 = arith.index_cast %add3A_1126 : i32 to index
        %swap3A_1128 = arith.constant 32 : index
        %swap3A_1129 = tpu.vector_load %arg16[%swap3A_1127, %swap3A_1128] {strides = array<i32>} : memref<128x128xf32, #tpu.memory_space<vmem>>, vector<16xf32>,
        tpu.vector_store %arg16[%swap3A_1127, %swap3A_1128], %mul3A_1122 {strides = array<i32>} : memref<128x128xf32, #tpu.memory_space<vmem>>, vector<16xf32>,
        %mul3A_1130 = arith.constant 16 : i32
        %mul3A_1131 = arith.muli %scan3A_167, %mul3A_1130 : i32
        %add3A_1132 = arith.constant 7 : i32
        %add3A_1133 = arith.addi %mul3A_1131, %add3A_1132 : i32
        %get3A_1134 = arith.index_cast %add3A_1133 : i32 to index
        %get3A_1135 = arith.constant 48 : index
        %get3A_1136 = tpu.vector_load %arg16[%get3A_1134, %get3A_1135] {strides = array<i32>} : memref<128x128xf32, #tpu.memory_space<vmem>>, vector<16xf32>,
        %mul3A_1137 = vector.broadcast %squeeze3A_1081 : f32 to vector<16xf32>
        %mul3A_1138 = arith.mulf %get3A_1136, %mul3A_1137 : vector<16xf32>
        %mul3A_1139 = arith.constant 16 : i32
        %mul3A_1140 = arith.muli %scan3A_167, %mul3A_1139 : i32
        %add3A_1141 = arith.constant 7 : i32
        %add3A_1142 = arith.addi %mul3A_1140, %add3A_1141 : i32
        %swap3A_1143 = arith.index_cast %add3A_1142 : i32 to index
        %swap3A_1144 = arith.constant 48 : index
        %swap3A_1145 = tpu.vector_load %arg16[%swap3A_1143, %swap3A_1144] {strides = array<i32>} : memref<128x128xf32, #tpu.memory_space<vmem>>, vector<16xf32>,
        tpu.vector_store %arg16[%swap3A_1143, %swap3A_1144], %mul3A_1138 {strides = array<i32>} : memref<128x128xf32, #tpu.memory_space<vmem>>, vector<16xf32>,
        %mul3A_1146 = arith.constant 16 : i32
        %mul3A_1147 = arith.muli %scan3A_167, %mul3A_1146 : i32
        %add3A_1148 = arith.constant 7 : i32
        %add3A_1149 = arith.addi %mul3A_1147, %add3A_1148 : i32
        %get3A_1150 = arith.index_cast %add3A_1149 : i32 to index
        %get3A_1151 = arith.constant 64 : index
        %get3A_1152 = tpu.vector_load %arg16[%get3A_1150, %get3A_1151] {strides = array<i32>} : memref<128x128xf32, #tpu.memory_space<vmem>>, vector<16xf32>,
        %mul3A_1153 = vector.broadcast %squeeze3A_1081 : f32 to vector<16xf32>
        %mul3A_1154 = arith.mulf %get3A_1152, %mul3A_1153 : vector<16xf32>
        %mul3A_1155 = arith.constant 16 : i32
        %mul3A_1156 = arith.muli %scan3A_167, %mul3A_1155 : i32
        %add3A_1157 = arith.constant 7 : i32
        %add3A_1158 = arith.addi %mul3A_1156, %add3A_1157 : i32
        %swap3A_1159 = arith.index_cast %add3A_1158 : i32 to index
        %swap3A_1160 = arith.constant 64 : index
        %swap3A_1161 = tpu.vector_load %arg16[%swap3A_1159, %swap3A_1160] {strides = array<i32>} : memref<128x128xf32, #tpu.memory_space<vmem>>, vector<16xf32>,
        tpu.vector_store %arg16[%swap3A_1159, %swap3A_1160], %mul3A_1154 {strides = array<i32>} : memref<128x128xf32, #tpu.memory_space<vmem>>, vector<16xf32>,
        %mul3A_1162 = arith.constant 16 : i32
        %mul3A_1163 = arith.muli %scan3A_167, %mul3A_1162 : i32
        %add3A_1164 = arith.constant 7 : i32
        %add3A_1165 = arith.addi %mul3A_1163, %add3A_1164 : i32
        %get3A_1166 = arith.index_cast %add3A_1165 : i32 to index
        %get3A_1167 = arith.constant 80 : index
        %get3A_1168 = tpu.vector_load %arg16[%get3A_1166, %get3A_1167] {strides = array<i32>} : memref<128x128xf32, #tpu.memory_space<vmem>>, vector<16xf32>,
        %mul3A_1169 = vector.broadcast %squeeze3A_1081 : f32 to vector<16xf32>
        %mul3A_1170 = arith.mulf %get3A_1168, %mul3A_1169 : vector<16xf32>
        %mul3A_1171 = arith.constant 16 : i32
        %mul3A_1172 = arith.muli %scan3A_167, %mul3A_1171 : i32
        %add3A_1173 = arith.constant 7 : i32
        %add3A_1174 = arith.addi %mul3A_1172, %add3A_1173 : i32
        %swap3A_1175 = arith.index_cast %add3A_1174 : i32 to index
        %swap3A_1176 = arith.constant 80 : index
        %swap3A_1177 = tpu.vector_load %arg16[%swap3A_1175, %swap3A_1176] {strides = array<i32>} : memref<128x128xf32, #tpu.memory_space<vmem>>, vector<16xf32>,
        tpu.vector_store %arg16[%swap3A_1175, %swap3A_1176], %mul3A_1170 {strides = array<i32>} : memref<128x128xf32, #tpu.memory_space<vmem>>, vector<16xf32>,
        %mul3A_1178 = arith.constant 16 : i32
        %mul3A_1179 = arith.muli %scan3A_167, %mul3A_1178 : i32
        %add3A_1180 = arith.constant 7 : i32
        %add3A_1181 = arith.addi %mul3A_1179, %add3A_1180 : i32
        %get3A_1182 = arith.index_cast %add3A_1181 : i32 to index
        %get3A_1183 = arith.constant 96 : index
        %get3A_1184 = tpu.vector_load %arg16[%get3A_1182, %get3A_1183] {strides = array<i32>} : memref<128x128xf32, #tpu.memory_space<vmem>>, vector<16xf32>,
        %mul3A_1185 = vector.broadcast %squeeze3A_1081 : f32 to vector<16xf32>
        %mul3A_1186 = arith.mulf %get3A_1184, %mul3A_1185 : vector<16xf32>
        %mul3A_1187 = arith.constant 16 : i32
        %mul3A_1188 = arith.muli %scan3A_167, %mul3A_1187 : i32
        %add3A_1189 = arith.constant 7 : i32
        %add3A_1190 = arith.addi %mul3A_1188, %add3A_1189 : i32
        %swap3A_1191 = arith.index_cast %add3A_1190 : i32 to index
        %swap3A_1192 = arith.constant 96 : index
        %swap3A_1193 = tpu.vector_load %arg16[%swap3A_1191, %swap3A_1192] {strides = array<i32>} : memref<128x128xf32, #tpu.memory_space<vmem>>, vector<16xf32>,
        tpu.vector_store %arg16[%swap3A_1191, %swap3A_1192], %mul3A_1186 {strides = array<i32>} : memref<128x128xf32, #tpu.memory_space<vmem>>, vector<16xf32>,
        %mul3A_1194 = arith.constant 16 : i32
        %mul3A_1195 = arith.muli %scan3A_167, %mul3A_1194 : i32
        %add3A_1196 = arith.constant 7 : i32
        %add3A_1197 = arith.addi %mul3A_1195, %add3A_1196 : i32
        %get3A_1198 = arith.index_cast %add3A_1197 : i32 to index
        %get3A_1199 = arith.constant 112 : index
        %get3A_1200 = tpu.vector_load %arg16[%get3A_1198, %get3A_1199] {strides = array<i32>} : memref<128x128xf32, #tpu.memory_space<vmem>>, vector<16xf32>,
        %mul3A_1201 = vector.broadcast %squeeze3A_1081 : f32 to vector<16xf32>
        %mul3A_1202 = arith.mulf %get3A_1200, %mul3A_1201 : vector<16xf32>
        %mul3A_1203 = arith.constant 16 : i32
        %mul3A_1204 = arith.muli %scan3A_167, %mul3A_1203 : i32
        %add3A_1205 = arith.constant 7 : i32
        %add3A_1206 = arith.addi %mul3A_1204, %add3A_1205 : i32
        %swap3A_1207 = arith.index_cast %add3A_1206 : i32 to index
        %swap3A_1208 = arith.constant 112 : index
        %swap3A_1209 = tpu.vector_load %arg16[%swap3A_1207, %swap3A_1208] {strides = array<i32>} : memref<128x128xf32, #tpu.memory_space<vmem>>, vector<16xf32>,
        tpu.vector_store %arg16[%swap3A_1207, %swap3A_1208], %mul3A_1202 {strides = array<i32>} : memref<128x128xf32, #tpu.memory_space<vmem>>, vector<16xf32>,
        %slice3A_1210 = vector.extract_strided_slice %get3A_171 {offsets = [8], sizes = [1], strides = [1]} : vector<16xf32> to vector<1xf32>
        %squeeze3A_1211 = vector.extract %slice3A_1210[0] : f32 from vector<1xf32>
        %mul3A_1212 = arith.constant 16 : i32
        %mul3A_1213 = arith.muli %scan3A_167, %mul3A_1212 : i32
        %add3A_1214 = arith.constant 8 : i32
        %add3A_1215 = arith.addi %mul3A_1213, %add3A_1214 : i32
        %get3A_1216 = arith.index_cast %add3A_1215 : i32 to index
        %get3A_1217 = arith.constant 0 : index
        %get3A_1218 = tpu.vector_load %arg16[%get3A_1216, %get3A_1217] {strides = array<i32>} : memref<128x128xf32, #tpu.memory_space<vmem>>, vector<16xf32>,
        %mul3A_1219 = vector.broadcast %squeeze3A_1211 : f32 to vector<16xf32>
        %mul3A_1220 = arith.mulf %get3A_1218, %mul3A_1219 : vector<16xf32>
        %mul3A_1221 = arith.constant 16 : i32
        %mul3A_1222 = arith.muli %scan3A_167, %mul3A_1221 : i32
        %add3A_1223 = arith.constant 8 : i32
        %add3A_1224 = arith.addi %mul3A_1222, %add3A_1223 : i32
        %swap3A_1225 = arith.index_cast %add3A_1224 : i32 to index
        %swap3A_1226 = arith.constant 0 : index
        %swap3A_1227 = tpu.vector_load %arg16[%swap3A_1225, %swap3A_1226] {strides = array<i32>} : memref<128x128xf32, #tpu.memory_space<vmem>>, vector<16xf32>,
        tpu.vector_store %arg16[%swap3A_1225, %swap3A_1226], %mul3A_1220 {strides = array<i32>} : memref<128x128xf32, #tpu.memory_space<vmem>>, vector<16xf32>,
        %mul3A_1228 = arith.constant 16 : i32
        %mul3A_1229 = arith.muli %scan3A_167, %mul3A_1228 : i32
        %add3A_1230 = arith.constant 8 : i32
        %add3A_1231 = arith.addi %mul3A_1229, %add3A_1230 : i32
        %get3A_1232 = arith.index_cast %add3A_1231 : i32 to index
        %get3A_1233 = arith.constant 16 : index
        %get3A_1234 = tpu.vector_load %arg16[%get3A_1232, %get3A_1233] {strides = array<i32>} : memref<128x128xf32, #tpu.memory_space<vmem>>, vector<16xf32>,
        %mul3A_1235 = vector.broadcast %squeeze3A_1211 : f32 to vector<16xf32>
        %mul3A_1236 = arith.mulf %get3A_1234, %mul3A_1235 : vector<16xf32>
        %mul3A_1237 = arith.constant 16 : i32
        %mul3A_1238 = arith.muli %scan3A_167, %mul3A_1237 : i32
        %add3A_1239 = arith.constant 8 : i32
        %add3A_1240 = arith.addi %mul3A_1238, %add3A_1239 : i32
        %swap3A_1241 = arith.index_cast %add3A_1240 : i32 to index
        %swap3A_1242 = arith.constant 16 : index
        %swap3A_1243 = tpu.vector_load %arg16[%swap3A_1241, %swap3A_1242] {strides = array<i32>} : memref<128x128xf32, #tpu.memory_space<vmem>>, vector<16xf32>,
        tpu.vector_store %arg16[%swap3A_1241, %swap3A_1242], %mul3A_1236 {strides = array<i32>} : memref<128x128xf32, #tpu.memory_space<vmem>>, vector<16xf32>,
        %mul3A_1244 = arith.constant 16 : i32
        %mul3A_1245 = arith.muli %scan3A_167, %mul3A_1244 : i32
        %add3A_1246 = arith.constant 8 : i32
        %add3A_1247 = arith.addi %mul3A_1245, %add3A_1246 : i32
        %get3A_1248 = arith.index_cast %add3A_1247 : i32 to index
        %get3A_1249 = arith.constant 32 : index
        %get3A_1250 = tpu.vector_load %arg16[%get3A_1248, %get3A_1249] {strides = array<i32>} : memref<128x128xf32, #tpu.memory_space<vmem>>, vector<16xf32>,
        %mul3A_1251 = vector.broadcast %squeeze3A_1211 : f32 to vector<16xf32>
        %mul3A_1252 = arith.mulf %get3A_1250, %mul3A_1251 : vector<16xf32>
        %mul3A_1253 = arith.constant 16 : i32
        %mul3A_1254 = arith.muli %scan3A_167, %mul3A_1253 : i32
        %add3A_1255 = arith.constant 8 : i32
        %add3A_1256 = arith.addi %mul3A_1254, %add3A_1255 : i32
        %swap3A_1257 = arith.index_cast %add3A_1256 : i32 to index
        %swap3A_1258 = arith.constant 32 : index
        %swap3A_1259 = tpu.vector_load %arg16[%swap3A_1257, %swap3A_1258] {strides = array<i32>} : memref<128x128xf32, #tpu.memory_space<vmem>>, vector<16xf32>,
        tpu.vector_store %arg16[%swap3A_1257, %swap3A_1258], %mul3A_1252 {strides = array<i32>} : memref<128x128xf32, #tpu.memory_space<vmem>>, vector<16xf32>,
        %mul3A_1260 = arith.constant 16 : i32
        %mul3A_1261 = arith.muli %scan3A_167, %mul3A_1260 : i32
        %add3A_1262 = arith.constant 8 : i32
        %add3A_1263 = arith.addi %mul3A_1261, %add3A_1262 : i32
        %get3A_1264 = arith.index_cast %add3A_1263 : i32 to index
        %get3A_1265 = arith.constant 48 : index
        %get3A_1266 = tpu.vector_load %arg16[%get3A_1264, %get3A_1265] {strides = array<i32>} : memref<128x128xf32, #tpu.memory_space<vmem>>, vector<16xf32>,
        %mul3A_1267 = vector.broadcast %squeeze3A_1211 : f32 to vector<16xf32>
        %mul3A_1268 = arith.mulf %get3A_1266, %mul3A_1267 : vector<16xf32>
        %mul3A_1269 = arith.constant 16 : i32
        %mul3A_1270 = arith.muli %scan3A_167, %mul3A_1269 : i32
        %add3A_1271 = arith.constant 8 : i32
        %add3A_1272 = arith.addi %mul3A_1270, %add3A_1271 : i32
        %swap3A_1273 = arith.index_cast %add3A_1272 : i32 to index
        %swap3A_1274 = arith.constant 48 : index
        %swap3A_1275 = tpu.vector_load %arg16[%swap3A_1273, %swap3A_1274] {strides = array<i32>} : memref<128x128xf32, #tpu.memory_space<vmem>>, vector<16xf32>,
        tpu.vector_store %arg16[%swap3A_1273, %swap3A_1274], %mul3A_1268 {strides = array<i32>} : memref<128x128xf32, #tpu.memory_space<vmem>>, vector<16xf32>,
        %mul3A_1276 = arith.constant 16 : i32
        %mul3A_1277 = arith.muli %scan3A_167, %mul3A_1276 : i32
        %add3A_1278 = arith.constant 8 : i32
        %add3A_1279 = arith.addi %mul3A_1277, %add3A_1278 : i32
        %get3A_1280 = arith.index_cast %add3A_1279 : i32 to index
        %get3A_1281 = arith.constant 64 : index
        %get3A_1282 = tpu.vector_load %arg16[%get3A_1280, %get3A_1281] {strides = array<i32>} : memref<128x128xf32, #tpu.memory_space<vmem>>, vector<16xf32>,
        %mul3A_1283 = vector.broadcast %squeeze3A_1211 : f32 to vector<16xf32>
        %mul3A_1284 = arith.mulf %get3A_1282, %mul3A_1283 : vector<16xf32>
        %mul3A_1285 = arith.constant 16 : i32
        %mul3A_1286 = arith.muli %scan3A_167, %mul3A_1285 : i32
        %add3A_1287 = arith.constant 8 : i32
        %add3A_1288 = arith.addi %mul3A_1286, %add3A_1287 : i32
        %swap3A_1289 = arith.index_cast %add3A_1288 : i32 to index
        %swap3A_1290 = arith.constant 64 : index
        %swap3A_1291 = tpu.vector_load %arg16[%swap3A_1289, %swap3A_1290] {strides = array<i32>} : memref<128x128xf32, #tpu.memory_space<vmem>>, vector<16xf32>,
        tpu.vector_store %arg16[%swap3A_1289, %swap3A_1290], %mul3A_1284 {strides = array<i32>} : memref<128x128xf32, #tpu.memory_space<vmem>>, vector<16xf32>,
        %mul3A_1292 = arith.constant 16 : i32
        %mul3A_1293 = arith.muli %scan3A_167, %mul3A_1292 : i32
        %add3A_1294 = arith.constant 8 : i32
        %add3A_1295 = arith.addi %mul3A_1293, %add3A_1294 : i32
        %get3A_1296 = arith.index_cast %add3A_1295 : i32 to index
        %get3A_1297 = arith.constant 80 : index
        %get3A_1298 = tpu.vector_load %arg16[%get3A_1296, %get3A_1297] {strides = array<i32>} : memref<128x128xf32, #tpu.memory_space<vmem>>, vector<16xf32>,
        %mul3A_1299 = vector.broadcast %squeeze3A_1211 : f32 to vector<16xf32>
        %mul3A_1300 = arith.mulf %get3A_1298, %mul3A_1299 : vector<16xf32>
        %mul3A_1301 = arith.constant 16 : i32
        %mul3A_1302 = arith.muli %scan3A_167, %mul3A_1301 : i32
        %add3A_1303 = arith.constant 8 : i32
        %add3A_1304 = arith.addi %mul3A_1302, %add3A_1303 : i32
        %swap3A_1305 = arith.index_cast %add3A_1304 : i32 to index
        %swap3A_1306 = arith.constant 80 : index
        %swap3A_1307 = tpu.vector_load %arg16[%swap3A_1305, %swap3A_1306] {strides = array<i32>} : memref<128x128xf32, #tpu.memory_space<vmem>>, vector<16xf32>,
        tpu.vector_store %arg16[%swap3A_1305, %swap3A_1306], %mul3A_1300 {strides = array<i32>} : memref<128x128xf32, #tpu.memory_space<vmem>>, vector<16xf32>,
        %mul3A_1308 = arith.constant 16 : i32
        %mul3A_1309 = arith.muli %scan3A_167, %mul3A_1308 : i32
        %add3A_1310 = arith.constant 8 : i32
        %add3A_1311 = arith.addi %mul3A_1309, %add3A_1310 : i32
        %get3A_1312 = arith.index_cast %add3A_1311 : i32 to index
        %get3A_1313 = arith.constant 96 : index
        %get3A_1314 = tpu.vector_load %arg16[%get3A_1312, %get3A_1313] {strides = array<i32>} : memref<128x128xf32, #tpu.memory_space<vmem>>, vector<16xf32>,
        %mul3A_1315 = vector.broadcast %squeeze3A_1211 : f32 to vector<16xf32>
        %mul3A_1316 = arith.mulf %get3A_1314, %mul3A_1315 : vector<16xf32>
        %mul3A_1317 = arith.constant 16 : i32
        %mul3A_1318 = arith.muli %scan3A_167, %mul3A_1317 : i32
        %add3A_1319 = arith.constant 8 : i32
        %add3A_1320 = arith.addi %mul3A_1318, %add3A_1319 : i32
        %swap3A_1321 = arith.index_cast %add3A_1320 : i32 to index
        %swap3A_1322 = arith.constant 96 : index
        %swap3A_1323 = tpu.vector_load %arg16[%swap3A_1321, %swap3A_1322] {strides = array<i32>} : memref<128x128xf32, #tpu.memory_space<vmem>>, vector<16xf32>,
        tpu.vector_store %arg16[%swap3A_1321, %swap3A_1322], %mul3A_1316 {strides = array<i32>} : memref<128x128xf32, #tpu.memory_space<vmem>>, vector<16xf32>,
        %mul3A_1324 = arith.constant 16 : i32
        %mul3A_1325 = arith.muli %scan3A_167, %mul3A_1324 : i32
        %add3A_1326 = arith.constant 8 : i32
        %add3A_1327 = arith.addi %mul3A_1325, %add3A_1326 : i32
        %get3A_1328 = arith.index_cast %add3A_1327 : i32 to index
        %get3A_1329 = arith.constant 112 : index
        %get3A_1330 = tpu.vector_load %arg16[%get3A_1328, %get3A_1329] {strides = array<i32>} : memref<128x128xf32, #tpu.memory_space<vmem>>, vector<16xf32>,
        %mul3A_1331 = vector.broadcast %squeeze3A_1211 : f32 to vector<16xf32>
        %mul3A_1332 = arith.mulf %get3A_1330, %mul3A_1331 : vector<16xf32>
        %mul3A_1333 = arith.constant 16 : i32
        %mul3A_1334 = arith.muli %scan3A_167, %mul3A_1333 : i32
        %add3A_1335 = arith.constant 8 : i32
        %add3A_1336 = arith.addi %mul3A_1334, %add3A_1335 : i32
        %swap3A_1337 = arith.index_cast %add3A_1336 : i32 to index
        %swap3A_1338 = arith.constant 112 : index
        %swap3A_1339 = tpu.vector_load %arg16[%swap3A_1337, %swap3A_1338] {strides = array<i32>} : memref<128x128xf32, #tpu.memory_space<vmem>>, vector<16xf32>,
        tpu.vector_store %arg16[%swap3A_1337, %swap3A_1338], %mul3A_1332 {strides = array<i32>} : memref<128x128xf32, #tpu.memory_space<vmem>>, vector<16xf32>,
        %slice3A_1340 = vector.extract_strided_slice %get3A_171 {offsets = [9], sizes = [1], strides = [1]} : vector<16xf32> to vector<1xf32>
        %squeeze3A_1341 = vector.extract %slice3A_1340[0] : f32 from vector<1xf32>
        %mul3A_1342 = arith.constant 16 : i32
        %mul3A_1343 = arith.muli %scan3A_167, %mul3A_1342 : i32
        %add3A_1344 = arith.constant 9 : i32
        %add3A_1345 = arith.addi %mul3A_1343, %add3A_1344 : i32
        %get3A_1346 = arith.index_cast %add3A_1345 : i32 to index
        %get3A_1347 = arith.constant 0 : index
        %get3A_1348 = tpu.vector_load %arg16[%get3A_1346, %get3A_1347] {strides = array<i32>} : memref<128x128xf32, #tpu.memory_space<vmem>>, vector<16xf32>,
        %mul3A_1349 = vector.broadcast %squeeze3A_1341 : f32 to vector<16xf32>
        %mul3A_1350 = arith.mulf %get3A_1348, %mul3A_1349 : vector<16xf32>
        %mul3A_1351 = arith.constant 16 : i32
        %mul3A_1352 = arith.muli %scan3A_167, %mul3A_1351 : i32
        %add3A_1353 = arith.constant 9 : i32
        %add3A_1354 = arith.addi %mul3A_1352, %add3A_1353 : i32
        %swap3A_1355 = arith.index_cast %add3A_1354 : i32 to index
        %swap3A_1356 = arith.constant 0 : index
        %swap3A_1357 = tpu.vector_load %arg16[%swap3A_1355, %swap3A_1356] {strides = array<i32>} : memref<128x128xf32, #tpu.memory_space<vmem>>, vector<16xf32>,
        tpu.vector_store %arg16[%swap3A_1355, %swap3A_1356], %mul3A_1350 {strides = array<i32>} : memref<128x128xf32, #tpu.memory_space<vmem>>, vector<16xf32>,
        %mul3A_1358 = arith.constant 16 : i32
        %mul3A_1359 = arith.muli %scan3A_167, %mul3A_1358 : i32
        %add3A_1360 = arith.constant 9 : i32
        %add3A_1361 = arith.addi %mul3A_1359, %add3A_1360 : i32
        %get3A_1362 = arith.index_cast %add3A_1361 : i32 to index
        %get3A_1363 = arith.constant 16 : index
        %get3A_1364 = tpu.vector_load %arg16[%get3A_1362, %get3A_1363] {strides = array<i32>} : memref<128x128xf32, #tpu.memory_space<vmem>>, vector<16xf32>,
        %mul3A_1365 = vector.broadcast %squeeze3A_1341 : f32 to vector<16xf32>
        %mul3A_1366 = arith.mulf %get3A_1364, %mul3A_1365 : vector<16xf32>
        %mul3A_1367 = arith.constant 16 : i32
        %mul3A_1368 = arith.muli %scan3A_167, %mul3A_1367 : i32
        %add3A_1369 = arith.constant 9 : i32
        %add3A_1370 = arith.addi %mul3A_1368, %add3A_1369 : i32
        %swap3A_1371 = arith.index_cast %add3A_1370 : i32 to index
        %swap3A_1372 = arith.constant 16 : index
        %swap3A_1373 = tpu.vector_load %arg16[%swap3A_1371, %swap3A_1372] {strides = array<i32>} : memref<128x128xf32, #tpu.memory_space<vmem>>, vector<16xf32>,
        tpu.vector_store %arg16[%swap3A_1371, %swap3A_1372], %mul3A_1366 {strides = array<i32>} : memref<128x128xf32, #tpu.memory_space<vmem>>, vector<16xf32>,
        %mul3A_1374 = arith.constant 16 : i32
        %mul3A_1375 = arith.muli %scan3A_167, %mul3A_1374 : i32
        %add3A_1376 = arith.constant 9 : i32
        %add3A_1377 = arith.addi %mul3A_1375, %add3A_1376 : i32
        %get3A_1378 = arith.index_cast %add3A_1377 : i32 to index
        %get3A_1379 = arith.constant 32 : index
        %get3A_1380 = tpu.vector_load %arg16[%get3A_1378, %get3A_1379] {strides = array<i32>} : memref<128x128xf32, #tpu.memory_space<vmem>>, vector<16xf32>,
        %mul3A_1381 = vector.broadcast %squeeze3A_1341 : f32 to vector<16xf32>
        %mul3A_1382 = arith.mulf %get3A_1380, %mul3A_1381 : vector<16xf32>
        %mul3A_1383 = arith.constant 16 : i32
        %mul3A_1384 = arith.muli %scan3A_167, %mul3A_1383 : i32
        %add3A_1385 = arith.constant 9 : i32
        %add3A_1386 = arith.addi %mul3A_1384, %add3A_1385 : i32
        %swap3A_1387 = arith.index_cast %add3A_1386 : i32 to index
        %swap3A_1388 = arith.constant 32 : index
        %swap3A_1389 = tpu.vector_load %arg16[%swap3A_1387, %swap3A_1388] {strides = array<i32>} : memref<128x128xf32, #tpu.memory_space<vmem>>, vector<16xf32>,
        tpu.vector_store %arg16[%swap3A_1387, %swap3A_1388], %mul3A_1382 {strides = array<i32>} : memref<128x128xf32, #tpu.memory_space<vmem>>, vector<16xf32>,
        %mul3A_1390 = arith.constant 16 : i32
        %mul3A_1391 = arith.muli %scan3A_167, %mul3A_1390 : i32
        %add3A_1392 = arith.constant 9 : i32
        %add3A_1393 = arith.addi %mul3A_1391, %add3A_1392 : i32
        %get3A_1394 = arith.index_cast %add3A_1393 : i32 to index
        %get3A_1395 = arith.constant 48 : index
        %get3A_1396 = tpu.vector_load %arg16[%get3A_1394, %get3A_1395] {strides = array<i32>} : memref<128x128xf32, #tpu.memory_space<vmem>>, vector<16xf32>,
        %mul3A_1397 = vector.broadcast %squeeze3A_1341 : f32 to vector<16xf32>
        %mul3A_1398 = arith.mulf %get3A_1396, %mul3A_1397 : vector<16xf32>
        %mul3A_1399 = arith.constant 16 : i32
        %mul3A_1400 = arith.muli %scan3A_167, %mul3A_1399 : i32
        %add3A_1401 = arith.constant 9 : i32
        %add3A_1402 = arith.addi %mul3A_1400, %add3A_1401 : i32
        %swap3A_1403 = arith.index_cast %add3A_1402 : i32 to index
        %swap3A_1404 = arith.constant 48 : index
        %swap3A_1405 = tpu.vector_load %arg16[%swap3A_1403, %swap3A_1404] {strides = array<i32>} : memref<128x128xf32, #tpu.memory_space<vmem>>, vector<16xf32>,
        tpu.vector_store %arg16[%swap3A_1403, %swap3A_1404], %mul3A_1398 {strides = array<i32>} : memref<128x128xf32, #tpu.memory_space<vmem>>, vector<16xf32>,
        %mul3A_1406 = arith.constant 16 : i32
        %mul3A_1407 = arith.muli %scan3A_167, %mul3A_1406 : i32
        %add3A_1408 = arith.constant 9 : i32
        %add3A_1409 = arith.addi %mul3A_1407, %add3A_1408 : i32
        %get3A_1410 = arith.index_cast %add3A_1409 : i32 to index
        %get3A_1411 = arith.constant 64 : index
        %get3A_1412 = tpu.vector_load %arg16[%get3A_1410, %get3A_1411] {strides = array<i32>} : memref<128x128xf32, #tpu.memory_space<vmem>>, vector<16xf32>,
        %mul3A_1413 = vector.broadcast %squeeze3A_1341 : f32 to vector<16xf32>
        %mul3A_1414 = arith.mulf %get3A_1412, %mul3A_1413 : vector<16xf32>
        %mul3A_1415 = arith.constant 16 : i32
        %mul3A_1416 = arith.muli %scan3A_167, %mul3A_1415 : i32
        %add3A_1417 = arith.constant 9 : i32
        %add3A_1418 = arith.addi %mul3A_1416, %add3A_1417 : i32
        %swap3A_1419 = arith.index_cast %add3A_1418 : i32 to index
        %swap3A_1420 = arith.constant 64 : index
        %swap3A_1421 = tpu.vector_load %arg16[%swap3A_1419, %swap3A_1420] {strides = array<i32>} : memref<128x128xf32, #tpu.memory_space<vmem>>, vector<16xf32>,
        tpu.vector_store %arg16[%swap3A_1419, %swap3A_1420], %mul3A_1414 {strides = array<i32>} : memref<128x128xf32, #tpu.memory_space<vmem>>, vector<16xf32>,
        %mul3A_1422 = arith.constant 16 : i32
        %mul3A_1423 = arith.muli %scan3A_167, %mul3A_1422 : i32
        %add3A_1424 = arith.constant 9 : i32
        %add3A_1425 = arith.addi %mul3A_1423, %add3A_1424 : i32
        %get3A_1426 = arith.index_cast %add3A_1425 : i32 to index
        %get3A_1427 = arith.constant 80 : index
        %get3A_1428 = tpu.vector_load %arg16[%get3A_1426, %get3A_1427] {strides = array<i32>} : memref<128x128xf32, #tpu.memory_space<vmem>>, vector<16xf32>,
        %mul3A_1429 = vector.broadcast %squeeze3A_1341 : f32 to vector<16xf32>
        %mul3A_1430 = arith.mulf %get3A_1428, %mul3A_1429 : vector<16xf32>
        %mul3A_1431 = arith.constant 16 : i32
        %mul3A_1432 = arith.muli %scan3A_167, %mul3A_1431 : i32
        %add3A_1433 = arith.constant 9 : i32
        %add3A_1434 = arith.addi %mul3A_1432, %add3A_1433 : i32
        %swap3A_1435 = arith.index_cast %add3A_1434 : i32 to index
        %swap3A_1436 = arith.constant 80 : index
        %swap3A_1437 = tpu.vector_load %arg16[%swap3A_1435, %swap3A_1436] {strides = array<i32>} : memref<128x128xf32, #tpu.memory_space<vmem>>, vector<16xf32>,
        tpu.vector_store %arg16[%swap3A_1435, %swap3A_1436], %mul3A_1430 {strides = array<i32>} : memref<128x128xf32, #tpu.memory_space<vmem>>, vector<16xf32>,
        %mul3A_1438 = arith.constant 16 : i32
        %mul3A_1439 = arith.muli %scan3A_167, %mul3A_1438 : i32
        %add3A_1440 = arith.constant 9 : i32
        %add3A_1441 = arith.addi %mul3A_1439, %add3A_1440 : i32
        %get3A_1442 = arith.index_cast %add3A_1441 : i32 to index
        %get3A_1443 = arith.constant 96 : index
        %get3A_1444 = tpu.vector_load %arg16[%get3A_1442, %get3A_1443] {strides = array<i32>} : memref<128x128xf32, #tpu.memory_space<vmem>>, vector<16xf32>,
        %mul3A_1445 = vector.broadcast %squeeze3A_1341 : f32 to vector<16xf32>
        %mul3A_1446 = arith.mulf %get3A_1444, %mul3A_1445 : vector<16xf32>
        %mul3A_1447 = arith.constant 16 : i32
        %mul3A_1448 = arith.muli %scan3A_167, %mul3A_1447 : i32
        %add3A_1449 = arith.constant 9 : i32
        %add3A_1450 = arith.addi %mul3A_1448, %add3A_1449 : i32
        %swap3A_1451 = arith.index_cast %add3A_1450 : i32 to index
        %swap3A_1452 = arith.constant 96 : index
        %swap3A_1453 = tpu.vector_load %arg16[%swap3A_1451, %swap3A_1452] {strides = array<i32>} : memref<128x128xf32, #tpu.memory_space<vmem>>, vector<16xf32>,
        tpu.vector_store %arg16[%swap3A_1451, %swap3A_1452], %mul3A_1446 {strides = array<i32>} : memref<128x128xf32, #tpu.memory_space<vmem>>, vector<16xf32>,
        %mul3A_1454 = arith.constant 16 : i32
        %mul3A_1455 = arith.muli %scan3A_167, %mul3A_1454 : i32
        %add3A_1456 = arith.constant 9 : i32
        %add3A_1457 = arith.addi %mul3A_1455, %add3A_1456 : i32
        %get3A_1458 = arith.index_cast %add3A_1457 : i32 to index
        %get3A_1459 = arith.constant 112 : index
        %get3A_1460 = tpu.vector_load %arg16[%get3A_1458, %get3A_1459] {strides = array<i32>} : memref<128x128xf32, #tpu.memory_space<vmem>>, vector<16xf32>,
        %mul3A_1461 = vector.broadcast %squeeze3A_1341 : f32 to vector<16xf32>
        %mul3A_1462 = arith.mulf %get3A_1460, %mul3A_1461 : vector<16xf32>
        %mul3A_1463 = arith.constant 16 : i32
        %mul3A_1464 = arith.muli %scan3A_167, %mul3A_1463 : i32
        %add3A_1465 = arith.constant 9 : i32
        %add3A_1466 = arith.addi %mul3A_1464, %add3A_1465 : i32
        %swap3A_1467 = arith.index_cast %add3A_1466 : i32 to index
        %swap3A_1468 = arith.constant 112 : index
        %swap3A_1469 = tpu.vector_load %arg16[%swap3A_1467, %swap3A_1468] {strides = array<i32>} : memref<128x128xf32, #tpu.memory_space<vmem>>, vector<16xf32>,
        tpu.vector_store %arg16[%swap3A_1467, %swap3A_1468], %mul3A_1462 {strides = array<i32>} : memref<128x128xf32, #tpu.memory_space<vmem>>, vector<16xf32>,
        %slice3A_1470 = vector.extract_strided_slice %get3A_171 {offsets = [10], sizes = [1], strides = [1]} : vector<16xf32> to vector<1xf32>
        %squeeze3A_1471 = vector.extract %slice3A_1470[0] : f32 from vector<1xf32>
        %mul3A_1472 = arith.constant 16 : i32
        %mul3A_1473 = arith.muli %scan3A_167, %mul3A_1472 : i32
        %add3A_1474 = arith.constant 10 : i32
        %add3A_1475 = arith.addi %mul3A_1473, %add3A_1474 : i32
        %get3A_1476 = arith.index_cast %add3A_1475 : i32 to index
        %get3A_1477 = arith.constant 0 : index
        %get3A_1478 = tpu.vector_load %arg16[%get3A_1476, %get3A_1477] {strides = array<i32>} : memref<128x128xf32, #tpu.memory_space<vmem>>, vector<16xf32>,
        %mul3A_1479 = vector.broadcast %squeeze3A_1471 : f32 to vector<16xf32>
        %mul3A_1480 = arith.mulf %get3A_1478, %mul3A_1479 : vector<16xf32>
        %mul3A_1481 = arith.constant 16 : i32
        %mul3A_1482 = arith.muli %scan3A_167, %mul3A_1481 : i32
        %add3A_1483 = arith.constant 10 : i32
        %add3A_1484 = arith.addi %mul3A_1482, %add3A_1483 : i32
        %swap3A_1485 = arith.index_cast %add3A_1484 : i32 to index
        %swap3A_1486 = arith.constant 0 : index
        %swap3A_1487 = tpu.vector_load %arg16[%swap3A_1485, %swap3A_1486] {strides = array<i32>} : memref<128x128xf32, #tpu.memory_space<vmem>>, vector<16xf32>,
        tpu.vector_store %arg16[%swap3A_1485, %swap3A_1486], %mul3A_1480 {strides = array<i32>} : memref<128x128xf32, #tpu.memory_space<vmem>>, vector<16xf32>,
        %mul3A_1488 = arith.constant 16 : i32
        %mul3A_1489 = arith.muli %scan3A_167, %mul3A_1488 : i32
        %add3A_1490 = arith.constant 10 : i32
        %add3A_1491 = arith.addi %mul3A_1489, %add3A_1490 : i32
        %get3A_1492 = arith.index_cast %add3A_1491 : i32 to index
        %get3A_1493 = arith.constant 16 : index
        %get3A_1494 = tpu.vector_load %arg16[%get3A_1492, %get3A_1493] {strides = array<i32>} : memref<128x128xf32, #tpu.memory_space<vmem>>, vector<16xf32>,
        %mul3A_1495 = vector.broadcast %squeeze3A_1471 : f32 to vector<16xf32>
        %mul3A_1496 = arith.mulf %get3A_1494, %mul3A_1495 : vector<16xf32>
        %mul3A_1497 = arith.constant 16 : i32
        %mul3A_1498 = arith.muli %scan3A_167, %mul3A_1497 : i32
        %add3A_1499 = arith.constant 10 : i32
        %add3A_1500 = arith.addi %mul3A_1498, %add3A_1499 : i32
        %swap3A_1501 = arith.index_cast %add3A_1500 : i32 to index
        %swap3A_1502 = arith.constant 16 : index
        %swap3A_1503 = tpu.vector_load %arg16[%swap3A_1501, %swap3A_1502] {strides = array<i32>} : memref<128x128xf32, #tpu.memory_space<vmem>>, vector<16xf32>,
        tpu.vector_store %arg16[%swap3A_1501, %swap3A_1502], %mul3A_1496 {strides = array<i32>} : memref<128x128xf32, #tpu.memory_space<vmem>>, vector<16xf32>,
        %mul3A_1504 = arith.constant 16 : i32
        %mul3A_1505 = arith.muli %scan3A_167, %mul3A_1504 : i32
        %add3A_1506 = arith.constant 10 : i32
        %add3A_1507 = arith.addi %mul3A_1505, %add3A_1506 : i32
        %get3A_1508 = arith.index_cast %add3A_1507 : i32 to index
        %get3A_1509 = arith.constant 32 : index
        %get3A_1510 = tpu.vector_load %arg16[%get3A_1508, %get3A_1509] {strides = array<i32>} : memref<128x128xf32, #tpu.memory_space<vmem>>, vector<16xf32>,
        %mul3A_1511 = vector.broadcast %squeeze3A_1471 : f32 to vector<16xf32>
        %mul3A_1512 = arith.mulf %get3A_1510, %mul3A_1511 : vector<16xf32>
        %mul3A_1513 = arith.constant 16 : i32
        %mul3A_1514 = arith.muli %scan3A_167, %mul3A_1513 : i32
        %add3A_1515 = arith.constant 10 : i32
        %add3A_1516 = arith.addi %mul3A_1514, %add3A_1515 : i32
        %swap3A_1517 = arith.index_cast %add3A_1516 : i32 to index
        %swap3A_1518 = arith.constant 32 : index
        %swap3A_1519 = tpu.vector_load %arg16[%swap3A_1517, %swap3A_1518] {strides = array<i32>} : memref<128x128xf32, #tpu.memory_space<vmem>>, vector<16xf32>,
        tpu.vector_store %arg16[%swap3A_1517, %swap3A_1518], %mul3A_1512 {strides = array<i32>} : memref<128x128xf32, #tpu.memory_space<vmem>>, vector<16xf32>,
        %mul3A_1520 = arith.constant 16 : i32
        %mul3A_1521 = arith.muli %scan3A_167, %mul3A_1520 : i32
        %add3A_1522 = arith.constant 10 : i32
        %add3A_1523 = arith.addi %mul3A_1521, %add3A_1522 : i32
        %get3A_1524 = arith.index_cast %add3A_1523 : i32 to index
        %get3A_1525 = arith.constant 48 : index
        %get3A_1526 = tpu.vector_load %arg16[%get3A_1524, %get3A_1525] {strides = array<i32>} : memref<128x128xf32, #tpu.memory_space<vmem>>, vector<16xf32>,
        %mul3A_1527 = vector.broadcast %squeeze3A_1471 : f32 to vector<16xf32>
        %mul3A_1528 = arith.mulf %get3A_1526, %mul3A_1527 : vector<16xf32>
        %mul3A_1529 = arith.constant 16 : i32
        %mul3A_1530 = arith.muli %scan3A_167, %mul3A_1529 : i32
        %add3A_1531 = arith.constant 10 : i32
        %add3A_1532 = arith.addi %mul3A_1530, %add3A_1531 : i32
        %swap3A_1533 = arith.index_cast %add3A_1532 : i32 to index
        %swap3A_1534 = arith.constant 48 : index
        %swap3A_1535 = tpu.vector_load %arg16[%swap3A_1533, %swap3A_1534] {strides = array<i32>} : memref<128x128xf32, #tpu.memory_space<vmem>>, vector<16xf32>,
        tpu.vector_store %arg16[%swap3A_1533, %swap3A_1534], %mul3A_1528 {strides = array<i32>} : memref<128x128xf32, #tpu.memory_space<vmem>>, vector<16xf32>,
        %mul3A_1536 = arith.constant 16 : i32
        %mul3A_1537 = arith.muli %scan3A_167, %mul3A_1536 : i32
        %add3A_1538 = arith.constant 10 : i32
        %add3A_1539 = arith.addi %mul3A_1537, %add3A_1538 : i32
        %get3A_1540 = arith.index_cast %add3A_1539 : i32 to index
        %get3A_1541 = arith.constant 64 : index
        %get3A_1542 = tpu.vector_load %arg16[%get3A_1540, %get3A_1541] {strides = array<i32>} : memref<128x128xf32, #tpu.memory_space<vmem>>, vector<16xf32>,
        %mul3A_1543 = vector.broadcast %squeeze3A_1471 : f32 to vector<16xf32>
        %mul3A_1544 = arith.mulf %get3A_1542, %mul3A_1543 : vector<16xf32>
        %mul3A_1545 = arith.constant 16 : i32
        %mul3A_1546 = arith.muli %scan3A_167, %mul3A_1545 : i32
        %add3A_1547 = arith.constant 10 : i32
        %add3A_1548 = arith.addi %mul3A_1546, %add3A_1547 : i32
        %swap3A_1549 = arith.index_cast %add3A_1548 : i32 to index
        %swap3A_1550 = arith.constant 64 : index
        %swap3A_1551 = tpu.vector_load %arg16[%swap3A_1549, %swap3A_1550] {strides = array<i32>} : memref<128x128xf32, #tpu.memory_space<vmem>>, vector<16xf32>,
        tpu.vector_store %arg16[%swap3A_1549, %swap3A_1550], %mul3A_1544 {strides = array<i32>} : memref<128x128xf32, #tpu.memory_space<vmem>>, vector<16xf32>,
        %mul3A_1552 = arith.constant 16 : i32
        %mul3A_1553 = arith.muli %scan3A_167, %mul3A_1552 : i32
        %add3A_1554 = arith.constant 10 : i32
        %add3A_1555 = arith.addi %mul3A_1553, %add3A_1554 : i32
        %get3A_1556 = arith.index_cast %add3A_1555 : i32 to index
        %get3A_1557 = arith.constant 80 : index
        %get3A_1558 = tpu.vector_load %arg16[%get3A_1556, %get3A_1557] {strides = array<i32>} : memref<128x128xf32, #tpu.memory_space<vmem>>, vector<16xf32>,
        %mul3A_1559 = vector.broadcast %squeeze3A_1471 : f32 to vector<16xf32>
        %mul3A_1560 = arith.mulf %get3A_1558, %mul3A_1559 : vector<16xf32>
        %mul3A_1561 = arith.constant 16 : i32
        %mul3A_1562 = arith.muli %scan3A_167, %mul3A_1561 : i32
        %add3A_1563 = arith.constant 10 : i32
        %add3A_1564 = arith.addi %mul3A_1562, %add3A_1563 : i32
        %swap3A_1565 = arith.index_cast %add3A_1564 : i32 to index
        %swap3A_1566 = arith.constant 80 : index
        %swap3A_1567 = tpu.vector_load %arg16[%swap3A_1565, %swap3A_1566] {strides = array<i32>} : memref<128x128xf32, #tpu.memory_space<vmem>>, vector<16xf32>,
        tpu.vector_store %arg16[%swap3A_1565, %swap3A_1566], %mul3A_1560 {strides = array<i32>} : memref<128x128xf32, #tpu.memory_space<vmem>>, vector<16xf32>,
        %mul3A_1568 = arith.constant 16 : i32
        %mul3A_1569 = arith.muli %scan3A_167, %mul3A_1568 : i32
        %add3A_1570 = arith.constant 10 : i32
        %add3A_1571 = arith.addi %mul3A_1569, %add3A_1570 : i32
        %get3A_1572 = arith.index_cast %add3A_1571 : i32 to index
        %get3A_1573 = arith.constant 96 : index
        %get3A_1574 = tpu.vector_load %arg16[%get3A_1572, %get3A_1573] {strides = array<i32>} : memref<128x128xf32, #tpu.memory_space<vmem>>, vector<16xf32>,
        %mul3A_1575 = vector.broadcast %squeeze3A_1471 : f32 to vector<16xf32>
        %mul3A_1576 = arith.mulf %get3A_1574, %mul3A_1575 : vector<16xf32>
        %mul3A_1577 = arith.constant 16 : i32
        %mul3A_1578 = arith.muli %scan3A_167, %mul3A_1577 : i32
        %add3A_1579 = arith.constant 10 : i32
        %add3A_1580 = arith.addi %mul3A_1578, %add3A_1579 : i32
        %swap3A_1581 = arith.index_cast %add3A_1580 : i32 to index
        %swap3A_1582 = arith.constant 96 : index
        %swap3A_1583 = tpu.vector_load %arg16[%swap3A_1581, %swap3A_1582] {strides = array<i32>} : memref<128x128xf32, #tpu.memory_space<vmem>>, vector<16xf32>,
        tpu.vector_store %arg16[%swap3A_1581, %swap3A_1582], %mul3A_1576 {strides = array<i32>} : memref<128x128xf32, #tpu.memory_space<vmem>>, vector<16xf32>,
        %mul3A_1584 = arith.constant 16 : i32
        %mul3A_1585 = arith.muli %scan3A_167, %mul3A_1584 : i32
        %add3A_1586 = arith.constant 10 : i32
        %add3A_1587 = arith.addi %mul3A_1585, %add3A_1586 : i32
        %get3A_1588 = arith.index_cast %add3A_1587 : i32 to index
        %get3A_1589 = arith.constant 112 : index
        %get3A_1590 = tpu.vector_load %arg16[%get3A_1588, %get3A_1589] {strides = array<i32>} : memref<128x128xf32, #tpu.memory_space<vmem>>, vector<16xf32>,
        %mul3A_1591 = vector.broadcast %squeeze3A_1471 : f32 to vector<16xf32>
        %mul3A_1592 = arith.mulf %get3A_1590, %mul3A_1591 : vector<16xf32>
        %mul3A_1593 = arith.constant 16 : i32
        %mul3A_1594 = arith.muli %scan3A_167, %mul3A_1593 : i32
        %add3A_1595 = arith.constant 10 : i32
        %add3A_1596 = arith.addi %mul3A_1594, %add3A_1595 : i32
        %swap3A_1597 = arith.index_cast %add3A_1596 : i32 to index
        %swap3A_1598 = arith.constant 112 : index
        %swap3A_1599 = tpu.vector_load %arg16[%swap3A_1597, %swap3A_1598] {strides = array<i32>} : memref<128x128xf32, #tpu.memory_space<vmem>>, vector<16xf32>,
        tpu.vector_store %arg16[%swap3A_1597, %swap3A_1598], %mul3A_1592 {strides = array<i32>} : memref<128x128xf32, #tpu.memory_space<vmem>>, vector<16xf32>,
        %slice3A_1600 = vector.extract_strided_slice %get3A_171 {offsets = [11], sizes = [1], strides = [1]} : vector<16xf32> to vector<1xf32>
        %squeeze3A_1601 = vector.extract %slice3A_1600[0] : f32 from vector<1xf32>
        %mul3A_1602 = arith.constant 16 : i32
        %mul3A_1603 = arith.muli %scan3A_167, %mul3A_1602 : i32
        %add3A_1604 = arith.constant 11 : i32
        %add3A_1605 = arith.addi %mul3A_1603, %add3A_1604 : i32
        %get3A_1606 = arith.index_cast %add3A_1605 : i32 to index
        %get3A_1607 = arith.constant 0 : index
        %get3A_1608 = tpu.vector_load %arg16[%get3A_1606, %get3A_1607] {strides = array<i32>} : memref<128x128xf32, #tpu.memory_space<vmem>>, vector<16xf32>,
        %mul3A_1609 = vector.broadcast %squeeze3A_1601 : f32 to vector<16xf32>
        %mul3A_1610 = arith.mulf %get3A_1608, %mul3A_1609 : vector<16xf32>
        %mul3A_1611 = arith.constant 16 : i32
        %mul3A_1612 = arith.muli %scan3A_167, %mul3A_1611 : i32
        %add3A_1613 = arith.constant 11 : i32
        %add3A_1614 = arith.addi %mul3A_1612, %add3A_1613 : i32
        %swap3A_1615 = arith.index_cast %add3A_1614 : i32 to index
        %swap3A_1616 = arith.constant 0 : index
        %swap3A_1617 = tpu.vector_load %arg16[%swap3A_1615, %swap3A_1616] {strides = array<i32>} : memref<128x128xf32, #tpu.memory_space<vmem>>, vector<16xf32>,
        tpu.vector_store %arg16[%swap3A_1615, %swap3A_1616], %mul3A_1610 {strides = array<i32>} : memref<128x128xf32, #tpu.memory_space<vmem>>, vector<16xf32>,
        %mul3A_1618 = arith.constant 16 : i32
        %mul3A_1619 = arith.muli %scan3A_167, %mul3A_1618 : i32
        %add3A_1620 = arith.constant 11 : i32
        %add3A_1621 = arith.addi %mul3A_1619, %add3A_1620 : i32
        %get3A_1622 = arith.index_cast %add3A_1621 : i32 to index
        %get3A_1623 = arith.constant 16 : index
        %get3A_1624 = tpu.vector_load %arg16[%get3A_1622, %get3A_1623] {strides = array<i32>} : memref<128x128xf32, #tpu.memory_space<vmem>>, vector<16xf32>,
        %mul3A_1625 = vector.broadcast %squeeze3A_1601 : f32 to vector<16xf32>
        %mul3A_1626 = arith.mulf %get3A_1624, %mul3A_1625 : vector<16xf32>
        %mul3A_1627 = arith.constant 16 : i32
        %mul3A_1628 = arith.muli %scan3A_167, %mul3A_1627 : i32
        %add3A_1629 = arith.constant 11 : i32
        %add3A_1630 = arith.addi %mul3A_1628, %add3A_1629 : i32
        %swap3A_1631 = arith.index_cast %add3A_1630 : i32 to index
        %swap3A_1632 = arith.constant 16 : index
        %swap3A_1633 = tpu.vector_load %arg16[%swap3A_1631, %swap3A_1632] {strides = array<i32>} : memref<128x128xf32, #tpu.memory_space<vmem>>, vector<16xf32>,
        tpu.vector_store %arg16[%swap3A_1631, %swap3A_1632], %mul3A_1626 {strides = array<i32>} : memref<128x128xf32, #tpu.memory_space<vmem>>, vector<16xf32>,
        %mul3A_1634 = arith.constant 16 : i32
        %mul3A_1635 = arith.muli %scan3A_167, %mul3A_1634 : i32
        %add3A_1636 = arith.constant 11 : i32
        %add3A_1637 = arith.addi %mul3A_1635, %add3A_1636 : i32
        %get3A_1638 = arith.index_cast %add3A_1637 : i32 to index
        %get3A_1639 = arith.constant 32 : index
        %get3A_1640 = tpu.vector_load %arg16[%get3A_1638, %get3A_1639] {strides = array<i32>} : memref<128x128xf32, #tpu.memory_space<vmem>>, vector<16xf32>,
        %mul3A_1641 = vector.broadcast %squeeze3A_1601 : f32 to vector<16xf32>
        %mul3A_1642 = arith.mulf %get3A_1640, %mul3A_1641 : vector<16xf32>
        %mul3A_1643 = arith.constant 16 : i32
        %mul3A_1644 = arith.muli %scan3A_167, %mul3A_1643 : i32
        %add3A_1645 = arith.constant 11 : i32
        %add3A_1646 = arith.addi %mul3A_1644, %add3A_1645 : i32
        %swap3A_1647 = arith.index_cast %add3A_1646 : i32 to index
        %swap3A_1648 = arith.constant 32 : index
        %swap3A_1649 = tpu.vector_load %arg16[%swap3A_1647, %swap3A_1648] {strides = array<i32>} : memref<128x128xf32, #tpu.memory_space<vmem>>, vector<16xf32>,
        tpu.vector_store %arg16[%swap3A_1647, %swap3A_1648], %mul3A_1642 {strides = array<i32>} : memref<128x128xf32, #tpu.memory_space<vmem>>, vector<16xf32>,
        %mul3A_1650 = arith.constant 16 : i32
        %mul3A_1651 = arith.muli %scan3A_167, %mul3A_1650 : i32
        %add3A_1652 = arith.constant 11 : i32
        %add3A_1653 = arith.addi %mul3A_1651, %add3A_1652 : i32
        %get3A_1654 = arith.index_cast %add3A_1653 : i32 to index
        %get3A_1655 = arith.constant 48 : index
        %get3A_1656 = tpu.vector_load %arg16[%get3A_1654, %get3A_1655] {strides = array<i32>} : memref<128x128xf32, #tpu.memory_space<vmem>>, vector<16xf32>,
        %mul3A_1657 = vector.broadcast %squeeze3A_1601 : f32 to vector<16xf32>
        %mul3A_1658 = arith.mulf %get3A_1656, %mul3A_1657 : vector<16xf32>
        %mul3A_1659 = arith.constant 16 : i32
        %mul3A_1660 = arith.muli %scan3A_167, %mul3A_1659 : i32
        %add3A_1661 = arith.constant 11 : i32
        %add3A_1662 = arith.addi %mul3A_1660, %add3A_1661 : i32
        %swap3A_1663 = arith.index_cast %add3A_1662 : i32 to index
        %swap3A_1664 = arith.constant 48 : index
        %swap3A_1665 = tpu.vector_load %arg16[%swap3A_1663, %swap3A_1664] {strides = array<i32>} : memref<128x128xf32, #tpu.memory_space<vmem>>, vector<16xf32>,
        tpu.vector_store %arg16[%swap3A_1663, %swap3A_1664], %mul3A_1658 {strides = array<i32>} : memref<128x128xf32, #tpu.memory_space<vmem>>, vector<16xf32>,
        %mul3A_1666 = arith.constant 16 : i32
        %mul3A_1667 = arith.muli %scan3A_167, %mul3A_1666 : i32
        %add3A_1668 = arith.constant 11 : i32
        %add3A_1669 = arith.addi %mul3A_1667, %add3A_1668 : i32
        %get3A_1670 = arith.index_cast %add3A_1669 : i32 to index
        %get3A_1671 = arith.constant 64 : index
        %get3A_1672 = tpu.vector_load %arg16[%get3A_1670, %get3A_1671] {strides = array<i32>} : memref<128x128xf32, #tpu.memory_space<vmem>>, vector<16xf32>,
        %mul3A_1673 = vector.broadcast %squeeze3A_1601 : f32 to vector<16xf32>
        %mul3A_1674 = arith.mulf %get3A_1672, %mul3A_1673 : vector<16xf32>
        %mul3A_1675 = arith.constant 16 : i32
        %mul3A_1676 = arith.muli %scan3A_167, %mul3A_1675 : i32
        %add3A_1677 = arith.constant 11 : i32
        %add3A_1678 = arith.addi %mul3A_1676, %add3A_1677 : i32
        %swap3A_1679 = arith.index_cast %add3A_1678 : i32 to index
        %swap3A_1680 = arith.constant 64 : index
        %swap3A_1681 = tpu.vector_load %arg16[%swap3A_1679, %swap3A_1680] {strides = array<i32>} : memref<128x128xf32, #tpu.memory_space<vmem>>, vector<16xf32>,
        tpu.vector_store %arg16[%swap3A_1679, %swap3A_1680], %mul3A_1674 {strides = array<i32>} : memref<128x128xf32, #tpu.memory_space<vmem>>, vector<16xf32>,
        %mul3A_1682 = arith.constant 16 : i32
        %mul3A_1683 = arith.muli %scan3A_167, %mul3A_1682 : i32
        %add3A_1684 = arith.constant 11 : i32
        %add3A_1685 = arith.addi %mul3A_1683, %add3A_1684 : i32
        %get3A_1686 = arith.index_cast %add3A_1685 : i32 to index
        %get3A_1687 = arith.constant 80 : index
        %get3A_1688 = tpu.vector_load %arg16[%get3A_1686, %get3A_1687] {strides = array<i32>} : memref<128x128xf32, #tpu.memory_space<vmem>>, vector<16xf32>,
        %mul3A_1689 = vector.broadcast %squeeze3A_1601 : f32 to vector<16xf32>
        %mul3A_1690 = arith.mulf %get3A_1688, %mul3A_1689 : vector<16xf32>
        %mul3A_1691 = arith.constant 16 : i32
        %mul3A_1692 = arith.muli %scan3A_167, %mul3A_1691 : i32
        %add3A_1693 = arith.constant 11 : i32
        %add3A_1694 = arith.addi %mul3A_1692, %add3A_1693 : i32
        %swap3A_1695 = arith.index_cast %add3A_1694 : i32 to index
        %swap3A_1696 = arith.constant 80 : index
        %swap3A_1697 = tpu.vector_load %arg16[%swap3A_1695, %swap3A_1696] {strides = array<i32>} : memref<128x128xf32, #tpu.memory_space<vmem>>, vector<16xf32>,
        tpu.vector_store %arg16[%swap3A_1695, %swap3A_1696], %mul3A_1690 {strides = array<i32>} : memref<128x128xf32, #tpu.memory_space<vmem>>, vector<16xf32>,
        %mul3A_1698 = arith.constant 16 : i32
        %mul3A_1699 = arith.muli %scan3A_167, %mul3A_1698 : i32
        %add3A_1700 = arith.constant 11 : i32
        %add3A_1701 = arith.addi %mul3A_1699, %add3A_1700 : i32
        %get3A_1702 = arith.index_cast %add3A_1701 : i32 to index
        %get3A_1703 = arith.constant 96 : index
        %get3A_1704 = tpu.vector_load %arg16[%get3A_1702, %get3A_1703] {strides = array<i32>} : memref<128x128xf32, #tpu.memory_space<vmem>>, vector<16xf32>,
        %mul3A_1705 = vector.broadcast %squeeze3A_1601 : f32 to vector<16xf32>
        %mul3A_1706 = arith.mulf %get3A_1704, %mul3A_1705 : vector<16xf32>
        %mul3A_1707 = arith.constant 16 : i32
        %mul3A_1708 = arith.muli %scan3A_167, %mul3A_1707 : i32
        %add3A_1709 = arith.constant 11 : i32
        %add3A_1710 = arith.addi %mul3A_1708, %add3A_1709 : i32
        %swap3A_1711 = arith.index_cast %add3A_1710 : i32 to index
        %swap3A_1712 = arith.constant 96 : index
        %swap3A_1713 = tpu.vector_load %arg16[%swap3A_1711, %swap3A_1712] {strides = array<i32>} : memref<128x128xf32, #tpu.memory_space<vmem>>, vector<16xf32>,
        tpu.vector_store %arg16[%swap3A_1711, %swap3A_1712], %mul3A_1706 {strides = array<i32>} : memref<128x128xf32, #tpu.memory_space<vmem>>, vector<16xf32>,
        %mul3A_1714 = arith.constant 16 : i32
        %mul3A_1715 = arith.muli %scan3A_167, %mul3A_1714 : i32
        %add3A_1716 = arith.constant 11 : i32
        %add3A_1717 = arith.addi %mul3A_1715, %add3A_1716 : i32
        %get3A_1718 = arith.index_cast %add3A_1717 : i32 to index
        %get3A_1719 = arith.constant 112 : index
        %get3A_1720 = tpu.vector_load %arg16[%get3A_1718, %get3A_1719] {strides = array<i32>} : memref<128x128xf32, #tpu.memory_space<vmem>>, vector<16xf32>,
        %mul3A_1721 = vector.broadcast %squeeze3A_1601 : f32 to vector<16xf32>
        %mul3A_1722 = arith.mulf %get3A_1720, %mul3A_1721 : vector<16xf32>
        %mul3A_1723 = arith.constant 16 : i32
        %mul3A_1724 = arith.muli %scan3A_167, %mul3A_1723 : i32
        %add3A_1725 = arith.constant 11 : i32
        %add3A_1726 = arith.addi %mul3A_1724, %add3A_1725 : i32
        %swap3A_1727 = arith.index_cast %add3A_1726 : i32 to index
        %swap3A_1728 = arith.constant 112 : index
        %swap3A_1729 = tpu.vector_load %arg16[%swap3A_1727, %swap3A_1728] {strides = array<i32>} : memref<128x128xf32, #tpu.memory_space<vmem>>, vector<16xf32>,
        tpu.vector_store %arg16[%swap3A_1727, %swap3A_1728], %mul3A_1722 {strides = array<i32>} : memref<128x128xf32, #tpu.memory_space<vmem>>, vector<16xf32>,
        %slice3A_1730 = vector.extract_strided_slice %get3A_171 {offsets = [12], sizes = [1], strides = [1]} : vector<16xf32> to vector<1xf32>
        %squeeze3A_1731 = vector.extract %slice3A_1730[0] : f32 from vector<1xf32>
        %mul3A_1732 = arith.constant 16 : i32
        %mul3A_1733 = arith.muli %scan3A_167, %mul3A_1732 : i32
        %add3A_1734 = arith.constant 12 : i32
        %add3A_1735 = arith.addi %mul3A_1733, %add3A_1734 : i32
        %get3A_1736 = arith.index_cast %add3A_1735 : i32 to index
        %get3A_1737 = arith.constant 0 : index
        %get3A_1738 = tpu.vector_load %arg16[%get3A_1736, %get3A_1737] {strides = array<i32>} : memref<128x128xf32, #tpu.memory_space<vmem>>, vector<16xf32>,
        %mul3A_1739 = vector.broadcast %squeeze3A_1731 : f32 to vector<16xf32>
        %mul3A_1740 = arith.mulf %get3A_1738, %mul3A_1739 : vector<16xf32>
        %mul3A_1741 = arith.constant 16 : i32
        %mul3A_1742 = arith.muli %scan3A_167, %mul3A_1741 : i32
        %add3A_1743 = arith.constant 12 : i32
        %add3A_1744 = arith.addi %mul3A_1742, %add3A_1743 : i32
        %swap3A_1745 = arith.index_cast %add3A_1744 : i32 to index
        %swap3A_1746 = arith.constant 0 : index
        %swap3A_1747 = tpu.vector_load %arg16[%swap3A_1745, %swap3A_1746] {strides = array<i32>} : memref<128x128xf32, #tpu.memory_space<vmem>>, vector<16xf32>,
        tpu.vector_store %arg16[%swap3A_1745, %swap3A_1746], %mul3A_1740 {strides = array<i32>} : memref<128x128xf32, #tpu.memory_space<vmem>>, vector<16xf32>,
        %mul3A_1748 = arith.constant 16 : i32
        %mul3A_1749 = arith.muli %scan3A_167, %mul3A_1748 : i32
        %add3A_1750 = arith.constant 12 : i32
        %add3A_1751 = arith.addi %mul3A_1749, %add3A_1750 : i32
        %get3A_1752 = arith.index_cast %add3A_1751 : i32 to index
        %get3A_1753 = arith.constant 16 : index
        %get3A_1754 = tpu.vector_load %arg16[%get3A_1752, %get3A_1753] {strides = array<i32>} : memref<128x128xf32, #tpu.memory_space<vmem>>, vector<16xf32>,
        %mul3A_1755 = vector.broadcast %squeeze3A_1731 : f32 to vector<16xf32>
        %mul3A_1756 = arith.mulf %get3A_1754, %mul3A_1755 : vector<16xf32>
        %mul3A_1757 = arith.constant 16 : i32
        %mul3A_1758 = arith.muli %scan3A_167, %mul3A_1757 : i32
        %add3A_1759 = arith.constant 12 : i32
        %add3A_1760 = arith.addi %mul3A_1758, %add3A_1759 : i32
        %swap3A_1761 = arith.index_cast %add3A_1760 : i32 to index
        %swap3A_1762 = arith.constant 16 : index
        %swap3A_1763 = tpu.vector_load %arg16[%swap3A_1761, %swap3A_1762] {strides = array<i32>} : memref<128x128xf32, #tpu.memory_space<vmem>>, vector<16xf32>,
        tpu.vector_store %arg16[%swap3A_1761, %swap3A_1762], %mul3A_1756 {strides = array<i32>} : memref<128x128xf32, #tpu.memory_space<vmem>>, vector<16xf32>,
        %mul3A_1764 = arith.constant 16 : i32
        %mul3A_1765 = arith.muli %scan3A_167, %mul3A_1764 : i32
        %add3A_1766 = arith.constant 12 : i32
        %add3A_1767 = arith.addi %mul3A_1765, %add3A_1766 : i32
        %get3A_1768 = arith.index_cast %add3A_1767 : i32 to index
        %get3A_1769 = arith.constant 32 : index
        %get3A_1770 = tpu.vector_load %arg16[%get3A_1768, %get3A_1769] {strides = array<i32>} : memref<128x128xf32, #tpu.memory_space<vmem>>, vector<16xf32>,
        %mul3A_1771 = vector.broadcast %squeeze3A_1731 : f32 to vector<16xf32>
        %mul3A_1772 = arith.mulf %get3A_1770, %mul3A_1771 : vector<16xf32>
        %mul3A_1773 = arith.constant 16 : i32
        %mul3A_1774 = arith.muli %scan3A_167, %mul3A_1773 : i32
        %add3A_1775 = arith.constant 12 : i32
        %add3A_1776 = arith.addi %mul3A_1774, %add3A_1775 : i32
        %swap3A_1777 = arith.index_cast %add3A_1776 : i32 to index
        %swap3A_1778 = arith.constant 32 : index
        %swap3A_1779 = tpu.vector_load %arg16[%swap3A_1777, %swap3A_1778] {strides = array<i32>} : memref<128x128xf32, #tpu.memory_space<vmem>>, vector<16xf32>,
        tpu.vector_store %arg16[%swap3A_1777, %swap3A_1778], %mul3A_1772 {strides = array<i32>} : memref<128x128xf32, #tpu.memory_space<vmem>>, vector<16xf32>,
        %mul3A_1780 = arith.constant 16 : i32
        %mul3A_1781 = arith.muli %scan3A_167, %mul3A_1780 : i32
        %add3A_1782 = arith.constant 12 : i32
        %add3A_1783 = arith.addi %mul3A_1781, %add3A_1782 : i32
        %get3A_1784 = arith.index_cast %add3A_1783 : i32 to index
        %get3A_1785 = arith.constant 48 : index
        %get3A_1786 = tpu.vector_load %arg16[%get3A_1784, %get3A_1785] {strides = array<i32>} : memref<128x128xf32, #tpu.memory_space<vmem>>, vector<16xf32>,
        %mul3A_1787 = vector.broadcast %squeeze3A_1731 : f32 to vector<16xf32>
        %mul3A_1788 = arith.mulf %get3A_1786, %mul3A_1787 : vector<16xf32>
        %mul3A_1789 = arith.constant 16 : i32
        %mul3A_1790 = arith.muli %scan3A_167, %mul3A_1789 : i32
        %add3A_1791 = arith.constant 12 : i32
        %add3A_1792 = arith.addi %mul3A_1790, %add3A_1791 : i32
        %swap3A_1793 = arith.index_cast %add3A_1792 : i32 to index
        %swap3A_1794 = arith.constant 48 : index
        %swap3A_1795 = tpu.vector_load %arg16[%swap3A_1793, %swap3A_1794] {strides = array<i32>} : memref<128x128xf32, #tpu.memory_space<vmem>>, vector<16xf32>,
        tpu.vector_store %arg16[%swap3A_1793, %swap3A_1794], %mul3A_1788 {strides = array<i32>} : memref<128x128xf32, #tpu.memory_space<vmem>>, vector<16xf32>,
        %mul3A_1796 = arith.constant 16 : i32
        %mul3A_1797 = arith.muli %scan3A_167, %mul3A_1796 : i32
        %add3A_1798 = arith.constant 12 : i32
        %add3A_1799 = arith.addi %mul3A_1797, %add3A_1798 : i32
        %get3A_1800 = arith.index_cast %add3A_1799 : i32 to index
        %get3A_1801 = arith.constant 64 : index
        %get3A_1802 = tpu.vector_load %arg16[%get3A_1800, %get3A_1801] {strides = array<i32>} : memref<128x128xf32, #tpu.memory_space<vmem>>, vector<16xf32>,
        %mul3A_1803 = vector.broadcast %squeeze3A_1731 : f32 to vector<16xf32>
        %mul3A_1804 = arith.mulf %get3A_1802, %mul3A_1803 : vector<16xf32>
        %mul3A_1805 = arith.constant 16 : i32
        %mul3A_1806 = arith.muli %scan3A_167, %mul3A_1805 : i32
        %add3A_1807 = arith.constant 12 : i32
        %add3A_1808 = arith.addi %mul3A_1806, %add3A_1807 : i32
        %swap3A_1809 = arith.index_cast %add3A_1808 : i32 to index
        %swap3A_1810 = arith.constant 64 : index
        %swap3A_1811 = tpu.vector_load %arg16[%swap3A_1809, %swap3A_1810] {strides = array<i32>} : memref<128x128xf32, #tpu.memory_space<vmem>>, vector<16xf32>,
        tpu.vector_store %arg16[%swap3A_1809, %swap3A_1810], %mul3A_1804 {strides = array<i32>} : memref<128x128xf32, #tpu.memory_space<vmem>>, vector<16xf32>,
        %mul3A_1812 = arith.constant 16 : i32
        %mul3A_1813 = arith.muli %scan3A_167, %mul3A_1812 : i32
        %add3A_1814 = arith.constant 12 : i32
        %add3A_1815 = arith.addi %mul3A_1813, %add3A_1814 : i32
        %get3A_1816 = arith.index_cast %add3A_1815 : i32 to index
        %get3A_1817 = arith.constant 80 : index
        %get3A_1818 = tpu.vector_load %arg16[%get3A_1816, %get3A_1817] {strides = array<i32>} : memref<128x128xf32, #tpu.memory_space<vmem>>, vector<16xf32>,
        %mul3A_1819 = vector.broadcast %squeeze3A_1731 : f32 to vector<16xf32>
        %mul3A_1820 = arith.mulf %get3A_1818, %mul3A_1819 : vector<16xf32>
        %mul3A_1821 = arith.constant 16 : i32
        %mul3A_1822 = arith.muli %scan3A_167, %mul3A_1821 : i32
        %add3A_1823 = arith.constant 12 : i32
        %add3A_1824 = arith.addi %mul3A_1822, %add3A_1823 : i32
        %swap3A_1825 = arith.index_cast %add3A_1824 : i32 to index
        %swap3A_1826 = arith.constant 80 : index
        %swap3A_1827 = tpu.vector_load %arg16[%swap3A_1825, %swap3A_1826] {strides = array<i32>} : memref<128x128xf32, #tpu.memory_space<vmem>>, vector<16xf32>,
        tpu.vector_store %arg16[%swap3A_1825, %swap3A_1826], %mul3A_1820 {strides = array<i32>} : memref<128x128xf32, #tpu.memory_space<vmem>>, vector<16xf32>,
        %mul3A_1828 = arith.constant 16 : i32
        %mul3A_1829 = arith.muli %scan3A_167, %mul3A_1828 : i32
        %add3A_1830 = arith.constant 12 : i32
        %add3A_1831 = arith.addi %mul3A_1829, %add3A_1830 : i32
        %get3A_1832 = arith.index_cast %add3A_1831 : i32 to index
        %get3A_1833 = arith.constant 96 : index
        %get3A_1834 = tpu.vector_load %arg16[%get3A_1832, %get3A_1833] {strides = array<i32>} : memref<128x128xf32, #tpu.memory_space<vmem>>, vector<16xf32>,
        %mul3A_1835 = vector.broadcast %squeeze3A_1731 : f32 to vector<16xf32>
        %mul3A_1836 = arith.mulf %get3A_1834, %mul3A_1835 : vector<16xf32>
        %mul3A_1837 = arith.constant 16 : i32
        %mul3A_1838 = arith.muli %scan3A_167, %mul3A_1837 : i32
        %add3A_1839 = arith.constant 12 : i32
        %add3A_1840 = arith.addi %mul3A_1838, %add3A_1839 : i32
        %swap3A_1841 = arith.index_cast %add3A_1840 : i32 to index
        %swap3A_1842 = arith.constant 96 : index
        %swap3A_1843 = tpu.vector_load %arg16[%swap3A_1841, %swap3A_1842] {strides = array<i32>} : memref<128x128xf32, #tpu.memory_space<vmem>>, vector<16xf32>,
        tpu.vector_store %arg16[%swap3A_1841, %swap3A_1842], %mul3A_1836 {strides = array<i32>} : memref<128x128xf32, #tpu.memory_space<vmem>>, vector<16xf32>,
        %mul3A_1844 = arith.constant 16 : i32
        %mul3A_1845 = arith.muli %scan3A_167, %mul3A_1844 : i32
        %add3A_1846 = arith.constant 12 : i32
        %add3A_1847 = arith.addi %mul3A_1845, %add3A_1846 : i32
        %get3A_1848 = arith.index_cast %add3A_1847 : i32 to index
        %get3A_1849 = arith.constant 112 : index
        %get3A_1850 = tpu.vector_load %arg16[%get3A_1848, %get3A_1849] {strides = array<i32>} : memref<128x128xf32, #tpu.memory_space<vmem>>, vector<16xf32>,
        %mul3A_1851 = vector.broadcast %squeeze3A_1731 : f32 to vector<16xf32>
        %mul3A_1852 = arith.mulf %get3A_1850, %mul3A_1851 : vector<16xf32>
        %mul3A_1853 = arith.constant 16 : i32
        %mul3A_1854 = arith.muli %scan3A_167, %mul3A_1853 : i32
        %add3A_1855 = arith.constant 12 : i32
        %add3A_1856 = arith.addi %mul3A_1854, %add3A_1855 : i32
        %swap3A_1857 = arith.index_cast %add3A_1856 : i32 to index
        %swap3A_1858 = arith.constant 112 : index
        %swap3A_1859 = tpu.vector_load %arg16[%swap3A_1857, %swap3A_1858] {strides = array<i32>} : memref<128x128xf32, #tpu.memory_space<vmem>>, vector<16xf32>,
        tpu.vector_store %arg16[%swap3A_1857, %swap3A_1858], %mul3A_1852 {strides = array<i32>} : memref<128x128xf32, #tpu.memory_space<vmem>>, vector<16xf32>,
        %slice3A_1860 = vector.extract_strided_slice %get3A_171 {offsets = [13], sizes = [1], strides = [1]} : vector<16xf32> to vector<1xf32>
        %squeeze3A_1861 = vector.extract %slice3A_1860[0] : f32 from vector<1xf32>
        %mul3A_1862 = arith.constant 16 : i32
        %mul3A_1863 = arith.muli %scan3A_167, %mul3A_1862 : i32
        %add3A_1864 = arith.constant 13 : i32
        %add3A_1865 = arith.addi %mul3A_1863, %add3A_1864 : i32
        %get3A_1866 = arith.index_cast %add3A_1865 : i32 to index
        %get3A_1867 = arith.constant 0 : index
        %get3A_1868 = tpu.vector_load %arg16[%get3A_1866, %get3A_1867] {strides = array<i32>} : memref<128x128xf32, #tpu.memory_space<vmem>>, vector<16xf32>,
        %mul3A_1869 = vector.broadcast %squeeze3A_1861 : f32 to vector<16xf32>
        %mul3A_1870 = arith.mulf %get3A_1868, %mul3A_1869 : vector<16xf32>
        %mul3A_1871 = arith.constant 16 : i32
        %mul3A_1872 = arith.muli %scan3A_167, %mul3A_1871 : i32
        %add3A_1873 = arith.constant 13 : i32
        %add3A_1874 = arith.addi %mul3A_1872, %add3A_1873 : i32
        %swap3A_1875 = arith.index_cast %add3A_1874 : i32 to index
        %swap3A_1876 = arith.constant 0 : index
        %swap3A_1877 = tpu.vector_load %arg16[%swap3A_1875, %swap3A_1876] {strides = array<i32>} : memref<128x128xf32, #tpu.memory_space<vmem>>, vector<16xf32>,
        tpu.vector_store %arg16[%swap3A_1875, %swap3A_1876], %mul3A_1870 {strides = array<i32>} : memref<128x128xf32, #tpu.memory_space<vmem>>, vector<16xf32>,
        %mul3A_1878 = arith.constant 16 : i32
        %mul3A_1879 = arith.muli %scan3A_167, %mul3A_1878 : i32
        %add3A_1880 = arith.constant 13 : i32
        %add3A_1881 = arith.addi %mul3A_1879, %add3A_1880 : i32
        %get3A_1882 = arith.index_cast %add3A_1881 : i32 to index
        %get3A_1883 = arith.constant 16 : index
        %get3A_1884 = tpu.vector_load %arg16[%get3A_1882, %get3A_1883] {strides = array<i32>} : memref<128x128xf32, #tpu.memory_space<vmem>>, vector<16xf32>,
        %mul3A_1885 = vector.broadcast %squeeze3A_1861 : f32 to vector<16xf32>
        %mul3A_1886 = arith.mulf %get3A_1884, %mul3A_1885 : vector<16xf32>
        %mul3A_1887 = arith.constant 16 : i32
        %mul3A_1888 = arith.muli %scan3A_167, %mul3A_1887 : i32
        %add3A_1889 = arith.constant 13 : i32
        %add3A_1890 = arith.addi %mul3A_1888, %add3A_1889 : i32
        %swap3A_1891 = arith.index_cast %add3A_1890 : i32 to index
        %swap3A_1892 = arith.constant 16 : index
        %swap3A_1893 = tpu.vector_load %arg16[%swap3A_1891, %swap3A_1892] {strides = array<i32>} : memref<128x128xf32, #tpu.memory_space<vmem>>, vector<16xf32>,
        tpu.vector_store %arg16[%swap3A_1891, %swap3A_1892], %mul3A_1886 {strides = array<i32>} : memref<128x128xf32, #tpu.memory_space<vmem>>, vector<16xf32>,
        %mul3A_1894 = arith.constant 16 : i32
        %mul3A_1895 = arith.muli %scan3A_167, %mul3A_1894 : i32
        %add3A_1896 = arith.constant 13 : i32
        %add3A_1897 = arith.addi %mul3A_1895, %add3A_1896 : i32
        %get3A_1898 = arith.index_cast %add3A_1897 : i32 to index
        %get3A_1899 = arith.constant 32 : index
        %get3A_1900 = tpu.vector_load %arg16[%get3A_1898, %get3A_1899] {strides = array<i32>} : memref<128x128xf32, #tpu.memory_space<vmem>>, vector<16xf32>,
        %mul3A_1901 = vector.broadcast %squeeze3A_1861 : f32 to vector<16xf32>
        %mul3A_1902 = arith.mulf %get3A_1900, %mul3A_1901 : vector<16xf32>
        %mul3A_1903 = arith.constant 16 : i32
        %mul3A_1904 = arith.muli %scan3A_167, %mul3A_1903 : i32
        %add3A_1905 = arith.constant 13 : i32
        %add3A_1906 = arith.addi %mul3A_1904, %add3A_1905 : i32
        %swap3A_1907 = arith.index_cast %add3A_1906 : i32 to index
        %swap3A_1908 = arith.constant 32 : index
        %swap3A_1909 = tpu.vector_load %arg16[%swap3A_1907, %swap3A_1908] {strides = array<i32>} : memref<128x128xf32, #tpu.memory_space<vmem>>, vector<16xf32>,
        tpu.vector_store %arg16[%swap3A_1907, %swap3A_1908], %mul3A_1902 {strides = array<i32>} : memref<128x128xf32, #tpu.memory_space<vmem>>, vector<16xf32>,
        %mul3A_1910 = arith.constant 16 : i32
        %mul3A_1911 = arith.muli %scan3A_167, %mul3A_1910 : i32
        %add3A_1912 = arith.constant 13 : i32
        %add3A_1913 = arith.addi %mul3A_1911, %add3A_1912 : i32
        %get3A_1914 = arith.index_cast %add3A_1913 : i32 to index
        %get3A_1915 = arith.constant 48 : index
        %get3A_1916 = tpu.vector_load %arg16[%get3A_1914, %get3A_1915] {strides = array<i32>} : memref<128x128xf32, #tpu.memory_space<vmem>>, vector<16xf32>,
        %mul3A_1917 = vector.broadcast %squeeze3A_1861 : f32 to vector<16xf32>
        %mul3A_1918 = arith.mulf %get3A_1916, %mul3A_1917 : vector<16xf32>
        %mul3A_1919 = arith.constant 16 : i32
        %mul3A_1920 = arith.muli %scan3A_167, %mul3A_1919 : i32
        %add3A_1921 = arith.constant 13 : i32
        %add3A_1922 = arith.addi %mul3A_1920, %add3A_1921 : i32
        %swap3A_1923 = arith.index_cast %add3A_1922 : i32 to index
        %swap3A_1924 = arith.constant 48 : index
        %swap3A_1925 = tpu.vector_load %arg16[%swap3A_1923, %swap3A_1924] {strides = array<i32>} : memref<128x128xf32, #tpu.memory_space<vmem>>, vector<16xf32>,
        tpu.vector_store %arg16[%swap3A_1923, %swap3A_1924], %mul3A_1918 {strides = array<i32>} : memref<128x128xf32, #tpu.memory_space<vmem>>, vector<16xf32>,
        %mul3A_1926 = arith.constant 16 : i32
        %mul3A_1927 = arith.muli %scan3A_167, %mul3A_1926 : i32
        %add3A_1928 = arith.constant 13 : i32
        %add3A_1929 = arith.addi %mul3A_1927, %add3A_1928 : i32
        %get3A_1930 = arith.index_cast %add3A_1929 : i32 to index
        %get3A_1931 = arith.constant 64 : index
        %get3A_1932 = tpu.vector_load %arg16[%get3A_1930, %get3A_1931] {strides = array<i32>} : memref<128x128xf32, #tpu.memory_space<vmem>>, vector<16xf32>,
        %mul3A_1933 = vector.broadcast %squeeze3A_1861 : f32 to vector<16xf32>
        %mul3A_1934 = arith.mulf %get3A_1932, %mul3A_1933 : vector<16xf32>
        %mul3A_1935 = arith.constant 16 : i32
        %mul3A_1936 = arith.muli %scan3A_167, %mul3A_1935 : i32
        %add3A_1937 = arith.constant 13 : i32
        %add3A_1938 = arith.addi %mul3A_1936, %add3A_1937 : i32
        %swap3A_1939 = arith.index_cast %add3A_1938 : i32 to index
        %swap3A_1940 = arith.constant 64 : index
        %swap3A_1941 = tpu.vector_load %arg16[%swap3A_1939, %swap3A_1940] {strides = array<i32>} : memref<128x128xf32, #tpu.memory_space<vmem>>, vector<16xf32>,
        tpu.vector_store %arg16[%swap3A_1939, %swap3A_1940], %mul3A_1934 {strides = array<i32>} : memref<128x128xf32, #tpu.memory_space<vmem>>, vector<16xf32>,
        %mul3A_1942 = arith.constant 16 : i32
        %mul3A_1943 = arith.muli %scan3A_167, %mul3A_1942 : i32
        %add3A_1944 = arith.constant 13 : i32
        %add3A_1945 = arith.addi %mul3A_1943, %add3A_1944 : i32
        %get3A_1946 = arith.index_cast %add3A_1945 : i32 to index
        %get3A_1947 = arith.constant 80 : index
        %get3A_1948 = tpu.vector_load %arg16[%get3A_1946, %get3A_1947] {strides = array<i32>} : memref<128x128xf32, #tpu.memory_space<vmem>>, vector<16xf32>,
        %mul3A_1949 = vector.broadcast %squeeze3A_1861 : f32 to vector<16xf32>
        %mul3A_1950 = arith.mulf %get3A_1948, %mul3A_1949 : vector<16xf32>
        %mul3A_1951 = arith.constant 16 : i32
        %mul3A_1952 = arith.muli %scan3A_167, %mul3A_1951 : i32
        %add3A_1953 = arith.constant 13 : i32
        %add3A_1954 = arith.addi %mul3A_1952, %add3A_1953 : i32
        %swap3A_1955 = arith.index_cast %add3A_1954 : i32 to index
        %swap3A_1956 = arith.constant 80 : index
        %swap3A_1957 = tpu.vector_load %arg16[%swap3A_1955, %swap3A_1956] {strides = array<i32>} : memref<128x128xf32, #tpu.memory_space<vmem>>, vector<16xf32>,
        tpu.vector_store %arg16[%swap3A_1955, %swap3A_1956], %mul3A_1950 {strides = array<i32>} : memref<128x128xf32, #tpu.memory_space<vmem>>, vector<16xf32>,
        %mul3A_1958 = arith.constant 16 : i32
        %mul3A_1959 = arith.muli %scan3A_167, %mul3A_1958 : i32
        %add3A_1960 = arith.constant 13 : i32
        %add3A_1961 = arith.addi %mul3A_1959, %add3A_1960 : i32
        %get3A_1962 = arith.index_cast %add3A_1961 : i32 to index
        %get3A_1963 = arith.constant 96 : index
        %get3A_1964 = tpu.vector_load %arg16[%get3A_1962, %get3A_1963] {strides = array<i32>} : memref<128x128xf32, #tpu.memory_space<vmem>>, vector<16xf32>,
        %mul3A_1965 = vector.broadcast %squeeze3A_1861 : f32 to vector<16xf32>
        %mul3A_1966 = arith.mulf %get3A_1964, %mul3A_1965 : vector<16xf32>
        %mul3A_1967 = arith.constant 16 : i32
        %mul3A_1968 = arith.muli %scan3A_167, %mul3A_1967 : i32
        %add3A_1969 = arith.constant 13 : i32
        %add3A_1970 = arith.addi %mul3A_1968, %add3A_1969 : i32
        %swap3A_1971 = arith.index_cast %add3A_1970 : i32 to index
        %swap3A_1972 = arith.constant 96 : index
        %swap3A_1973 = tpu.vector_load %arg16[%swap3A_1971, %swap3A_1972] {strides = array<i32>} : memref<128x128xf32, #tpu.memory_space<vmem>>, vector<16xf32>,
        tpu.vector_store %arg16[%swap3A_1971, %swap3A_1972], %mul3A_1966 {strides = array<i32>} : memref<128x128xf32, #tpu.memory_space<vmem>>, vector<16xf32>,
        %mul3A_1974 = arith.constant 16 : i32
        %mul3A_1975 = arith.muli %scan3A_167, %mul3A_1974 : i32
        %add3A_1976 = arith.constant 13 : i32
        %add3A_1977 = arith.addi %mul3A_1975, %add3A_1976 : i32
        %get3A_1978 = arith.index_cast %add3A_1977 : i32 to index
        %get3A_1979 = arith.constant 112 : index
        %get3A_1980 = tpu.vector_load %arg16[%get3A_1978, %get3A_1979] {strides = array<i32>} : memref<128x128xf32, #tpu.memory_space<vmem>>, vector<16xf32>,
        %mul3A_1981 = vector.broadcast %squeeze3A_1861 : f32 to vector<16xf32>
        %mul3A_1982 = arith.mulf %get3A_1980, %mul3A_1981 : vector<16xf32>
        %mul3A_1983 = arith.constant 16 : i32
        %mul3A_1984 = arith.muli %scan3A_167, %mul3A_1983 : i32
        %add3A_1985 = arith.constant 13 : i32
        %add3A_1986 = arith.addi %mul3A_1984, %add3A_1985 : i32
        %swap3A_1987 = arith.index_cast %add3A_1986 : i32 to index
        %swap3A_1988 = arith.constant 112 : index
        %swap3A_1989 = tpu.vector_load %arg16[%swap3A_1987, %swap3A_1988] {strides = array<i32>} : memref<128x128xf32, #tpu.memory_space<vmem>>, vector<16xf32>,
        tpu.vector_store %arg16[%swap3A_1987, %swap3A_1988], %mul3A_1982 {strides = array<i32>} : memref<128x128xf32, #tpu.memory_space<vmem>>, vector<16xf32>,
        %slice3A_1990 = vector.extract_strided_slice %get3A_171 {offsets = [14], sizes = [1], strides = [1]} : vector<16xf32> to vector<1xf32>
        %squeeze3A_1991 = vector.extract %slice3A_1990[0] : f32 from vector<1xf32>
        %mul3A_1992 = arith.constant 16 : i32
        %mul3A_1993 = arith.muli %scan3A_167, %mul3A_1992 : i32
        %add3A_1994 = arith.constant 14 : i32
        %add3A_1995 = arith.addi %mul3A_1993, %add3A_1994 : i32
        %get3A_1996 = arith.index_cast %add3A_1995 : i32 to index
        %get3A_1997 = arith.constant 0 : index
        %get3A_1998 = tpu.vector_load %arg16[%get3A_1996, %get3A_1997] {strides = array<i32>} : memref<128x128xf32, #tpu.memory_space<vmem>>, vector<16xf32>,
        %mul3A_1999 = vector.broadcast %squeeze3A_1991 : f32 to vector<16xf32>
        %mul3A_2000 = arith.mulf %get3A_1998, %mul3A_1999 : vector<16xf32>
        %mul3A_2001 = arith.constant 16 : i32
        %mul3A_2002 = arith.muli %scan3A_167, %mul3A_2001 : i32
        %add3A_2003 = arith.constant 14 : i32
        %add3A_2004 = arith.addi %mul3A_2002, %add3A_2003 : i32
        %swap3A_2005 = arith.index_cast %add3A_2004 : i32 to index
        %swap3A_2006 = arith.constant 0 : index
        %swap3A_2007 = tpu.vector_load %arg16[%swap3A_2005, %swap3A_2006] {strides = array<i32>} : memref<128x128xf32, #tpu.memory_space<vmem>>, vector<16xf32>,
        tpu.vector_store %arg16[%swap3A_2005, %swap3A_2006], %mul3A_2000 {strides = array<i32>} : memref<128x128xf32, #tpu.memory_space<vmem>>, vector<16xf32>,
        %mul3A_2008 = arith.constant 16 : i32
        %mul3A_2009 = arith.muli %scan3A_167, %mul3A_2008 : i32
        %add3A_2010 = arith.constant 14 : i32
        %add3A_2011 = arith.addi %mul3A_2009, %add3A_2010 : i32
        %get3A_2012 = arith.index_cast %add3A_2011 : i32 to index
        %get3A_2013 = arith.constant 16 : index
        %get3A_2014 = tpu.vector_load %arg16[%get3A_2012, %get3A_2013] {strides = array<i32>} : memref<128x128xf32, #tpu.memory_space<vmem>>, vector<16xf32>,
        %mul3A_2015 = vector.broadcast %squeeze3A_1991 : f32 to vector<16xf32>
        %mul3A_2016 = arith.mulf %get3A_2014, %mul3A_2015 : vector<16xf32>
        %mul3A_2017 = arith.constant 16 : i32
        %mul3A_2018 = arith.muli %scan3A_167, %mul3A_2017 : i32
        %add3A_2019 = arith.constant 14 : i32
        %add3A_2020 = arith.addi %mul3A_2018, %add3A_2019 : i32
        %swap3A_2021 = arith.index_cast %add3A_2020 : i32 to index
        %swap3A_2022 = arith.constant 16 : index
        %swap3A_2023 = tpu.vector_load %arg16[%swap3A_2021, %swap3A_2022] {strides = array<i32>} : memref<128x128xf32, #tpu.memory_space<vmem>>, vector<16xf32>,
        tpu.vector_store %arg16[%swap3A_2021, %swap3A_2022], %mul3A_2016 {strides = array<i32>} : memref<128x128xf32, #tpu.memory_space<vmem>>, vector<16xf32>,
        %mul3A_2024 = arith.constant 16 : i32
        %mul3A_2025 = arith.muli %scan3A_167, %mul3A_2024 : i32
        %add3A_2026 = arith.constant 14 : i32
        %add3A_2027 = arith.addi %mul3A_2025, %add3A_2026 : i32
        %get3A_2028 = arith.index_cast %add3A_2027 : i32 to index
        %get3A_2029 = arith.constant 32 : index
        %get3A_2030 = tpu.vector_load %arg16[%get3A_2028, %get3A_2029] {strides = array<i32>} : memref<128x128xf32, #tpu.memory_space<vmem>>, vector<16xf32>,
        %mul3A_2031 = vector.broadcast %squeeze3A_1991 : f32 to vector<16xf32>
        %mul3A_2032 = arith.mulf %get3A_2030, %mul3A_2031 : vector<16xf32>
        %mul3A_2033 = arith.constant 16 : i32
        %mul3A_2034 = arith.muli %scan3A_167, %mul3A_2033 : i32
        %add3A_2035 = arith.constant 14 : i32
        %add3A_2036 = arith.addi %mul3A_2034, %add3A_2035 : i32
        %swap3A_2037 = arith.index_cast %add3A_2036 : i32 to index
        %swap3A_2038 = arith.constant 32 : index
        %swap3A_2039 = tpu.vector_load %arg16[%swap3A_2037, %swap3A_2038] {strides = array<i32>} : memref<128x128xf32, #tpu.memory_space<vmem>>, vector<16xf32>,
        tpu.vector_store %arg16[%swap3A_2037, %swap3A_2038], %mul3A_2032 {strides = array<i32>} : memref<128x128xf32, #tpu.memory_space<vmem>>, vector<16xf32>,
        %mul3A_2040 = arith.constant 16 : i32
        %mul3A_2041 = arith.muli %scan3A_167, %mul3A_2040 : i32
        %add3A_2042 = arith.constant 14 : i32
        %add3A_2043 = arith.addi %mul3A_2041, %add3A_2042 : i32
        %get3A_2044 = arith.index_cast %add3A_2043 : i32 to index
        %get3A_2045 = arith.constant 48 : index
        %get3A_2046 = tpu.vector_load %arg16[%get3A_2044, %get3A_2045] {strides = array<i32>} : memref<128x128xf32, #tpu.memory_space<vmem>>, vector<16xf32>,
        %mul3A_2047 = vector.broadcast %squeeze3A_1991 : f32 to vector<16xf32>
        %mul3A_2048 = arith.mulf %get3A_2046, %mul3A_2047 : vector<16xf32>
        %mul3A_2049 = arith.constant 16 : i32
        %mul3A_2050 = arith.muli %scan3A_167, %mul3A_2049 : i32
        %add3A_2051 = arith.constant 14 : i32
        %add3A_2052 = arith.addi %mul3A_2050, %add3A_2051 : i32
        %swap3A_2053 = arith.index_cast %add3A_2052 : i32 to index
        %swap3A_2054 = arith.constant 48 : index
        %swap3A_2055 = tpu.vector_load %arg16[%swap3A_2053, %swap3A_2054] {strides = array<i32>} : memref<128x128xf32, #tpu.memory_space<vmem>>, vector<16xf32>,
        tpu.vector_store %arg16[%swap3A_2053, %swap3A_2054], %mul3A_2048 {strides = array<i32>} : memref<128x128xf32, #tpu.memory_space<vmem>>, vector<16xf32>,
        %mul3A_2056 = arith.constant 16 : i32
        %mul3A_2057 = arith.muli %scan3A_167, %mul3A_2056 : i32
        %add3A_2058 = arith.constant 14 : i32
        %add3A_2059 = arith.addi %mul3A_2057, %add3A_2058 : i32
        %get3A_2060 = arith.index_cast %add3A_2059 : i32 to index
        %get3A_2061 = arith.constant 64 : index
        %get3A_2062 = tpu.vector_load %arg16[%get3A_2060, %get3A_2061] {strides = array<i32>} : memref<128x128xf32, #tpu.memory_space<vmem>>, vector<16xf32>,
        %mul3A_2063 = vector.broadcast %squeeze3A_1991 : f32 to vector<16xf32>
        %mul3A_2064 = arith.mulf %get3A_2062, %mul3A_2063 : vector<16xf32>
        %mul3A_2065 = arith.constant 16 : i32
        %mul3A_2066 = arith.muli %scan3A_167, %mul3A_2065 : i32
        %add3A_2067 = arith.constant 14 : i32
        %add3A_2068 = arith.addi %mul3A_2066, %add3A_2067 : i32
        %swap3A_2069 = arith.index_cast %add3A_2068 : i32 to index
        %swap3A_2070 = arith.constant 64 : index
        %swap3A_2071 = tpu.vector_load %arg16[%swap3A_2069, %swap3A_2070] {strides = array<i32>} : memref<128x128xf32, #tpu.memory_space<vmem>>, vector<16xf32>,
        tpu.vector_store %arg16[%swap3A_2069, %swap3A_2070], %mul3A_2064 {strides = array<i32>} : memref<128x128xf32, #tpu.memory_space<vmem>>, vector<16xf32>,
        %mul3A_2072 = arith.constant 16 : i32
        %mul3A_2073 = arith.muli %scan3A_167, %mul3A_2072 : i32
        %add3A_2074 = arith.constant 14 : i32
        %add3A_2075 = arith.addi %mul3A_2073, %add3A_2074 : i32
        %get3A_2076 = arith.index_cast %add3A_2075 : i32 to index
        %get3A_2077 = arith.constant 80 : index
        %get3A_2078 = tpu.vector_load %arg16[%get3A_2076, %get3A_2077] {strides = array<i32>} : memref<128x128xf32, #tpu.memory_space<vmem>>, vector<16xf32>,
        %mul3A_2079 = vector.broadcast %squeeze3A_1991 : f32 to vector<16xf32>
        %mul3A_2080 = arith.mulf %get3A_2078, %mul3A_2079 : vector<16xf32>
        %mul3A_2081 = arith.constant 16 : i32
        %mul3A_2082 = arith.muli %scan3A_167, %mul3A_2081 : i32
        %add3A_2083 = arith.constant 14 : i32
        %add3A_2084 = arith.addi %mul3A_2082, %add3A_2083 : i32
        %swap3A_2085 = arith.index_cast %add3A_2084 : i32 to index
        %swap3A_2086 = arith.constant 80 : index
        %swap3A_2087 = tpu.vector_load %arg16[%swap3A_2085, %swap3A_2086] {strides = array<i32>} : memref<128x128xf32, #tpu.memory_space<vmem>>, vector<16xf32>,
        tpu.vector_store %arg16[%swap3A_2085, %swap3A_2086], %mul3A_2080 {strides = array<i32>} : memref<128x128xf32, #tpu.memory_space<vmem>>, vector<16xf32>,
        %mul3A_2088 = arith.constant 16 : i32
        %mul3A_2089 = arith.muli %scan3A_167, %mul3A_2088 : i32
        %add3A_2090 = arith.constant 14 : i32
        %add3A_2091 = arith.addi %mul3A_2089, %add3A_2090 : i32
        %get3A_2092 = arith.index_cast %add3A_2091 : i32 to index
        %get3A_2093 = arith.constant 96 : index
        %get3A_2094 = tpu.vector_load %arg16[%get3A_2092, %get3A_2093] {strides = array<i32>} : memref<128x128xf32, #tpu.memory_space<vmem>>, vector<16xf32>,
        %mul3A_2095 = vector.broadcast %squeeze3A_1991 : f32 to vector<16xf32>
        %mul3A_2096 = arith.mulf %get3A_2094, %mul3A_2095 : vector<16xf32>
        %mul3A_2097 = arith.constant 16 : i32
        %mul3A_2098 = arith.muli %scan3A_167, %mul3A_2097 : i32
        %add3A_2099 = arith.constant 14 : i32
        %add3A_2100 = arith.addi %mul3A_2098, %add3A_2099 : i32
        %swap3A_2101 = arith.index_cast %add3A_2100 : i32 to index
        %swap3A_2102 = arith.constant 96 : index
        %swap3A_2103 = tpu.vector_load %arg16[%swap3A_2101, %swap3A_2102] {strides = array<i32>} : memref<128x128xf32, #tpu.memory_space<vmem>>, vector<16xf32>,
        tpu.vector_store %arg16[%swap3A_2101, %swap3A_2102], %mul3A_2096 {strides = array<i32>} : memref<128x128xf32, #tpu.memory_space<vmem>>, vector<16xf32>,
        %mul3A_2104 = arith.constant 16 : i32
        %mul3A_2105 = arith.muli %scan3A_167, %mul3A_2104 : i32
        %add3A_2106 = arith.constant 14 : i32
        %add3A_2107 = arith.addi %mul3A_2105, %add3A_2106 : i32
        %get3A_2108 = arith.index_cast %add3A_2107 : i32 to index
        %get3A_2109 = arith.constant 112 : index
        %get3A_2110 = tpu.vector_load %arg16[%get3A_2108, %get3A_2109] {strides = array<i32>} : memref<128x128xf32, #tpu.memory_space<vmem>>, vector<16xf32>,
        %mul3A_2111 = vector.broadcast %squeeze3A_1991 : f32 to vector<16xf32>
        %mul3A_2112 = arith.mulf %get3A_2110, %mul3A_2111 : vector<16xf32>
        %mul3A_2113 = arith.constant 16 : i32
        %mul3A_2114 = arith.muli %scan3A_167, %mul3A_2113 : i32
        %add3A_2115 = arith.constant 14 : i32
        %add3A_2116 = arith.addi %mul3A_2114, %add3A_2115 : i32
        %swap3A_2117 = arith.index_cast %add3A_2116 : i32 to index
        %swap3A_2118 = arith.constant 112 : index
        %swap3A_2119 = tpu.vector_load %arg16[%swap3A_2117, %swap3A_2118] {strides = array<i32>} : memref<128x128xf32, #tpu.memory_space<vmem>>, vector<16xf32>,
        tpu.vector_store %arg16[%swap3A_2117, %swap3A_2118], %mul3A_2112 {strides = array<i32>} : memref<128x128xf32, #tpu.memory_space<vmem>>, vector<16xf32>,
        %slice3A_2120 = vector.extract_strided_slice %get3A_171 {offsets = [15], sizes = [1], strides = [1]} : vector<16xf32> to vector<1xf32>
        %squeeze3A_2121 = vector.extract %slice3A_2120[0] : f32 from vector<1xf32>
        %mul3A_2122 = arith.constant 16 : i32
        %mul3A_2123 = arith.muli %scan3A_167, %mul3A_2122 : i32
        %add3A_2124 = arith.constant 15 : i32
        %add3A_2125 = arith.addi %mul3A_2123, %add3A_2124 : i32
        %get3A_2126 = arith.index_cast %add3A_2125 : i32 to index
        %get3A_2127 = arith.constant 0 : index
        %get3A_2128 = tpu.vector_load %arg16[%get3A_2126, %get3A_2127] {strides = array<i32>} : memref<128x128xf32, #tpu.memory_space<vmem>>, vector<16xf32>,
        %mul3A_2129 = vector.broadcast %squeeze3A_2121 : f32 to vector<16xf32>
        %mul3A_2130 = arith.mulf %get3A_2128, %mul3A_2129 : vector<16xf32>
        %mul3A_2131 = arith.constant 16 : i32
        %mul3A_2132 = arith.muli %scan3A_167, %mul3A_2131 : i32
        %add3A_2133 = arith.constant 15 : i32
        %add3A_2134 = arith.addi %mul3A_2132, %add3A_2133 : i32
        %swap3A_2135 = arith.index_cast %add3A_2134 : i32 to index
        %swap3A_2136 = arith.constant 0 : index
        %swap3A_2137 = tpu.vector_load %arg16[%swap3A_2135, %swap3A_2136] {strides = array<i32>} : memref<128x128xf32, #tpu.memory_space<vmem>>, vector<16xf32>,
        tpu.vector_store %arg16[%swap3A_2135, %swap3A_2136], %mul3A_2130 {strides = array<i32>} : memref<128x128xf32, #tpu.memory_space<vmem>>, vector<16xf32>,
        %mul3A_2138 = arith.constant 16 : i32
        %mul3A_2139 = arith.muli %scan3A_167, %mul3A_2138 : i32
        %add3A_2140 = arith.constant 15 : i32
        %add3A_2141 = arith.addi %mul3A_2139, %add3A_2140 : i32
        %get3A_2142 = arith.index_cast %add3A_2141 : i32 to index
        %get3A_2143 = arith.constant 16 : index
        %get3A_2144 = tpu.vector_load %arg16[%get3A_2142, %get3A_2143] {strides = array<i32>} : memref<128x128xf32, #tpu.memory_space<vmem>>, vector<16xf32>,
        %mul3A_2145 = vector.broadcast %squeeze3A_2121 : f32 to vector<16xf32>
        %mul3A_2146 = arith.mulf %get3A_2144, %mul3A_2145 : vector<16xf32>
        %mul3A_2147 = arith.constant 16 : i32
        %mul3A_2148 = arith.muli %scan3A_167, %mul3A_2147 : i32
        %add3A_2149 = arith.constant 15 : i32
        %add3A_2150 = arith.addi %mul3A_2148, %add3A_2149 : i32
        %swap3A_2151 = arith.index_cast %add3A_2150 : i32 to index
        %swap3A_2152 = arith.constant 16 : index
        %swap3A_2153 = tpu.vector_load %arg16[%swap3A_2151, %swap3A_2152] {strides = array<i32>} : memref<128x128xf32, #tpu.memory_space<vmem>>, vector<16xf32>,
        tpu.vector_store %arg16[%swap3A_2151, %swap3A_2152], %mul3A_2146 {strides = array<i32>} : memref<128x128xf32, #tpu.memory_space<vmem>>, vector<16xf32>,
        %mul3A_2154 = arith.constant 16 : i32
        %mul3A_2155 = arith.muli %scan3A_167, %mul3A_2154 : i32
        %add3A_2156 = arith.constant 15 : i32
        %add3A_2157 = arith.addi %mul3A_2155, %add3A_2156 : i32
        %get3A_2158 = arith.index_cast %add3A_2157 : i32 to index
        %get3A_2159 = arith.constant 32 : index
        %get3A_2160 = tpu.vector_load %arg16[%get3A_2158, %get3A_2159] {strides = array<i32>} : memref<128x128xf32, #tpu.memory_space<vmem>>, vector<16xf32>,
        %mul3A_2161 = vector.broadcast %squeeze3A_2121 : f32 to vector<16xf32>
        %mul3A_2162 = arith.mulf %get3A_2160, %mul3A_2161 : vector<16xf32>
        %mul3A_2163 = arith.constant 16 : i32
        %mul3A_2164 = arith.muli %scan3A_167, %mul3A_2163 : i32
        %add3A_2165 = arith.constant 15 : i32
        %add3A_2166 = arith.addi %mul3A_2164, %add3A_2165 : i32
        %swap3A_2167 = arith.index_cast %add3A_2166 : i32 to index
        %swap3A_2168 = arith.constant 32 : index
        %swap3A_2169 = tpu.vector_load %arg16[%swap3A_2167, %swap3A_2168] {strides = array<i32>} : memref<128x128xf32, #tpu.memory_space<vmem>>, vector<16xf32>,
        tpu.vector_store %arg16[%swap3A_2167, %swap3A_2168], %mul3A_2162 {strides = array<i32>} : memref<128x128xf32, #tpu.memory_space<vmem>>, vector<16xf32>,
        %mul3A_2170 = arith.constant 16 : i32
        %mul3A_2171 = arith.muli %scan3A_167, %mul3A_2170 : i32
        %add3A_2172 = arith.constant 15 : i32
        %add3A_2173 = arith.addi %mul3A_2171, %add3A_2172 : i32
        %get3A_2174 = arith.index_cast %add3A_2173 : i32 to index
        %get3A_2175 = arith.constant 48 : index
        %get3A_2176 = tpu.vector_load %arg16[%get3A_2174, %get3A_2175] {strides = array<i32>} : memref<128x128xf32, #tpu.memory_space<vmem>>, vector<16xf32>,
        %mul3A_2177 = vector.broadcast %squeeze3A_2121 : f32 to vector<16xf32>
        %mul3A_2178 = arith.mulf %get3A_2176, %mul3A_2177 : vector<16xf32>
        %mul3A_2179 = arith.constant 16 : i32
        %mul3A_2180 = arith.muli %scan3A_167, %mul3A_2179 : i32
        %add3A_2181 = arith.constant 15 : i32
        %add3A_2182 = arith.addi %mul3A_2180, %add3A_2181 : i32
        %swap3A_2183 = arith.index_cast %add3A_2182 : i32 to index
        %swap3A_2184 = arith.constant 48 : index
        %swap3A_2185 = tpu.vector_load %arg16[%swap3A_2183, %swap3A_2184] {strides = array<i32>} : memref<128x128xf32, #tpu.memory_space<vmem>>, vector<16xf32>,
        tpu.vector_store %arg16[%swap3A_2183, %swap3A_2184], %mul3A_2178 {strides = array<i32>} : memref<128x128xf32, #tpu.memory_space<vmem>>, vector<16xf32>,
        %mul3A_2186 = arith.constant 16 : i32
        %mul3A_2187 = arith.muli %scan3A_167, %mul3A_2186 : i32
        %add3A_2188 = arith.constant 15 : i32
        %add3A_2189 = arith.addi %mul3A_2187, %add3A_2188 : i32
        %get3A_2190 = arith.index_cast %add3A_2189 : i32 to index
        %get3A_2191 = arith.constant 64 : index
        %get3A_2192 = tpu.vector_load %arg16[%get3A_2190, %get3A_2191] {strides = array<i32>} : memref<128x128xf32, #tpu.memory_space<vmem>>, vector<16xf32>,
        %mul3A_2193 = vector.broadcast %squeeze3A_2121 : f32 to vector<16xf32>
        %mul3A_2194 = arith.mulf %get3A_2192, %mul3A_2193 : vector<16xf32>
        %mul3A_2195 = arith.constant 16 : i32
        %mul3A_2196 = arith.muli %scan3A_167, %mul3A_2195 : i32
        %add3A_2197 = arith.constant 15 : i32
        %add3A_2198 = arith.addi %mul3A_2196, %add3A_2197 : i32
        %swap3A_2199 = arith.index_cast %add3A_2198 : i32 to index
        %swap3A_2200 = arith.constant 64 : index
        %swap3A_2201 = tpu.vector_load %arg16[%swap3A_2199, %swap3A_2200] {strides = array<i32>} : memref<128x128xf32, #tpu.memory_space<vmem>>, vector<16xf32>,
        tpu.vector_store %arg16[%swap3A_2199, %swap3A_2200], %mul3A_2194 {strides = array<i32>} : memref<128x128xf32, #tpu.memory_space<vmem>>, vector<16xf32>,
        %mul3A_2202 = arith.constant 16 : i32
        %mul3A_2203 = arith.muli %scan3A_167, %mul3A_2202 : i32
        %add3A_2204 = arith.constant 15 : i32
        %add3A_2205 = arith.addi %mul3A_2203, %add3A_2204 : i32
        %get3A_2206 = arith.index_cast %add3A_2205 : i32 to index
        %get3A_2207 = arith.constant 80 : index
        %get3A_2208 = tpu.vector_load %arg16[%get3A_2206, %get3A_2207] {strides = array<i32>} : memref<128x128xf32, #tpu.memory_space<vmem>>, vector<16xf32>,
        %mul3A_2209 = vector.broadcast %squeeze3A_2121 : f32 to vector<16xf32>
        %mul3A_2210 = arith.mulf %get3A_2208, %mul3A_2209 : vector<16xf32>
        %mul3A_2211 = arith.constant 16 : i32
        %mul3A_2212 = arith.muli %scan3A_167, %mul3A_2211 : i32
        %add3A_2213 = arith.constant 15 : i32
        %add3A_2214 = arith.addi %mul3A_2212, %add3A_2213 : i32
        %swap3A_2215 = arith.index_cast %add3A_2214 : i32 to index
        %swap3A_2216 = arith.constant 80 : index
        %swap3A_2217 = tpu.vector_load %arg16[%swap3A_2215, %swap3A_2216] {strides = array<i32>} : memref<128x128xf32, #tpu.memory_space<vmem>>, vector<16xf32>,
        tpu.vector_store %arg16[%swap3A_2215, %swap3A_2216], %mul3A_2210 {strides = array<i32>} : memref<128x128xf32, #tpu.memory_space<vmem>>, vector<16xf32>,
        %mul3A_2218 = arith.constant 16 : i32
        %mul3A_2219 = arith.muli %scan3A_167, %mul3A_2218 : i32
        %add3A_2220 = arith.constant 15 : i32
        %add3A_2221 = arith.addi %mul3A_2219, %add3A_2220 : i32
        %get3A_2222 = arith.index_cast %add3A_2221 : i32 to index
        %get3A_2223 = arith.constant 96 : index
        %get3A_2224 = tpu.vector_load %arg16[%get3A_2222, %get3A_2223] {strides = array<i32>} : memref<128x128xf32, #tpu.memory_space<vmem>>, vector<16xf32>,
        %mul3A_2225 = vector.broadcast %squeeze3A_2121 : f32 to vector<16xf32>
        %mul3A_2226 = arith.mulf %get3A_2224, %mul3A_2225 : vector<16xf32>
        %mul3A_2227 = arith.constant 16 : i32
        %mul3A_2228 = arith.muli %scan3A_167, %mul3A_2227 : i32
        %add3A_2229 = arith.constant 15 : i32
        %add3A_2230 = arith.addi %mul3A_2228, %add3A_2229 : i32
        %swap3A_2231 = arith.index_cast %add3A_2230 : i32 to index
        %swap3A_2232 = arith.constant 96 : index
        %swap3A_2233 = tpu.vector_load %arg16[%swap3A_2231, %swap3A_2232] {strides = array<i32>} : memref<128x128xf32, #tpu.memory_space<vmem>>, vector<16xf32>,
        tpu.vector_store %arg16[%swap3A_2231, %swap3A_2232], %mul3A_2226 {strides = array<i32>} : memref<128x128xf32, #tpu.memory_space<vmem>>, vector<16xf32>,
        %mul3A_2234 = arith.constant 16 : i32
        %mul3A_2235 = arith.muli %scan3A_167, %mul3A_2234 : i32
        %add3A_2236 = arith.constant 15 : i32
        %add3A_2237 = arith.addi %mul3A_2235, %add3A_2236 : i32
        %get3A_2238 = arith.index_cast %add3A_2237 : i32 to index
        %get3A_2239 = arith.constant 112 : index
        %get3A_2240 = tpu.vector_load %arg16[%get3A_2238, %get3A_2239] {strides = array<i32>} : memref<128x128xf32, #tpu.memory_space<vmem>>, vector<16xf32>,
        %mul3A_2241 = vector.broadcast %squeeze3A_2121 : f32 to vector<16xf32>
        %mul3A_2242 = arith.mulf %get3A_2240, %mul3A_2241 : vector<16xf32>
        %mul3A_2243 = arith.constant 16 : i32
        %mul3A_2244 = arith.muli %scan3A_167, %mul3A_2243 : i32
        %add3A_2245 = arith.constant 15 : i32
        %add3A_2246 = arith.addi %mul3A_2244, %add3A_2245 : i32
        %swap3A_2247 = arith.index_cast %add3A_2246 : i32 to index
        %swap3A_2248 = arith.constant 112 : index
        %swap3A_2249 = tpu.vector_load %arg16[%swap3A_2247, %swap3A_2248] {strides = array<i32>} : memref<128x128xf32, #tpu.memory_space<vmem>>, vector<16xf32>,
        tpu.vector_store %arg16[%swap3A_2247, %swap3A_2248], %mul3A_2242 {strides = array<i32>} : memref<128x128xf32, #tpu.memory_space<vmem>>, vector<16xf32>,
      }
      %scan3A_166 = arith.constant 8 : i32
      "tpu.region"() ({
        %run_scoped3A = tpu.sem_alloc : memref<!tpu.dma_semaphore, #tpu.memory_space<semaphore_mem>>
        %dma_start3A_167 = arith.constant 0 : i32
        %dma_start3A_168 = arith.constant 0 : i32
        %dma_start3A_169 = tpu.memref_slice %arg17[%dma_start3A_167, %dma_start3A_168] : memref<10112x128xf32, #tpu.memory_space<vmem_shared>> -> memref<10112x128xf32, #tpu.memory_space<vmem_shared>>
        tpu.enqueue_indirect_dma source(%arg16 : memref<128x128xf32, #tpu.memory_space<vmem>>) target(%dma_start3A_169 : memref<10112x128xf32, #tpu.memory_space<vmem_shared>>) offsets(%arg11 : memref<128xi32, #tpu.memory_space<vmem>>) semaphore(%run_scoped3A : memref<!tpu.dma_semaphore, #tpu.memory_space<semaphore_mem>>) {add = true}
        %dma_wait3A_170 = arith.constant 0 : i32
        %dma_wait3A_171 = arith.constant 0 : i32
        %dma_wait3A_172 = tpu.memref_slice %arg17[%dma_wait3A_170, %dma_wait3A_171] : memref<10112x128xf32, #tpu.memory_space<vmem_shared>> -> memref<10112x128xf32, #tpu.memory_space<vmem_shared>>
        tpu.wait_indirect_dma semaphore(%run_scoped3A : memref<!tpu.dma_semaphore, #tpu.memory_space<semaphore_mem>>) src(%arg16 : memref<128x128xf32, #tpu.memory_space<vmem>>) dst(%dma_wait3A_172 : memref<10112x128xf32, #tpu.memory_space<vmem_shared>>)
        tpu.yield
      }) : () -> ()
    }
    %scan3A_10 = arith.constant 79 : i32
    %barrier3A_11 = arith.constant 0 : index
    tpu.barrier barrier_id(%barrier3A_11)
    %mul3A_12 = arith.constant 10112 : i32
    %mul3A_13 = arith.muli %arg0, %mul3A_12 : i32
    %add3A_14 = arith.addi %mul3A_13, %mul3A_2 : i32
    "tpu.region"() ({
      %run_scoped3A = tpu.sem_alloc : memref<!tpu.dma_semaphore, #tpu.memory_space<semaphore_mem>>
      %dma_start3A = arith.constant 0 : i32
      %dma_start3A_15 = tpu.memref_slice %arg9[%add3A_14, %dma_start3A] : memref<20224x128xf32, #tpu.memory_space<hbm>> -> memref<632x128xf32, #tpu.memory_space<hbm>>
      %dma_start3A_16 = arith.constant 0 : i32
      %dma_start3A_17 = tpu.memref_slice %arg17[%mul3A_2, %dma_start3A_16] : memref<10112x128xf32, #tpu.memory_space<vmem_shared>> -> memref<632x128xf32, #tpu.memory_space<vmem_shared>>
      tpu.enqueue_dma source(%dma_start3A_17 : memref<632x128xf32, #tpu.memory_space<vmem_shared>>) target(%dma_start3A_15 : memref<632x128xf32, #tpu.memory_space<hbm>>) target_semaphore(%run_scoped3A : memref<!tpu.dma_semaphore, #tpu.memory_space<semaphore_mem>>)
      %dma_wait3A = arith.constant 0 : i32
      %dma_wait3A_18 = tpu.memref_slice %arg9[%add3A_14, %dma_wait3A] : memref<20224x128xf32, #tpu.memory_space<hbm>> -> memref<632x128xf32, #tpu.memory_space<hbm>>
      %dma_wait3A_19 = arith.constant 0 : i32
      %dma_wait3A_20 = tpu.memref_slice %arg17[%mul3A_2, %dma_wait3A_19] : memref<10112x128xf32, #tpu.memory_space<vmem_shared>> -> memref<632x128xf32, #tpu.memory_space<vmem_shared>>
      tpu.wait_dma2 semaphore(%run_scoped3A : memref<!tpu.dma_semaphore, #tpu.memory_space<semaphore_mem>>) src(%dma_wait3A_20 : memref<632x128xf32, #tpu.memory_space<vmem_shared>>) dst(%dma_wait3A_18 : memref<632x128xf32, #tpu.memory_space<hbm>>)
      tpu.yield
    }) : () -> ()
    return
  }
}

#map = affine_map<(d0, d1) -> (0, 0)>
#map1 = affine_map<(d0, d1) -> (0)>
module attributes {stable_mosaic.version = 14 : i64} {
  func.func @_sc_gin_body(%arg0: i32, %arg1: i32, %arg2: memref<10112x128xf32, #tpu.memory_space<hbm>>, %arg3: memref<10112x128xf32, #tpu.memory_space<hbm>>, %arg4: memref<323584xi32, #tpu.memory_space<hbm>>, %arg5: memref<323584xi32, #tpu.memory_space<hbm>>, %arg6: memref<20224x128xf32, #tpu.memory_space<hbm>>, %arg7: memref<128xi32, #tpu.memory_space<vmem>>, %arg8: memref<128xi32, #tpu.memory_space<vmem>>, %arg9: memref<128x128xf32, #tpu.memory_space<vmem>>, %arg10: memref<10112x128xf32, #tpu.memory_space<vmem_shared>>, %arg11: memref<!tpu.dma_semaphore, #tpu.memory_space<semaphore_mem>>) attributes {dimension_semantics = [#tpu.dimension_semantics<core_parallel>, #tpu.dimension_semantics<subcore_parallel>], iteration_bounds = array<i64: 2, 16>, scalar_prefetch = 0 : i64, scratch_operands = 5 : i64, tpu.core_type = #tpu.core_type<sc_vector_subcore>, window_params = [{transform_indices = #map}, {transform_indices = #map}, {transform_indices = #map1}, {transform_indices = #map1}, {transform_indices = #map}]} {
    %mul3A = arith.constant 2 : i32
    %mul3A_0 = arith.muli %arg1, %mul3A : i32
    %add3A = arith.addi %mul3A_0, %arg0 : i32
    %mul3A_1 = arith.constant 632 : i32
    %mul3A_2 = arith.muli %arg1, %mul3A_1 : i32
    "tpu.region"() ({
      %run_scoped3A = tpu.sem_alloc : memref<!tpu.dma_semaphore, #tpu.memory_space<semaphore_mem>>
      %dma_start3A = arith.constant 0 : i32
      %dma_start3A_14 = tpu.memref_slice %arg10[%mul3A_2, %dma_start3A] : memref<10112x128xf32, #tpu.memory_space<vmem_shared>> -> memref<632x128xf32, #tpu.memory_space<vmem_shared>>
      %dma_start3A_15 = arith.constant 0 : i32
      %dma_start3A_16 = tpu.memref_slice %arg3[%mul3A_2, %dma_start3A_15] : memref<10112x128xf32, #tpu.memory_space<hbm>> -> memref<632x128xf32, #tpu.memory_space<hbm>>
      tpu.enqueue_dma source(%dma_start3A_16 : memref<632x128xf32, #tpu.memory_space<hbm>>) target(%dma_start3A_14 : memref<632x128xf32, #tpu.memory_space<vmem_shared>>) target_semaphore(%run_scoped3A : memref<!tpu.dma_semaphore, #tpu.memory_space<semaphore_mem>>)
      %dma_wait3A = arith.constant 0 : i32
      %dma_wait3A_17 = tpu.memref_slice %arg10[%mul3A_2, %dma_wait3A] : memref<10112x128xf32, #tpu.memory_space<vmem_shared>> -> memref<632x128xf32, #tpu.memory_space<vmem_shared>>
      %dma_wait3A_18 = arith.constant 0 : i32
      %dma_wait3A_19 = tpu.memref_slice %arg3[%mul3A_2, %dma_wait3A_18] : memref<10112x128xf32, #tpu.memory_space<hbm>> -> memref<632x128xf32, #tpu.memory_space<hbm>>
      tpu.wait_dma2 semaphore(%run_scoped3A : memref<!tpu.dma_semaphore, #tpu.memory_space<semaphore_mem>>) src(%dma_wait3A_19 : memref<632x128xf32, #tpu.memory_space<hbm>>) dst(%dma_wait3A_17 : memref<632x128xf32, #tpu.memory_space<vmem_shared>>)
      tpu.yield
    }) : () -> ()
    %barrier3A = arith.constant 0 : index
    tpu.barrier barrier_id(%barrier3A)
    %mul3A_3 = arith.constant 10112 : i32
    %mul3A_4 = arith.muli %add3A, %mul3A_3 : i32
    %scan3A = arith.constant 0 : i32
    %scan3A_5 = arith.constant 0 : i32
    %scan3A_6 = arith.constant 79 : i32
    %scan3A_7 = arith.addi %scan3A_5, %scan3A_6 : i32
    %scan3A_8 = arith.constant 1 : i32
    scf.for %scan3A_14 = %scan3A_5 to %scan3A_7 step %scan3A_8  : i32 {
      %mul3A_15 = arith.constant 128 : i32
      %mul3A_16 = arith.muli %scan3A_14, %mul3A_15 : i32
      %add3A_17 = arith.addi %mul3A_4, %mul3A_16 : i32
      "tpu.region"() ({
        %run_scoped3A = tpu.sem_alloc : memref<!tpu.dma_semaphore, #tpu.memory_space<semaphore_mem>>
        %dma_start3A_22 = tpu.memref_slice %arg4[%add3A_17] : memref<323584xi32, #tpu.memory_space<hbm>> -> memref<128xi32, #tpu.memory_space<hbm>>
        %dma_start3A_23 = tpu.memref_slice %arg4[%add3A_17] : memref<323584xi32, #tpu.memory_space<hbm>> -> memref<128xi32, #tpu.memory_space<hbm>>
        tpu.enqueue_dma source(%dma_start3A_23 : memref<128xi32, #tpu.memory_space<hbm>>) target(%arg7 : memref<128xi32, #tpu.memory_space<vmem>>) target_semaphore(%run_scoped3A : memref<!tpu.dma_semaphore, #tpu.memory_space<semaphore_mem>>)
        %dma_wait3A_24 = tpu.memref_slice %arg4[%add3A_17] : memref<323584xi32, #tpu.memory_space<hbm>> -> memref<128xi32, #tpu.memory_space<hbm>>
        %dma_wait3A_25 = tpu.memref_slice %arg4[%add3A_17] : memref<323584xi32, #tpu.memory_space<hbm>> -> memref<128xi32, #tpu.memory_space<hbm>>
        tpu.wait_dma2 semaphore(%run_scoped3A : memref<!tpu.dma_semaphore, #tpu.memory_space<semaphore_mem>>) src(%dma_wait3A_25 : memref<128xi32, #tpu.memory_space<hbm>>) dst(%arg7 : memref<128xi32, #tpu.memory_space<vmem>>)
        tpu.yield
      }) : () -> ()
      "tpu.region"() ({
        %run_scoped3A = tpu.sem_alloc : memref<!tpu.dma_semaphore, #tpu.memory_space<semaphore_mem>>
        %dma_start3A_22 = tpu.memref_slice %arg5[%add3A_17] : memref<323584xi32, #tpu.memory_space<hbm>> -> memref<128xi32, #tpu.memory_space<hbm>>
        %dma_start3A_23 = tpu.memref_slice %arg5[%add3A_17] : memref<323584xi32, #tpu.memory_space<hbm>> -> memref<128xi32, #tpu.memory_space<hbm>>
        tpu.enqueue_dma source(%dma_start3A_23 : memref<128xi32, #tpu.memory_space<hbm>>) target(%arg8 : memref<128xi32, #tpu.memory_space<vmem>>) target_semaphore(%run_scoped3A : memref<!tpu.dma_semaphore, #tpu.memory_space<semaphore_mem>>)
        %dma_wait3A_24 = tpu.memref_slice %arg5[%add3A_17] : memref<323584xi32, #tpu.memory_space<hbm>> -> memref<128xi32, #tpu.memory_space<hbm>>
        %dma_wait3A_25 = tpu.memref_slice %arg5[%add3A_17] : memref<323584xi32, #tpu.memory_space<hbm>> -> memref<128xi32, #tpu.memory_space<hbm>>
        tpu.wait_dma2 semaphore(%run_scoped3A : memref<!tpu.dma_semaphore, #tpu.memory_space<semaphore_mem>>) src(%dma_wait3A_25 : memref<128xi32, #tpu.memory_space<hbm>>) dst(%arg8 : memref<128xi32, #tpu.memory_space<vmem>>)
        tpu.yield
      }) : () -> ()
      %dma_start3A = arith.constant 0 : i32
      %dma_start3A_18 = arith.constant 0 : i32
      %dma_start3A_19 = tpu.memref_slice %arg2[%dma_start3A, %dma_start3A_18] : memref<10112x128xf32, #tpu.memory_space<hbm>> -> memref<10112x128xf32, #tpu.memory_space<hbm>>
      tpu.enqueue_indirect_dma source(%dma_start3A_19 : memref<10112x128xf32, #tpu.memory_space<hbm>>) target(%arg9 : memref<128x128xf32, #tpu.memory_space<vmem>>) offsets(%arg7 : memref<128xi32, #tpu.memory_space<vmem>>) semaphore(%arg11 : memref<!tpu.dma_semaphore, #tpu.memory_space<semaphore_mem>>)
      %dma_wait3A = arith.constant 0 : i32
      %dma_wait3A_20 = arith.constant 0 : i32
      %dma_wait3A_21 = tpu.memref_slice %arg2[%dma_wait3A, %dma_wait3A_20] : memref<10112x128xf32, #tpu.memory_space<hbm>> -> memref<10112x128xf32, #tpu.memory_space<hbm>>
      tpu.wait_indirect_dma semaphore(%arg11 : memref<!tpu.dma_semaphore, #tpu.memory_space<semaphore_mem>>) src(%dma_wait3A_21 : memref<10112x128xf32, #tpu.memory_space<hbm>>) dst(%arg9 : memref<128x128xf32, #tpu.memory_space<vmem>>)
      "tpu.region"() ({
        %run_scoped3A = tpu.sem_alloc : memref<!tpu.dma_semaphore, #tpu.memory_space<semaphore_mem>>
        %dma_start3A_22 = arith.constant 0 : i32
        %dma_start3A_23 = arith.constant 0 : i32
        %dma_start3A_24 = tpu.memref_slice %arg10[%dma_start3A_22, %dma_start3A_23] : memref<10112x128xf32, #tpu.memory_space<vmem_shared>> -> memref<10112x128xf32, #tpu.memory_space<vmem_shared>>
        tpu.enqueue_indirect_dma source(%arg9 : memref<128x128xf32, #tpu.memory_space<vmem>>) target(%dma_start3A_24 : memref<10112x128xf32, #tpu.memory_space<vmem_shared>>) offsets(%arg8 : memref<128xi32, #tpu.memory_space<vmem>>) semaphore(%run_scoped3A : memref<!tpu.dma_semaphore, #tpu.memory_space<semaphore_mem>>) {add = true}
        %dma_wait3A_25 = arith.constant 0 : i32
        %dma_wait3A_26 = arith.constant 0 : i32
        %dma_wait3A_27 = tpu.memref_slice %arg10[%dma_wait3A_25, %dma_wait3A_26] : memref<10112x128xf32, #tpu.memory_space<vmem_shared>> -> memref<10112x128xf32, #tpu.memory_space<vmem_shared>>
        tpu.wait_indirect_dma semaphore(%run_scoped3A : memref<!tpu.dma_semaphore, #tpu.memory_space<semaphore_mem>>) src(%arg9 : memref<128x128xf32, #tpu.memory_space<vmem>>) dst(%dma_wait3A_27 : memref<10112x128xf32, #tpu.memory_space<vmem_shared>>)
        tpu.yield
      }) : () -> ()
    }
    %scan3A_9 = arith.constant 79 : i32
    %barrier3A_10 = arith.constant 0 : index
    tpu.barrier barrier_id(%barrier3A_10)
    %mul3A_11 = arith.constant 10112 : i32
    %mul3A_12 = arith.muli %arg0, %mul3A_11 : i32
    %add3A_13 = arith.addi %mul3A_12, %mul3A_2 : i32
    "tpu.region"() ({
      %run_scoped3A = tpu.sem_alloc : memref<!tpu.dma_semaphore, #tpu.memory_space<semaphore_mem>>
      %dma_start3A = arith.constant 0 : i32
      %dma_start3A_14 = tpu.memref_slice %arg6[%add3A_13, %dma_start3A] : memref<20224x128xf32, #tpu.memory_space<hbm>> -> memref<632x128xf32, #tpu.memory_space<hbm>>
      %dma_start3A_15 = arith.constant 0 : i32
      %dma_start3A_16 = tpu.memref_slice %arg10[%mul3A_2, %dma_start3A_15] : memref<10112x128xf32, #tpu.memory_space<vmem_shared>> -> memref<632x128xf32, #tpu.memory_space<vmem_shared>>
      tpu.enqueue_dma source(%dma_start3A_16 : memref<632x128xf32, #tpu.memory_space<vmem_shared>>) target(%dma_start3A_14 : memref<632x128xf32, #tpu.memory_space<hbm>>) target_semaphore(%run_scoped3A : memref<!tpu.dma_semaphore, #tpu.memory_space<semaphore_mem>>)
      %dma_wait3A = arith.constant 0 : i32
      %dma_wait3A_17 = tpu.memref_slice %arg6[%add3A_13, %dma_wait3A] : memref<20224x128xf32, #tpu.memory_space<hbm>> -> memref<632x128xf32, #tpu.memory_space<hbm>>
      %dma_wait3A_18 = arith.constant 0 : i32
      %dma_wait3A_19 = tpu.memref_slice %arg10[%mul3A_2, %dma_wait3A_18] : memref<10112x128xf32, #tpu.memory_space<vmem_shared>> -> memref<632x128xf32, #tpu.memory_space<vmem_shared>>
      tpu.wait_dma2 semaphore(%run_scoped3A : memref<!tpu.dma_semaphore, #tpu.memory_space<semaphore_mem>>) src(%dma_wait3A_19 : memref<632x128xf32, #tpu.memory_space<vmem_shared>>) dst(%dma_wait3A_17 : memref<632x128xf32, #tpu.memory_space<hbm>>)
      tpu.yield
    }) : () -> ()
    return
  }
}

module attributes {stable_mosaic.version = 14 : i64} {
  func.func @_tc1_body(%arg0: memref<10000x128xf32, #tpu.memory_space<vmem>>, %arg1: memref<2x10112x128xf32, #tpu.memory_space<vmem>>, %arg2: memref<128x128xf32, #tpu.memory_space<vmem>>, %arg3: memref<1x128xf32, #tpu.memory_space<vmem>>, %arg4: memref<128x128xf32, #tpu.memory_space<vmem>>, %arg5: memref<1x128xf32, #tpu.memory_space<vmem>>, %arg6: memref<1x128xf32, #tpu.memory_space<vmem>>, %arg7: memref<1x128xf32, #tpu.memory_space<vmem>>, %arg8: memref<128x128xf32, #tpu.memory_space<vmem>>, %arg9: memref<128x128xf32, #tpu.memory_space<vmem>>, %arg10: memref<10000x128xf32, #tpu.memory_space<vmem>>, %arg11: memref<10000x1xf32, #tpu.memory_space<vmem>>, %arg12: memref<10000x1xf32, #tpu.memory_space<vmem>>, %arg13: memref<1x1xf32, #tpu.memory_space<vmem>>) attributes {dimension_semantics = [], scalar_prefetch = 0 : i64, scratch_operands = 0 : i64, tpu.core_type = #tpu.core_type<tc>} {
    %get3A = arith.constant 0 : index
    %get3A_0 = arith.constant 0 : index
    %get3A_1 = arith.constant 0 : index
    %get3A_2 = vector.load %arg1[%get3A, %get3A_0, %get3A_1] : memref<2x10112x128xf32, #tpu.memory_space<vmem>>, vector<1x10112x128xf32>
    %get3A_3 = vector.shape_cast %get3A_2 : vector<1x10112x128xf32> to vector<10112x128xf32>
    %get3A_4 = arith.constant 1 : index
    %get3A_5 = arith.constant 0 : index
    %get3A_6 = arith.constant 0 : index
    %get3A_7 = vector.load %arg1[%get3A_4, %get3A_5, %get3A_6] : memref<2x10112x128xf32, #tpu.memory_space<vmem>>, vector<1x10112x128xf32>
    %get3A_8 = vector.shape_cast %get3A_7 : vector<1x10112x128xf32> to vector<10112x128xf32>
    %add3A = arith.addf %get3A_3, %get3A_8 : vector<10112x128xf32>
    %get3A_9 = arith.constant 0 : index
    %get3A_10 = arith.constant 0 : index
    %get3A_11 = vector.load %arg0[%get3A_9, %get3A_10] : memref<10000x128xf32, #tpu.memory_space<vmem>>, vector<10000x128xf32>
    %slice3A = vector.extract_strided_slice %add3A {offsets = [0, 0], sizes = [10000, 128], strides = [1, 1]} : vector<10112x128xf32> to vector<10000x128xf32>
    %add3A_12 = arith.addf %get3A_11, %slice3A : vector<10000x128xf32>
    %get3A_13 = arith.constant 0 : index
    %get3A_14 = arith.constant 0 : index
    %get3A_15 = vector.load %arg2[%get3A_13, %get3A_14] : memref<128x128xf32, #tpu.memory_space<vmem>>, vector<128x128xf32>
    %dot_general3A = arith.constant dense<0.000000e+00> : vector<10000x128xf32>
    %dot_general3A_16 = tpu.matmul %add3A_12, %get3A_15, %dot_general3A {dimension_numbers = #tpu.dot_dimension_numbers<[1], [0], [0], [1], [0, 0, 1, 1], [], []>, transpose_lhs_hint = false} : vector<10000x128xf32>, vector<128x128xf32>, vector<10000x128xf32> -> vector<10000x128xf32>
    %get3A_17 = arith.constant 0 : index
    %get3A_18 = arith.constant 0 : index
    %get3A_19 = vector.load %arg3[%get3A_17, %get3A_18] : memref<1x128xf32, #tpu.memory_space<vmem>>, vector<1x128xf32>
    %add3A_20 = vector.broadcast %get3A_19 : vector<1x128xf32> to vector<10000x128xf32>
    %add3A_21 = arith.addf %dot_general3A_16, %add3A_20 : vector<10000x128xf32>
    %max3A = arith.constant 0.000000e+00 : f32
    %max3A_22 = vector.broadcast %max3A : f32 to vector<10000x128xf32>
    %max3A_23 = arith.maximumf %add3A_21, %max3A_22 : vector<10000x128xf32>
    %get3A_24 = arith.constant 0 : index
    %get3A_25 = arith.constant 0 : index
    %get3A_26 = vector.load %arg4[%get3A_24, %get3A_25] : memref<128x128xf32, #tpu.memory_space<vmem>>, vector<128x128xf32>
    %dot_general3A_27 = arith.constant dense<0.000000e+00> : vector<10000x128xf32>
    %dot_general3A_28 = tpu.matmul %max3A_23, %get3A_26, %dot_general3A_27 {dimension_numbers = #tpu.dot_dimension_numbers<[1], [0], [0], [1], [0, 0, 1, 1], [], []>, transpose_lhs_hint = false} : vector<10000x128xf32>, vector<128x128xf32>, vector<10000x128xf32> -> vector<10000x128xf32>
    %get3A_29 = arith.constant 0 : index
    %get3A_30 = arith.constant 0 : index
    %get3A_31 = vector.load %arg5[%get3A_29, %get3A_30] : memref<1x128xf32, #tpu.memory_space<vmem>>, vector<1x128xf32>
    %add3A_32 = vector.broadcast %get3A_31 : vector<1x128xf32> to vector<10000x128xf32>
    %add3A_33 = arith.addf %dot_general3A_28, %add3A_32 : vector<10000x128xf32>
    %max3A_34 = arith.constant 0.000000e+00 : f32
    %max3A_35 = vector.broadcast %max3A_34 : f32 to vector<10000x128xf32>
    %max3A_36 = arith.maximumf %add3A_33, %max3A_35 : vector<10000x128xf32>
    %broadcast_in_dim3A = arith.constant 1.000000e+00 : f32
    %broadcast_in_dim3A_37 = vector.broadcast %broadcast_in_dim3A : f32 to vector<1x10000xf32>
    %dot_general3A_38 = arith.constant dense<0.000000e+00> : vector<1x128xf32>
    %dot_general3A_39 = tpu.matmul %broadcast_in_dim3A_37, %max3A_36, %dot_general3A_38 {dimension_numbers = #tpu.dot_dimension_numbers<[1], [0], [0], [1], [0, 0, 1, 1], [], []>, precision = #tpu.contract_precision<fp32>, transpose_lhs_hint = false} : vector<1x10000xf32>, vector<10000x128xf32>, vector<1x128xf32> -> vector<1x128xf32>
    %div3A = arith.constant 1.000000e+04 : f32
    %div3A_40 = vector.broadcast %div3A : f32 to vector<1x128xf32>
    %div3A_41 = arith.divf %dot_general3A_39, %div3A_40 : vector<1x128xf32>
    %sub3A = vector.broadcast %div3A_41 : vector<1x128xf32> to vector<10000x128xf32>
    %sub3A_42 = arith.subf %max3A_36, %sub3A : vector<10000x128xf32>
    %integer_pow3A = arith.mulf %sub3A_42, %sub3A_42 : vector<10000x128xf32>
    %dot_general3A_43 = arith.constant dense<0.000000e+00> : vector<1x128xf32>
    %dot_general3A_44 = tpu.matmul %broadcast_in_dim3A_37, %integer_pow3A, %dot_general3A_43 {dimension_numbers = #tpu.dot_dimension_numbers<[1], [0], [0], [1], [0, 0, 1, 1], [], []>, precision = #tpu.contract_precision<fp32>, transpose_lhs_hint = false} : vector<1x10000xf32>, vector<10000x128xf32>, vector<1x128xf32> -> vector<1x128xf32>
    %div3A_45 = arith.constant 1.000000e+04 : f32
    %div3A_46 = vector.broadcast %div3A_45 : f32 to vector<1x128xf32>
    %div3A_47 = arith.divf %dot_general3A_44, %div3A_46 : vector<1x128xf32>
    %sub3A_48 = vector.broadcast %div3A_41 : vector<1x128xf32> to vector<10000x128xf32>
    %sub3A_49 = arith.subf %max3A_36, %sub3A_48 : vector<10000x128xf32>
    %add3A_50 = arith.constant 9.99999974E-6 : f32
    %add3A_51 = vector.broadcast %add3A_50 : f32 to vector<1x128xf32>
    %add3A_52 = arith.addf %div3A_47, %add3A_51 : vector<1x128xf32>
    %sqrt3A = math.sqrt %add3A_52 : vector<1x128xf32>
    %div3A_53 = vector.broadcast %sqrt3A : vector<1x128xf32> to vector<10000x128xf32>
    %div3A_54 = arith.divf %sub3A_49, %div3A_53 : vector<10000x128xf32>
    %get3A_55 = arith.constant 0 : index
    %get3A_56 = arith.constant 0 : index
    %get3A_57 = vector.load %arg6[%get3A_55, %get3A_56] : memref<1x128xf32, #tpu.memory_space<vmem>>, vector<1x128xf32>
    %mul3A = vector.broadcast %get3A_57 : vector<1x128xf32> to vector<10000x128xf32>
    %mul3A_58 = arith.mulf %div3A_54, %mul3A : vector<10000x128xf32>
    %get3A_59 = arith.constant 0 : index
    %get3A_60 = arith.constant 0 : index
    %get3A_61 = vector.load %arg7[%get3A_59, %get3A_60] : memref<1x128xf32, #tpu.memory_space<vmem>>, vector<1x128xf32>
    %add3A_62 = vector.broadcast %get3A_61 : vector<1x128xf32> to vector<10000x128xf32>
    %add3A_63 = arith.addf %mul3A_58, %add3A_62 : vector<10000x128xf32>
    %get3A_64 = arith.constant 0 : index
    %get3A_65 = arith.constant 0 : index
    %get3A_66 = vector.load %arg8[%get3A_64, %get3A_65] : memref<128x128xf32, #tpu.memory_space<vmem>>, vector<128x128xf32>
    %dot_general3A_67 = arith.constant dense<0.000000e+00> : vector<10000x128xf32>
    %dot_general3A_68 = tpu.matmul %add3A_63, %get3A_66, %dot_general3A_67 {dimension_numbers = #tpu.dot_dimension_numbers<[1], [0], [0], [1], [0, 0, 1, 1], [], []>, transpose_lhs_hint = false} : vector<10000x128xf32>, vector<128x128xf32>, vector<10000x128xf32> -> vector<10000x128xf32>
    %get3A_69 = arith.constant 0 : index
    %get3A_70 = arith.constant 0 : index
    %get3A_71 = vector.load %arg9[%get3A_69, %get3A_70] : memref<128x128xf32, #tpu.memory_space<vmem>>, vector<128x128xf32>
    %dot_general3A_72 = arith.constant dense<0.000000e+00> : vector<10000x128xf32>
    %dot_general3A_73 = tpu.matmul %dot_general3A_68, %get3A_71, %dot_general3A_72 {dimension_numbers = #tpu.dot_dimension_numbers<[1], [0], [0], [1], [0, 0, 1, 1], [], []>, transpose_lhs_hint = false} : vector<10000x128xf32>, vector<128x128xf32>, vector<10000x128xf32> -> vector<10000x128xf32>
    %slice3A_74 = vector.extract_strided_slice %dot_general3A_73 {offsets = [0, 0], sizes = [10000, 1], strides = [1, 1]} : vector<10000x128xf32> to vector<10000x1xf32>
    %slice3A_75 = vector.extract_strided_slice %dot_general3A_73 {offsets = [0, 1], sizes = [10000, 1], strides = [1, 1]} : vector<10000x128xf32> to vector<10000x1xf32>
    %reduce_max3A = vector.shape_cast %slice3A_74 : vector<10000x1xf32> to vector<1x10000x1xf32>
    %reduce_max3A_76 = arith.constant dense<0xFF800000> : vector<1xf32>
    %reduce_max3A_77 = vector.multi_reduction <maximumf>, %reduce_max3A, %reduce_max3A_76 [1, 2] : vector<1x10000x1xf32> to vector<1xf32>
    %reduce_max3A_78 = vector.shape_cast %reduce_max3A_77 : vector<1xf32> to vector<1x1x1xf32>
    %reduce_max3A_79 = vector.extract %reduce_max3A_78[0, 0, 0] : f32 from vector<1x1x1xf32>
    %reduce_max3A_80 = vector.shape_cast %slice3A_75 : vector<10000x1xf32> to vector<1x10000x1xf32>
    %reduce_max3A_81 = arith.constant dense<0xFF800000> : vector<1xf32>
    %reduce_max3A_82 = vector.multi_reduction <maximumf>, %reduce_max3A_80, %reduce_max3A_81 [1, 2] : vector<1x10000x1xf32> to vector<1xf32>
    %reduce_max3A_83 = vector.shape_cast %reduce_max3A_82 : vector<1xf32> to vector<1x1x1xf32>
    %reduce_max3A_84 = vector.extract %reduce_max3A_83[0, 0, 0] : f32 from vector<1x1x1xf32>
    %add3A_85 = arith.addf %reduce_max3A_79, %reduce_max3A_84 : f32
    %ge3A = arith.constant 0.000000e+00 : f32
    %ge3A_86 = arith.cmpf oge, %add3A_85, %ge3A : f32
    %mul3A_87 = arith.constant 2.000000e-01 : f32
    %mul3A_88 = arith.mulf %add3A_85, %mul3A_87 : f32
    %select_n3A = arith.select %ge3A_86, %add3A_85, %mul3A_88 : f32
    %swap3A = arith.constant 0 : index
    %swap3A_89 = arith.constant 0 : index
    %swap3A_90 = vector.load %arg10[%swap3A, %swap3A_89] : memref<10000x128xf32, #tpu.memory_space<vmem>>, vector<10000x128xf32>
    tpu.vector_store %arg10[%swap3A, %swap3A_89], %dot_general3A_68 {strides = array<i32>} : memref<10000x128xf32, #tpu.memory_space<vmem>>, vector<10000x128xf32>,
    %swap3A_91 = arith.constant 0 : index
    %swap3A_92 = arith.constant 0 : index
    %swap3A_93 = vector.load %arg11[%swap3A_91, %swap3A_92] : memref<10000x1xf32, #tpu.memory_space<vmem>>, vector<10000x1xf32>
    tpu.vector_store %arg11[%swap3A_91, %swap3A_92], %slice3A_74 {strides = array<i32>} : memref<10000x1xf32, #tpu.memory_space<vmem>>, vector<10000x1xf32>,
    %swap3A_94 = arith.constant 0 : index
    %swap3A_95 = arith.constant 0 : index
    %swap3A_96 = vector.load %arg12[%swap3A_94, %swap3A_95] : memref<10000x1xf32, #tpu.memory_space<vmem>>, vector<10000x1xf32>
    tpu.vector_store %arg12[%swap3A_94, %swap3A_95], %slice3A_75 {strides = array<i32>} : memref<10000x1xf32, #tpu.memory_space<vmem>>, vector<10000x1xf32>,
    %reshape3A = vector.broadcast %select_n3A : f32 to vector<1x1xf32>
    %swap3A_97 = arith.constant 0 : index
    %swap3A_98 = arith.constant 0 : index
    %swap3A_99 = vector.load %arg13[%swap3A_97, %swap3A_98] : memref<1x1xf32, #tpu.memory_space<vmem>>, vector<1x1xf32>
    tpu.vector_store %arg13[%swap3A_97, %swap3A_98], %reshape3A {strides = array<i32>} : memref<1x1xf32, #tpu.memory_space<vmem>>, vector<1x1xf32>,
    return
  }
}

module attributes {stable_mosaic.version = 14 : i64} {
  func.func @_tc2_body(%arg0: memref<2x10112x128xf32, #tpu.memory_space<vmem>>, %arg1: memref<10000x128xf32, #tpu.memory_space<vmem>>, %arg2: memref<10000x1xf32, #tpu.memory_space<vmem>>, %arg3: memref<10000x1xf32, #tpu.memory_space<vmem>>, %arg4: memref<1x1xf32, #tpu.memory_space<vmem>>, %arg5: memref<1x10000xi32, #tpu.memory_space<vmem>>, %arg6: memref<1x128xf32, #tpu.memory_space<vmem>>, %arg7: memref<128x256xf32, #tpu.memory_space<vmem>>, %arg8: memref<1x256xf32, #tpu.memory_space<vmem>>, %arg9: memref<256x128xf32, #tpu.memory_space<vmem>>, %arg10: memref<1x128xf32, #tpu.memory_space<vmem>>, %arg11: memref<128x128xf32, #tpu.memory_space<vmem>>, %arg12: memref<1x128xf32, #tpu.memory_space<vmem>>, %arg13: memref<256x128xf32, #tpu.memory_space<vmem>>, %arg14: memref<1x128xf32, #tpu.memory_space<vmem>>, %arg15: memref<128x128xf32, #tpu.memory_space<vmem>>, %arg16: memref<1x128xf32, #tpu.memory_space<vmem>>, %arg17: memref<256x128xf32, #tpu.memory_space<vmem>>, %arg18: memref<1x128xf32, #tpu.memory_space<vmem>>, %arg19: memref<128x128xf32, #tpu.memory_space<vmem>>, %arg20: memref<1x128xf32, #tpu.memory_space<vmem>>, %arg21: memref<128x128xf32, #tpu.memory_space<vmem>>, %arg22: memref<128x128xf32, #tpu.memory_space<vmem>>, %arg23: memref<128x128xf32, #tpu.memory_space<vmem>>) attributes {dimension_semantics = [], scalar_prefetch = 0 : i64, scratch_operands = 0 : i64, tpu.core_type = #tpu.core_type<tc>} {
    %get3A = arith.constant 0 : index
    %get3A_0 = arith.constant 0 : index
    %get3A_1 = vector.load %arg2[%get3A, %get3A_0] : memref<10000x1xf32, #tpu.memory_space<vmem>>, vector<10000x1xf32>
    %get3A_2 = arith.constant 0 : index
    %get3A_3 = arith.constant 0 : index
    %get3A_4 = vector.load %arg3[%get3A_2, %get3A_3] : memref<10000x1xf32, #tpu.memory_space<vmem>>, vector<10000x1xf32>
    %add3A = arith.addf %get3A_1, %get3A_4 : vector<10000x1xf32>
    %ge3A = arith.constant 0.000000e+00 : f32
    %ge3A_5 = vector.broadcast %ge3A : f32 to vector<10000x1xf32>
    %ge3A_6 = arith.cmpf oge, %add3A, %ge3A_5 : vector<10000x1xf32>
    %mul3A = arith.constant 2.000000e-01 : f32
    %mul3A_7 = vector.broadcast %mul3A : f32 to vector<10000x1xf32>
    %mul3A_8 = arith.mulf %add3A, %mul3A_7 : vector<10000x1xf32>
    %select_n3A = arith.select %ge3A_6, %add3A, %mul3A_8 : vector<10000x1xi1>, vector<10000x1xf32>
    %get3A_9 = arith.constant 0 : index
    %get3A_10 = arith.constant 0 : index
    %get3A_11 = vector.load %arg4[%get3A_9, %get3A_10] : memref<1x1xf32, #tpu.memory_space<vmem>>, vector<1x1xf32>
    %sub3A = vector.broadcast %get3A_11 : vector<1x1xf32> to vector<10000x1xf32>
    %sub3A_12 = arith.subf %select_n3A, %sub3A : vector<10000x1xf32>
    %exp3A = math.exp %sub3A_12 : vector<10000x1xf32>
    %get3A_13 = arith.constant 0 : index
    %get3A_14 = arith.constant 0 : index
    %get3A_15 = arith.constant 0 : index
    %get3A_16 = vector.load %arg0[%get3A_13, %get3A_14, %get3A_15] : memref<2x10112x128xf32, #tpu.memory_space<vmem>>, vector<1x10112x128xf32>
    %get3A_17 = vector.shape_cast %get3A_16 : vector<1x10112x128xf32> to vector<10112x128xf32>
    %get3A_18 = arith.constant 1 : index
    %get3A_19 = arith.constant 0 : index
    %get3A_20 = arith.constant 0 : index
    %get3A_21 = vector.load %arg0[%get3A_18, %get3A_19, %get3A_20] : memref<2x10112x128xf32, #tpu.memory_space<vmem>>, vector<1x10112x128xf32>
    %get3A_22 = vector.shape_cast %get3A_21 : vector<1x10112x128xf32> to vector<10112x128xf32>
    %add3A_23 = arith.addf %get3A_17, %get3A_22 : vector<10112x128xf32>
    %slice3A = vector.extract_strided_slice %add3A_23 {offsets = [0, 95], sizes = [10000, 1], strides = [1, 1]} : vector<10112x128xf32> to vector<10000x1xf32>
    %add3A_24 = arith.addf %slice3A, %exp3A : vector<10000x1xf32>
    %div3A = arith.constant 1.000000e+00 : f32
    %div3A_25 = vector.broadcast %div3A : f32 to vector<10000x1xf32>
    %div3A_26 = arith.divf %div3A_25, %add3A_24 : vector<10000x1xf32>
    %slice3A_27 = vector.extract_strided_slice %add3A_23 {offsets = [0, 0], sizes = [10000, 128], strides = [1, 1]} : vector<10112x128xf32> to vector<10000x128xf32>
    %mul3A_28 = vector.broadcast %div3A_26 : vector<10000x1xf32> to vector<10000x128xf32>
    %mul3A_29 = arith.mulf %mul3A_28, %slice3A_27 : vector<10000x128xf32>
    %mul3A_30 = arith.mulf %exp3A, %div3A_26 : vector<10000x1xf32>
    %get3A_31 = arith.constant 0 : index
    %get3A_32 = arith.constant 0 : index
    %get3A_33 = vector.load %arg1[%get3A_31, %get3A_32] : memref<10000x128xf32, #tpu.memory_space<vmem>>, vector<10000x128xf32>
    %mul3A_34 = vector.broadcast %mul3A_30 : vector<10000x1xf32> to vector<10000x128xf32>
    %mul3A_35 = arith.mulf %mul3A_34, %get3A_33 : vector<10000x128xf32>
    %add3A_36 = arith.addf %mul3A_29, %mul3A_35 : vector<10000x128xf32>
    %get3A_37 = arith.constant 0 : index
    %get3A_38 = arith.constant 0 : index
    %get3A_39 = vector.load %arg6[%get3A_37, %get3A_38] : memref<1x128xf32, #tpu.memory_space<vmem>>, vector<1x128xf32>
    %add3A_40 = vector.broadcast %get3A_39 : vector<1x128xf32> to vector<10000x128xf32>
    %add3A_41 = arith.addf %add3A_36, %add3A_40 : vector<10000x128xf32>
    %iota3A = tpu.iota {dimensions = array<i32: 0>} : vector<128x10000xi32>
    %get3A_42 = arith.constant 0 : index
    %get3A_43 = arith.constant 0 : index
    %get3A_44 = vector.load %arg5[%get3A_42, %get3A_43] : memref<1x10000xi32, #tpu.memory_space<vmem>>, vector<1x10000xi32>
    %eq3A = vector.broadcast %get3A_44 : vector<1x10000xi32> to vector<128x10000xi32>
    %eq3A_45 = arith.cmpi eq, %eq3A, %iota3A : vector<128x10000xi32>
    %convert_element_type3A = arith.extui %eq3A_45 : vector<128x10000xi1> to vector<128x10000xi32>
    %convert_element_type3A_46 = arith.sitofp %convert_element_type3A : vector<128x10000xi32> to vector<128x10000xf32>
    %dot_general3A = arith.constant dense<0.000000e+00> : vector<128x128xf32>
    %dot_general3A_47 = tpu.matmul %convert_element_type3A_46, %add3A_41, %dot_general3A {dimension_numbers = #tpu.dot_dimension_numbers<[1], [0], [0], [1], [0, 0, 1, 1], [], []>, precision = #tpu.contract_precision<fp32>, transpose_lhs_hint = false} : vector<128x10000xf32>, vector<10000x128xf32>, vector<128x128xf32> -> vector<128x128xf32>
    %get3A_48 = arith.constant 0 : index
    %get3A_49 = arith.constant 0 : index
    %get3A_50 = vector.load %arg7[%get3A_48, %get3A_49] : memref<128x256xf32, #tpu.memory_space<vmem>>, vector<128x256xf32>
    %dot_general3A_51 = arith.constant dense<0.000000e+00> : vector<128x256xf32>
    %dot_general3A_52 = tpu.matmul %dot_general3A_47, %get3A_50, %dot_general3A_51 {dimension_numbers = #tpu.dot_dimension_numbers<[1], [0], [0], [1], [0, 0, 1, 1], [], []>, transpose_lhs_hint = false} : vector<128x128xf32>, vector<128x256xf32>, vector<128x256xf32> -> vector<128x256xf32>
    %get3A_53 = arith.constant 0 : index
    %get3A_54 = arith.constant 0 : index
    %get3A_55 = vector.load %arg8[%get3A_53, %get3A_54] : memref<1x256xf32, #tpu.memory_space<vmem>>, vector<1x256xf32>
    %add3A_56 = vector.broadcast %get3A_55 : vector<1x256xf32> to vector<128x256xf32>
    %add3A_57 = arith.addf %dot_general3A_52, %add3A_56 : vector<128x256xf32>
    %max3A = arith.constant 0.000000e+00 : f32
    %max3A_58 = vector.broadcast %max3A : f32 to vector<128x256xf32>
    %max3A_59 = arith.maximumf %add3A_57, %max3A_58 : vector<128x256xf32>
    %get3A_60 = arith.constant 0 : index
    %get3A_61 = arith.constant 0 : index
    %get3A_62 = vector.load %arg9[%get3A_60, %get3A_61] : memref<256x128xf32, #tpu.memory_space<vmem>>, vector<256x128xf32>
    %dot_general3A_63 = arith.constant dense<0.000000e+00> : vector<128x128xf32>
    %dot_general3A_64 = tpu.matmul %max3A_59, %get3A_62, %dot_general3A_63 {dimension_numbers = #tpu.dot_dimension_numbers<[1], [0], [0], [1], [0, 0, 1, 1], [], []>, transpose_lhs_hint = false} : vector<128x256xf32>, vector<256x128xf32>, vector<128x128xf32> -> vector<128x128xf32>
    %get3A_65 = arith.constant 0 : index
    %get3A_66 = arith.constant 0 : index
    %get3A_67 = vector.load %arg10[%get3A_65, %get3A_66] : memref<1x128xf32, #tpu.memory_space<vmem>>, vector<1x128xf32>
    %add3A_68 = vector.broadcast %get3A_67 : vector<1x128xf32> to vector<128x128xf32>
    %add3A_69 = arith.addf %dot_general3A_64, %add3A_68 : vector<128x128xf32>
    %max3A_70 = arith.constant 0.000000e+00 : f32
    %max3A_71 = vector.broadcast %max3A_70 : f32 to vector<128x128xf32>
    %max3A_72 = arith.maximumf %add3A_69, %max3A_71 : vector<128x128xf32>
    %get3A_73 = arith.constant 0 : index
    %get3A_74 = arith.constant 0 : index
    %get3A_75 = vector.load %arg11[%get3A_73, %get3A_74] : memref<128x128xf32, #tpu.memory_space<vmem>>, vector<128x128xf32>
    %dot_general3A_76 = arith.constant dense<0.000000e+00> : vector<128x128xf32>
    %dot_general3A_77 = tpu.matmul %max3A_72, %get3A_75, %dot_general3A_76 {dimension_numbers = #tpu.dot_dimension_numbers<[1], [0], [0], [1], [0, 0, 1, 1], [], []>, transpose_lhs_hint = false} : vector<128x128xf32>, vector<128x128xf32>, vector<128x128xf32> -> vector<128x128xf32>
    %get3A_78 = arith.constant 0 : index
    %get3A_79 = arith.constant 0 : index
    %get3A_80 = vector.load %arg12[%get3A_78, %get3A_79] : memref<1x128xf32, #tpu.memory_space<vmem>>, vector<1x128xf32>
    %add3A_81 = vector.broadcast %get3A_80 : vector<1x128xf32> to vector<128x128xf32>
    %add3A_82 = arith.addf %dot_general3A_77, %add3A_81 : vector<128x128xf32>
    %neg3A = arith.constant 0.000000e+00 : f32
    %neg3A_83 = vector.broadcast %neg3A : f32 to vector<128x128xf32>
    %neg3A_84 = arith.subf %neg3A_83, %add3A_82 : vector<128x128xf32>
    %exp3A_85 = math.exp %neg3A_84 : vector<128x128xf32>
    %add3A_86 = arith.constant 1.000000e+00 : f32
    %add3A_87 = vector.broadcast %add3A_86 : f32 to vector<128x128xf32>
    %add3A_88 = arith.addf %add3A_87, %exp3A_85 : vector<128x128xf32>
    %div3A_89 = arith.constant 1.000000e+00 : f32
    %div3A_90 = vector.broadcast %div3A_89 : f32 to vector<128x128xf32>
    %div3A_91 = arith.divf %div3A_90, %add3A_88 : vector<128x128xf32>
    %swap3A = arith.constant 0 : index
    %swap3A_92 = arith.constant 0 : index
    %swap3A_93 = vector.load %arg21[%swap3A, %swap3A_92] : memref<128x128xf32, #tpu.memory_space<vmem>>, vector<128x128xf32>
    tpu.vector_store %arg21[%swap3A, %swap3A_92], %div3A_91 {strides = array<i32>} : memref<128x128xf32, #tpu.memory_space<vmem>>, vector<128x128xf32>,
    %get3A_94 = arith.constant 0 : index
    %get3A_95 = arith.constant 0 : index
    %get3A_96 = vector.load %arg13[%get3A_94, %get3A_95] : memref<256x128xf32, #tpu.memory_space<vmem>>, vector<256x128xf32>
    %dot_general3A_97 = arith.constant dense<0.000000e+00> : vector<128x128xf32>
    %dot_general3A_98 = tpu.matmul %max3A_59, %get3A_96, %dot_general3A_97 {dimension_numbers = #tpu.dot_dimension_numbers<[1], [0], [0], [1], [0, 0, 1, 1], [], []>, transpose_lhs_hint = false} : vector<128x256xf32>, vector<256x128xf32>, vector<128x128xf32> -> vector<128x128xf32>
    %get3A_99 = arith.constant 0 : index
    %get3A_100 = arith.constant 0 : index
    %get3A_101 = vector.load %arg14[%get3A_99, %get3A_100] : memref<1x128xf32, #tpu.memory_space<vmem>>, vector<1x128xf32>
    %add3A_102 = vector.broadcast %get3A_101 : vector<1x128xf32> to vector<128x128xf32>
    %add3A_103 = arith.addf %dot_general3A_98, %add3A_102 : vector<128x128xf32>
    %max3A_104 = arith.constant 0.000000e+00 : f32
    %max3A_105 = vector.broadcast %max3A_104 : f32 to vector<128x128xf32>
    %max3A_106 = arith.maximumf %add3A_103, %max3A_105 : vector<128x128xf32>
    %get3A_107 = arith.constant 0 : index
    %get3A_108 = arith.constant 0 : index
    %get3A_109 = vector.load %arg15[%get3A_107, %get3A_108] : memref<128x128xf32, #tpu.memory_space<vmem>>, vector<128x128xf32>
    %dot_general3A_110 = arith.constant dense<0.000000e+00> : vector<128x128xf32>
    %dot_general3A_111 = tpu.matmul %max3A_106, %get3A_109, %dot_general3A_110 {dimension_numbers = #tpu.dot_dimension_numbers<[1], [0], [0], [1], [0, 0, 1, 1], [], []>, transpose_lhs_hint = false} : vector<128x128xf32>, vector<128x128xf32>, vector<128x128xf32> -> vector<128x128xf32>
    %get3A_112 = arith.constant 0 : index
    %get3A_113 = arith.constant 0 : index
    %get3A_114 = vector.load %arg16[%get3A_112, %get3A_113] : memref<1x128xf32, #tpu.memory_space<vmem>>, vector<1x128xf32>
    %add3A_115 = vector.broadcast %get3A_114 : vector<1x128xf32> to vector<128x128xf32>
    %add3A_116 = arith.addf %dot_general3A_111, %add3A_115 : vector<128x128xf32>
    %swap3A_117 = arith.constant 0 : index
    %swap3A_118 = arith.constant 0 : index
    %swap3A_119 = vector.load %arg22[%swap3A_117, %swap3A_118] : memref<128x128xf32, #tpu.memory_space<vmem>>, vector<128x128xf32>
    tpu.vector_store %arg22[%swap3A_117, %swap3A_118], %add3A_116 {strides = array<i32>} : memref<128x128xf32, #tpu.memory_space<vmem>>, vector<128x128xf32>,
    %get3A_120 = arith.constant 0 : index
    %get3A_121 = arith.constant 0 : index
    %get3A_122 = vector.load %arg17[%get3A_120, %get3A_121] : memref<256x128xf32, #tpu.memory_space<vmem>>, vector<256x128xf32>
    %dot_general3A_123 = arith.constant dense<0.000000e+00> : vector<128x128xf32>
    %dot_general3A_124 = tpu.matmul %max3A_59, %get3A_122, %dot_general3A_123 {dimension_numbers = #tpu.dot_dimension_numbers<[1], [0], [0], [1], [0, 0, 1, 1], [], []>, transpose_lhs_hint = false} : vector<128x256xf32>, vector<256x128xf32>, vector<128x128xf32> -> vector<128x128xf32>
    %get3A_125 = arith.constant 0 : index
    %get3A_126 = arith.constant 0 : index
    %get3A_127 = vector.load %arg18[%get3A_125, %get3A_126] : memref<1x128xf32, #tpu.memory_space<vmem>>, vector<1x128xf32>
    %add3A_128 = vector.broadcast %get3A_127 : vector<1x128xf32> to vector<128x128xf32>
    %add3A_129 = arith.addf %dot_general3A_124, %add3A_128 : vector<128x128xf32>
    %max3A_130 = arith.constant 0.000000e+00 : f32
    %max3A_131 = vector.broadcast %max3A_130 : f32 to vector<128x128xf32>
    %max3A_132 = arith.maximumf %add3A_129, %max3A_131 : vector<128x128xf32>
    %get3A_133 = arith.constant 0 : index
    %get3A_134 = arith.constant 0 : index
    %get3A_135 = vector.load %arg19[%get3A_133, %get3A_134] : memref<128x128xf32, #tpu.memory_space<vmem>>, vector<128x128xf32>
    %dot_general3A_136 = arith.constant dense<0.000000e+00> : vector<128x128xf32>
    %dot_general3A_137 = tpu.matmul %max3A_132, %get3A_135, %dot_general3A_136 {dimension_numbers = #tpu.dot_dimension_numbers<[1], [0], [0], [1], [0, 0, 1, 1], [], []>, transpose_lhs_hint = false} : vector<128x128xf32>, vector<128x128xf32>, vector<128x128xf32> -> vector<128x128xf32>
    %get3A_138 = arith.constant 0 : index
    %get3A_139 = arith.constant 0 : index
    %get3A_140 = vector.load %arg20[%get3A_138, %get3A_139] : memref<1x128xf32, #tpu.memory_space<vmem>>, vector<1x128xf32>
    %add3A_141 = vector.broadcast %get3A_140 : vector<1x128xf32> to vector<128x128xf32>
    %add3A_142 = arith.addf %dot_general3A_137, %add3A_141 : vector<128x128xf32>
    %swap3A_143 = arith.constant 0 : index
    %swap3A_144 = arith.constant 0 : index
    %swap3A_145 = vector.load %arg23[%swap3A_143, %swap3A_144] : memref<128x128xf32, #tpu.memory_space<vmem>>, vector<128x128xf32>
    tpu.vector_store %arg23[%swap3A_143, %swap3A_144], %add3A_142 {strides = array<i32>} : memref<128x128xf32, #tpu.memory_space<vmem>>, vector<128x128xf32>,
    return
  }
}

</mosaic_0001>

<sc_bundles>
// kernel: kernel.6.cloned.1.call-start
scs
__scs_entry_jumppad:
0x0: {  	(pc) =	sbr.rel $0x88, $3  }
0x1: {  	(tag) =	ssettag $0x0;
	lr =	simm.s32 $0x1  }
0x2: {  	[smem:$0x3F86] =	sst lr;
	_ =	strace $0xD0000000  }
0x3: {  	_ = 	snop  }
0x4: {  	_ = 	snop  }
0x5: {  	_ = 	snop  }
0x6: {  	_ = 	snop  }
0x7: {  	_ = 	snop  }
__scs_overlays_trampoline_lowered:
0x8: {  	[smem:$0x3F95] =	sst s0  }
0x9: {  	[smem:$0x3F96] =	sst s1  }
0xa: {  	[smem:$0x3F97] =	sst s2  }
0xb: {  	[smem:$0x3F98] =	sst s3  }
0xc: {  	[smem:$0x3F99] =	sst s4  }
0xd: {  	[smem:$0x3F9A] =	sst s5  }
0xe: {  	[smem:$0x3F9B] =	sst s6  }
0xf: {  	[smem:$0x3F9C] =	sst s7  }
0x10: {  	[smem:$0x3F9D] =	sst s8  }
0x11: {  	[smem:$0x3F9E] =	sst s9;
	s0 =	simm.s32 @!p0 $0x0  }
0x12: {  	s1 =	sld [smem:$0x3F84];
	s0 =	simm.s32 @p0 $0x1  }
0x13: {  	[smem:$0x3F9F] =	sst s0;
	s0 =	simm.s32 @!p1 $0x0  }
0x14: {  	s2 =	sld [smem:$0x3F83];
	s0 =	simm.s32 @p1 $0x1  }
0x15: {  	[smem:$0x3FA0] =	sst s0;
	s0 =	simm.s32 @!p2 $0x0  }
0x16: {  	s3 =	sld [smem:$0x3FDB];
	s0 =	simm.s32 @p2 $0x1  }
0x17: {  	s4 =	simm.s32 $0x1BF5;
	[smem:$0x3FA2] =	sst s0  }
0x18: {  	s0 =	sld [smem:$0x3F85];
	_ =	swait.ge [sflag:s4], $0x0  }
0x19: {  	s7 =	sld [smem:$0x3F86]  }
0x1a: {  	s8 =	sadd.s32 $0xFFFFE003, lr  }
0x1b: {  	s9 =	sadd.s32 $0xFFFFFEF7, lr;
	s5 =	simm.s32 $0xFFFFFFFF;
	p2 =	slt.u32 s8, $0xFFFFF086  }
0x1c: {  	p1 =	slt.u32 s9, $0xF7A;
	s5 =	simm.s32 @!p2 $0x0  }
0x1d: {  	s5 =	simm.s32 @p1 $0x1;
	p0 =	seq.s32 s7, s2  }
0x1e: {  	s7 =	smul.u32 @!p0 $0xF7A, s2;
	p2 =	seq.s32 @!p0 s5, $0x0  }
0x1f: {  	s9 =	smul.u32 $0xF7A, s1;
	s8 =	simm.s32 @!p0 $0x1BF5;
	p2 =	por !p2, p0  }
0x20: {  	[sflag:s8] =	ssyncset.s32 @!p0 $0xFFFFF086;
	s6 =	sadd.s32 @!p0 s3, s7;
	s7 =	simm.s32 @!p0 $0x108  }
0x21: {  	s3 =	sadd.s32 s3, s9;
	s6 =	sadd.s32 @!p0 $0x88, s6;
	s7 =	simm.s32 @p2 $0x1082  }
0x22: {  	[simem:s7], [sflag:s8] =	dma.local @!p0 [hbm:s6], $0xF7A  }
0x23: {  	s9 =	sor.u32 $0xD0000000, s2;
	s6 =	simm.s32 $0x108;
	_ =	swait.ge @!p0 [sflag:s8], $0x0  }
0x24: {  	s3 =	sadd.s32 $0x88, s3;
	s6 =	simm.s32 @!p1 $0x1082;
	[sflag:s4] =	ssyncset.s32 $0xFFFFF086  }
0x25: {  	[simem:s6], [sflag:s4] =	dma.local [hbm:s3], $0xF7A  }
0x26: {  	[smem:$0x3F86] =	sst s1;
	(tag) =	ssettag s2;
	_ =	strace s9  }
0x27: {  	s1 =	sld [smem:$0x3F96]  }
0x28: {  	s2 =	sld [smem:$0x3F97]  }
0x29: {  	s4 =	sld [smem:$0x3F99]  }
0x2a: {  	p0 =	seq.s32 s5, $0x0;
	s5 =	sld [smem:$0x3F9A]  }
0x2b: {  	s6 =	sld [smem:$0x3F9B]  }
0x2c: {  	s7 =	sld [smem:$0x3F9C]  }
0x2d: {  	s3 =	simm.s32 $0x108;
	s8 =	sld [smem:$0x3F9D]  }
0x2e: {  	s3 =	simm.s32 @!p0 $0x1082;
	s9 =	sld [smem:$0x3F9E]  }
0x2f: {  	lr =	sadd.s32 s0, s3;
	s0 =	sld [smem:$0x3F95]  }
0x30: {  	s3 =	sld [smem:$0x3F98]  }
0x31: {  	[smem:$0x3FA1] =	sst s10  }
0x32: {  	s10 =	sld [smem:$0x3F9F];
	_ =	sdelay $0x3  }
0x33: {  	p0 =	seq.s32 s10, $0x1;
	s10 =	sld [smem:$0x3FA1];
	_ =	sdelay $0x3  }
0x34: {  	[smem:$0x3FA1] =	sst s10  }
0x35: {  	s10 =	sld [smem:$0x3FA0];
	_ =	sdelay $0x3  }
0x36: {  	p1 =	seq.s32 s10, $0x1;
	s10 =	sld [smem:$0x3FA1];
	_ =	sdelay $0x3  }
0x37: {  	[smem:$0x3FA1] =	sst s10  }
0x38: {  	s10 =	sld [smem:$0x3FA2]  }
0x39: {  	_ = 	snop;
	(pc) =	sbr.ind lr, $3  }
0x3a: {  	_ = 	snop  }
0x3b: {  	_ = 	snop  }
0x3c: {  	p2 =	seq.s32 s10, $0x1;
	s10 =	sld [smem:$0x3FA1]  }
0x3d: {  	_ =	shalt  }
0x3e: {  	_ =	shalt  }
0x3f: {  	_ =	shalt  }
0x40: {  	_ =	shalt  }
0x41: {  	_ =	shalt  }
0x42: {  	_ =	shalt  }
0x43: {  	_ =	shalt  }
0x44: {  	_ =	shalt  }
0x45: {  	_ =	shalt  }
0x46: {  	_ =	shalt  }
0x47: {  	_ =	shalt  }
0x48: {  	_ =	shalt  }
0x49: {  	_ =	shalt  }
0x4a: {  	_ =	shalt  }
0x4b: {  	_ =	shalt  }
0x4c: {  	_ =	shalt  }
0x4d: {  	_ =	shalt  }
0x4e: {  	_ =	shalt  }
0x4f: {  	_ =	shalt  }
0x50: {  	_ =	shalt  }
0x51: {  	_ =	shalt  }
0x52: {  	_ =	shalt  }
0x53: {  	_ =	shalt  }
0x54: {  	_ =	shalt  }
0x55: {  	_ =	shalt  }
0x56: {  	_ =	shalt  }
0x57: {  	_ =	shalt  }
0x58: {  	_ =	shalt  }
0x59: {  	_ =	shalt  }
0x5a: {  	_ =	shalt  }
0x5b: {  	_ =	shalt  }
0x5c: {  	_ =	shalt  }
0x5d: {  	_ =	shalt  }
0x5e: {  	_ =	shalt  }
0x5f: {  	_ =	shalt  }
0x60: {  	_ =	shalt  }
0x61: {  	_ =	shalt  }
0x62: {  	_ =	shalt  }
0x63: {  	_ =	shalt  }
0x64: {  	_ =	shalt  }
0x65: {  	_ =	shalt  }
0x66: {  	_ =	shalt  }
0x67: {  	_ =	shalt  }
0x68: {  	_ =	shalt  }
0x69: {  	_ =	shalt  }
0x6a: {  	_ =	shalt  }
0x6b: {  	_ =	shalt  }
0x6c: {  	_ =	shalt  }
0x6d: {  	_ =	shalt  }
0x6e: {  	_ =	shalt  }
0x6f: {  	_ =	shalt  }
0x70: {  	_ =	shalt  }
0x71: {  	_ =	shalt  }
0x72: {  	_ =	shalt  }
0x73: {  	_ =	shalt  }
0x74: {  	_ =	shalt  }
0x75: {  	_ =	shalt  }
0x76: {  	_ =	shalt  }
0x77: {  	_ =	shalt  }
0x78: {  	_ =	shalt  }
0x79: {  	_ =	shalt  }
0x7a: {  	_ =	shalt  }
0x7b: {  	_ =	shalt  }
0x7c: {  	_ =	shalt  }
0x7d: {  	_ =	shalt  }
0x7e: {  	_ =	shalt  }
0x7f: {  	_ =	shalt  }
0x80: {  	_ =	shalt  }
0x81: {  	_ =	shalt  }
0x82: {  	_ =	shalt  }
0x83: {  	_ =	shalt  }
0x84: {  	_ =	shalt  }
0x85: {  	_ =	shalt  }
0x86: {  	_ =	shalt  }
0x87: {  	_ =	shalt  }
.Lfunc_end0:
.L_simem_size_0:
called_computation_lowered:
.L_overlay_start_0:
0x88: {  	s2 =	sld [smem:$0x3FD9]  }
0x89: {  	s3 =	sld [smem:$0x3FFE];
	_ =	sdelay $0x1  }
0x8a: {  	s1 =	srdreg.scid  }
0x8b: {  	s0 =	sand.u32 $0x1, s1  }
0x8c: {  	s16 =	sshll.u32 s0, $0xA;
	s2 =	sadd.s32 s3, s2  }
0x8d: {  	s2 =	sadd.s32 s2, s16  }
0x8e: {  	[smem:$0x3FAD] =	sst s2  }
0x8f: {  	_ = 	snop  }
0x90: {  	(tm) =	ssettm $0x1  }
0x91: {  	s17 =	sld [smem:$0x3FFB];
	_ =	sdelay $0x3  }
0x92: {  	_ =	strace s17  }
0x93: {  	s2 =	sld [smem:$0x3FFC];
	_ =	sdelay $0x3  }
0x94: {  	_ =	strace s2  }
0x95: {  	s2 =	sld [smem:$0x3FFD];
	_ =	sdelay $0x3  }
0x96: {  	_ =	strace s2  }
0x97: {  	_ =	strace $0x8FFFFFFF  }
0x98: {  	s18 =	sld [smem:$0x3FDB];
	_ =	sdelay $0x1  }
0x99: {  	s19 =	simm.s32 $_scs_section_size  }
0x9a: {  	s4 =	simm.s32 $_size__tile_overlayer_lowered;
	s5 =	simm.s32 $_tile_overlayer_lowered  }
0x9b: {  	s22 =	simm.s32 $0x1BFF;
	s21 =	sshll.u32 s5, $0x1;
	s2 =	sadd.s32 s19, s18  }
0x9c: {  	s6 =	simm.s32 $0x0;
	s20 =	sshll.u32 s4, $0x1;
	s4 =	sadd.s32 s21, s2  }
0x9d: {  	[timem:s6], [sflag:s22] =	dma.local [hbm:s4], s20  }
0x9e: {  	_ =	swait.ge [sflag:s22], s20  }
0x9f: {  	s3 =	ssub.s32 $0x0, s20;
	[sflag:s22] =	ssyncset.done $0x0  }
0xa0: {  	[sflag:s22] =	ssyncadd.s32 s3;
	_ =	sdelay $0x1  }
0xa1: {  	s23 =	simm.s32 $0x1B8B  }
0xa2: {  	_ =	swait.ge [sflag:s23], $0x1  }
0xa3: {  	[sflag:s23] =	ssyncset.done $0x0  }
0xa4: {  	s25 =	simm.s32 $0x1B8E;
	s24 =	sld [smem:$0x3FFE];
	[sflag:s23] =	ssyncadd.s32 $0xFFFFFFFF  }
0xa5: {  	s26 =	simm.s32 $execute0_lowered;
	[smem:$0x3FD2] =	sst s25  }
0xa6: {  	s4 =	sshll.u32 s26, $0x1;
	_ =	strace $0x80000046;
	[dreg:$0x1] =	wrdreg $0xFFFFFFFF  }
0xa7: {  	s28 =	simm.s32 $_size_execute0_lowered;
	s2 =	sadd.s32 s2, s4;
	[dreg:$0x0] =	wrdreg $0x0  }
0xa8: {  	s4 =	sshll.u32 s28, $0x1;
	[dreg:$0x2] =	wrdreg s2  }
0xa9: {  	[dreg:$0x3] =	wrdreg s4  }
0xaa: {  	[dreg:$0x4] =	wrdreg $0xC0  }
0xab: {  	_ =	task [dreg:s6], $0x5FFFF  }
0xac: {  	[dreg:$0x1] =	wrdreg $0xFFFFFFFF  }
0xad: {  	[dreg:$0x0] =	wrdreg $0x60  }
0xae: {  	[dreg:$0x2] =	wrdreg s24  }
0xaf: {  	[dreg:$0x3] =	wrdreg $0x41000  }
0xb0: {  	[dreg:$0x4] =	wrdreg $0x9  }
0xb1: {  	_ =	task.clear_ibuf [dreg:s6], $0x5FFFF;
	_ =	strace $0x90000046  }
0xb2: {  	s29 =	simm.s32 $0x9;
	_ =	strace $0x80000048  }
0xb3: {  	_ =	swait.ge [sflag:s29], $0x1  }
0xb4: {  	[sflag:s29] =	ssyncadd.s32 $0xFFFFFFFF  }
0xb5: {  	_ =	strace $0x90000048  }
0xb6: {  	_ =	sfence  }
0xb7: {  	s30 =	sld [smem:$0x0];
	_ =	sdelay $0x2  }
0xb8: {  	s31 =	sshll.u32 s1, $0xD;
	s1 =	sshrl.u32 s1, $0x2  }
0xb9: {  	s3 =	sand.u32 $0x4000, s31;
	s1 =	sadd.s32 s1, s30  }
0xba: {  	s0 =	sor.u32 s3, s0;
	s1 =	sshll.u32 s1, $0x11  }
0xbb: {  	s0 =	sor.u32 s1, s0  }
0xbc: {  	s0 =	sadd.s32 $0x8F2B, s0  }
0xbd: {  	[sflag:s0] =	ssyncadd.remote.s32 $0x1  }
0xbe: {  	_ =	sfence.sel $0xFFFF  }
0xbf: {  	[dreg:$0x0] =	wrdreg $0xFFFFFFFF;
	(pc) =	sbr.abs _section_cstart, $3  }
0xc0: {  	[dreg:$0x1] =	wrdreg $0xFFFFFFFF  }
0xc1: {  	_ =	task.clear_ibuf [dreg:s6], $0x2FFFF;
	_ =	strace $0x9FFFFFFF  }
0xc2: {  	(tm) =	ssettm $0x7FFFFFFF  }
0xc3: {  	_ =	shalt  }
tec
execute0_lowered:
.L_overlay_start_1:
0x0: {  	(tag) =	ssettag $0x1  }
0x1: {  	s5 =	rddreg [dreg:$0x0]  }
0x2: {  	s2 =	rddreg [dreg:$0x1]  }
0x3: {  	s0 =	rddreg [dreg:$0x2];
	s3 =	simm.s32 $0x0;
	s1 =	stileid.u32  }
0x4: {  	s4 =	srdreg.scid;
	s14 =	simm.s32 $0x100;
	s6 =	smul.u32 $0x2780, s1  }
0x5: {  	s15 =	simm.s32 $0x1;
	s16 =	simm.s32 $0x0;
	s10 =	smul.u32 $0x9E0, s1  }
0x6: {  	[smem:$0x7FF] =	sst s3;
	s7 =	sand.u32 $0x1, s4;
	s11 =	smul.u32 $0x4F000, s1  }
0x7: {  	s4 =	sadd.s32 $0x16E00, s5;
	s31 =	sshll.u32 s1, $0x6;
	s8 =	smul.u32 $0x27800, s7  }
0x8: {  	_ =	strace $0x80000047;
	s26 =	ssub.s32 $0x2, s7;
	s30 =	smul.u32 $0x4F0, s7  }
0x9: {  	s9 =	sadd.s32 s6, s5;
	s10 =	sadd.s32 s10, s5;
	s28 =	sshrl.u32 s26, $0x1  }
0xa: {  	s29 =	sshrl.u32 s11, $0x2;
	s6 =	sadd.s32 s6, s8;
	s8 =	ssub.s32 s26, s28  }
0xb: {  	s13 =	sadd.s32 s29, s2;
	s10 =	sadd.s32 s30, s10;
	s12 =	sadd.s32 s6, s5  }
0xc: {  	s5 =	sadd.s32 $0x3E600, s9;
	s6 =	sor.u32 $0x1C02, s31;
	s8 =	smax.u32 s8, $0x1  }
0xd: {  	s9 =	sadd.s32 $0xD000, s10;
	s10 =	sadd.s32 $0x3200, s10;
	s11 =	sshrl.u32 s13, $0x3  }
0xe: {  	s13 =	simm.s32 $0x80;
	s7 =	sadd.s32 $0x65E00, s12;
	s12 =	simm.s32 $0x2  }
.LBB2_1:
0xf: {  	[spmem:s11], [sflag:s6] =	dma.local [hbm:s5], $0x2780  }
0x10: {  	_ =	swait.ge [sflag:s12], $0x2780  }
0x11: {  	[sflag:s12] =	ssyncset.done $0x0  }
0x12: {  	[sflag:s12] =	ssyncadd.s32 $0xFFFFD880  }
0x13: {  	s17 =	sadd.s32 $0x0, s10;
	[bflag:$0x0] =	sbarrier.arrive $0xFFFF  }
0x14: {  	[tilespmem:s3], [sflag:$0x2] =	stream.linear.gather [hbm4b:s17+s3], $0x80, $0x38;
	[tilespmem:$0x17D00] =	vst v63  }
0x15: {  	_ =	swait.ge [sflag:s12], $0x80  }
0x16: {  	[sflag:s12] =	ssyncset.done $0x0  }
0x17: {  	s31 =	sadd.s32 $0x0, s9;
	[sflag:s12] =	ssyncadd.s32 $0xFFFFFF80  }
0x18: {  	[tilespmem:s13], [sflag:$0x2] =	stream.linear.gather [hbm4b:s31+s3], $0x80, $0x38;
	[tilespmem:$0x17D00] =	vst v63  }
0x19: {  	_ =	swait.ge [sflag:s12], $0x80  }
0x1a: {  	[sflag:s12] =	ssyncset.done $0x0  }
0x1b: {  	[sflag:s12] =	ssyncadd.s32 $0xFFFFFF80  }
0x1c: {  	[tilespmem:s14], [sflag:$0x1] =	stream.indirect.gather [hbm4b:s4+s13], $0x80, s3, s13, $0xb8;
	[tilespmem:$0x17D00] =	vst v63  }
0x1d: {  	_ =	swait.ge [sflag:s15], $0x4000  }
0x1e: {  	[sflag:s15] =	ssyncset.done $0x0  }
0x1f: {  	[sflag:s15] =	ssyncadd.s32 $0xFFFFC000  }
0x20: {  	[spmem:s2] =	stream.indirect.scatter.add.f32 [tilespmem:s14], [sflag:$0x2], $0x80, s13, s13, $0xb8;
	[tilespmem:$0x17D00] =	vst v63  }
0x21: {  	_ =	swait.ge [sflag:s12], $0x4000  }
0x22: {  	s18 =	simm.s32 $0x20;
	s17 =	simm.s32 $0x10;
	[sflag:s12] =	ssyncset.done $0x0  }
.LBB2_2:
0x23: {  	s19 =	sadd.s32 s17, s10  }
0x24: {  	[sflag:s12] =	ssyncadd.s32 $0xFFFFC000;
	s20 =	smov.u32 s18;
	s21 =	sadd.s32 $0x10, s18  }
0x25: {  	[tilespmem:s3], [sflag:$0x2] =	stream.linear.gather [hbm4b:s19+s3], $0x80, $0x38;
	[tilespmem:$0x17D00] =	vst v63  }
0x26: {  	p0 =	sne.s32 s18, $0x4E0;
	_ =	swait.ge [sflag:s12], $0x80  }
0x27: {  	[sflag:s12] =	ssyncset.done $0x0  }
0x28: {  	s18 =	sadd.s32 s17, s9;
	s17 =	smov.u32 s20;
	[sflag:s12] =	ssyncadd.s32 $0xFFFFFF80  }
0x29: {  	[tilespmem:s13], [sflag:$0x2] =	stream.linear.gather [hbm4b:s18+s3], $0x80, $0x38;
	[tilespmem:$0x17D00] =	vst v63  }
0x2a: {  	_ =	swait.ge [sflag:s12], $0x80  }
0x2b: {  	[sflag:s12] =	ssyncset.done $0x0  }
0x2c: {  	[sflag:s12] =	ssyncadd.s32 $0xFFFFFF80  }
0x2d: {  	[tilespmem:s14], [sflag:$0x1] =	stream.indirect.gather [hbm4b:s4+s13], $0x80, s3, s13, $0xb8;
	[tilespmem:$0x17D00] =	vst v63  }
0x2e: {  	_ =	swait.ge [sflag:s15], $0x4000  }
.Ltmp0:
0x2f: {  	[sflag:s15] =	ssyncset.done $0x0;
	(pc) =	sbr.rel @p0 .LBB2_2-.Ltmp0, $4  }
0x30: {  	[sflag:s15] =	ssyncadd.s32 $0xFFFFC000  }
0x31: {  	[spmem:s2] =	stream.indirect.scatter.add.f32 [tilespmem:s14], [sflag:$0x2], $0x80, s13, s13, $0xb8;
	[tilespmem:$0x17D00] =	vst v63  }
0x32: {  	_ =	swait.ge [sflag:s12], $0x4000  }
0x33: {  	s18 =	smov.u32 s21;
	[sflag:s12] =	ssyncset.done $0x0  }
0x34: {  	s18 =	sadd.s32 s17, s10;
	[sflag:s12] =	ssyncadd.s32 $0xFFFFC000  }
0x35: {  	[tilespmem:s3], [sflag:$0x2] =	stream.linear.gather [hbm4b:s18+s3], $0x80, $0x38;
	[tilespmem:$0x17D00] =	vst v63  }
0x36: {  	_ =	swait.ge [sflag:s12], $0x80  }
0x37: {  	[sflag:s12] =	ssyncset.done $0x0  }
0x38: {  	s31 =	sadd.s32 s17, s9;
	[sflag:s12] =	ssyncadd.s32 $0xFFFFFF80  }
0x39: {  	[tilespmem:s13], [sflag:$0x2] =	stream.linear.gather [hbm4b:s31+s3], $0x80, $0x38;
	[tilespmem:$0x17D00] =	vst v63  }
0x3a: {  	_ =	swait.ge [sflag:s12], $0x80  }
0x3b: {  	[sflag:s12] =	ssyncset.done $0x0  }
0x3c: {  	[sflag:s12] =	ssyncadd.s32 $0xFFFFFF80  }
0x3d: {  	[tilespmem:s14], [sflag:$0x1] =	stream.indirect.gather [hbm4b:s4+s13], $0x80, s3, s13, $0xb8;
	[tilespmem:$0x17D00] =	vst v63  }
0x3e: {  	_ =	swait.ge [sflag:s15], $0x4000  }
0x3f: {  	[sflag:s15] =	ssyncset.done $0x0  }
0x40: {  	[sflag:s15] =	ssyncadd.s32 $0xFFFFC000  }
0x41: {  	[spmem:s2] =	stream.indirect.scatter.add.f32 [tilespmem:s14], [sflag:$0x2], $0x80, s13, s13, $0xb8;
	[tilespmem:$0x17D00] =	vst v63  }
0x42: {  	_ =	swait.ge [sflag:s12], $0x4000  }
0x43: {  	s16 =	sadd.s32 $0x1, s16;
	[sflag:s12] =	ssyncset.done $0x0  }
0x44: {  	p0 =	sne.s32 s16, s8;
	[sflag:s12] =	ssyncadd.s32 $0xFFFFC000  }
.Ltmp1:
0x45: {  	[bflag:$0x0] =	sbarrier.arrive $0xFFFF;
	(pc) =	sbr.rel @p0 .LBB2_1-.Ltmp1, $4  }
0x46: {  	[hbm:s7], [sflag:s6] =	dma.local [spmem:s11], $0x2780  }
0x47: {  	_ =	swait.ge [sflag:s12], $0x2780  }
0x48: {  	[sflag:s12] =	ssyncset.done $0x0  }
0x49: {  	[sflag:s12] =	ssyncadd.s32 $0xFFFFD880  }
0x4a: {  	_ =	sfence.sel $0x180000  }
0x4b: {  	[bflag:$0x0] =	sbarrier.arrive $0xFFFF  }
0x4c: {  	p0 =	sne.s32 s1, $0x0;
	_ =	strace $0x90000047  }
0x4d: {  	s0 =	sadd.s32 @!p0 $0x100000, s0;
	[bflag:$0x2] =	sbarrier.arrive $0xFFFF  }
0x4e: {  	[sflag:s0] =	ssyncadd.tile.s32 @!p0 $0x1;
	_ =	shalt  }
.Lfunc_end2:
_tile_overlayer_lowered:
.L_overlay_start_2:
0x4f: {  	(tag) =	ssettag $0x2  }
0x50: {  	s0 =	rddreg [dreg:$0x0];
	s2 =	stileid.u32  }
0x51: {  	s1 =	rddreg [dreg:$0x1];
	p0 =	sne.s32 s2, $0x0  }
0x52: {  	s3 =	rddreg [dreg:$0x2];
	[bflag:$0x3] =	sbarrier.arrive $0xFFFF;
	s2 =	simm.s32 @!p0 $0x1C02  }
0x53: {  	[timem:s3], [sflag:s2] =	dma.local @!p0 [hbm:s0], s1  }
0x54: {  	s0 =	simm.s32 @!p0 $0x2  }
0x55: {  	_ =	swait.ge @!p0 [sflag:s0], s1  }
0x56: {  	s1 =	ssub.s32 @!p0 $0x0, s1;
	[sflag:s0] =	ssyncset.done @!p0 $0x0  }
0x57: {  	[sflag:s0] =	ssyncadd.s32 @!p0 s1  }
0x58: {  	[bflag:$0x3] =	sbarrier.arrive $0xFFFF  }
0x59: {  	_ =	shalt  }

// kernel: kernel.9.cloned.1.call-start
scs
__scs_entry_jumppad:
0x0: {  	(pc) =	sbr.rel $0x88, $3  }
0x1: {  	(tag) =	ssettag $0x0;
	lr =	simm.s32 $0x1  }
0x2: {  	[smem:$0x3F86] =	sst lr;
	_ =	strace $0xD0000000  }
0x3: {  	_ = 	snop  }
0x4: {  	_ = 	snop  }
0x5: {  	_ = 	snop  }
0x6: {  	_ = 	snop  }
0x7: {  	_ = 	snop  }
__scs_overlays_trampoline_lowered:
0x8: {  	[smem:$0x3F95] =	sst s0  }
0x9: {  	[smem:$0x3F96] =	sst s1  }
0xa: {  	[smem:$0x3F97] =	sst s2  }
0xb: {  	[smem:$0x3F98] =	sst s3  }
0xc: {  	[smem:$0x3F99] =	sst s4  }
0xd: {  	[smem:$0x3F9A] =	sst s5  }
0xe: {  	[smem:$0x3F9B] =	sst s6  }
0xf: {  	[smem:$0x3F9C] =	sst s7  }
0x10: {  	[smem:$0x3F9D] =	sst s8  }
0x11: {  	[smem:$0x3F9E] =	sst s9;
	s0 =	simm.s32 @!p0 $0x0  }
0x12: {  	s1 =	sld [smem:$0x3F84];
	s0 =	simm.s32 @p0 $0x1  }
0x13: {  	[smem:$0x3F9F] =	sst s0;
	s0 =	simm.s32 @!p1 $0x0  }
0x14: {  	s2 =	sld [smem:$0x3F83];
	s0 =	simm.s32 @p1 $0x1  }
0x15: {  	[smem:$0x3FA0] =	sst s0;
	s0 =	simm.s32 @!p2 $0x0  }
0x16: {  	s3 =	sld [smem:$0x3FDB];
	s0 =	simm.s32 @p2 $0x1  }
0x17: {  	s4 =	simm.s32 $0x1BF5;
	[smem:$0x3FA2] =	sst s0  }
0x18: {  	s0 =	sld [smem:$0x3F85];
	_ =	swait.ge [sflag:s4], $0x0  }
0x19: {  	s7 =	sld [smem:$0x3F86]  }
0x1a: {  	s8 =	sadd.s32 $0xFFFFE003, lr  }
0x1b: {  	s9 =	sadd.s32 $0xFFFFFEF7, lr;
	s5 =	simm.s32 $0xFFFFFFFF;
	p2 =	slt.u32 s8, $0xFFFFF086  }
0x1c: {  	p1 =	slt.u32 s9, $0xF7A;
	s5 =	simm.s32 @!p2 $0x0  }
0x1d: {  	s5 =	simm.s32 @p1 $0x1;
	p0 =	seq.s32 s7, s2  }
0x1e: {  	s7 =	smul.u32 @!p0 $0xF7A, s2;
	p2 =	seq.s32 @!p0 s5, $0x0  }
0x1f: {  	s9 =	smul.u32 $0xF7A, s1;
	s8 =	simm.s32 @!p0 $0x1BF5;
	p2 =	por !p2, p0  }
0x20: {  	[sflag:s8] =	ssyncset.s32 @!p0 $0xFFFFF086;
	s6 =	sadd.s32 @!p0 s3, s7;
	s7 =	simm.s32 @!p0 $0x108  }
0x21: {  	s3 =	sadd.s32 s3, s9;
	s6 =	sadd.s32 @!p0 $0x88, s6;
	s7 =	simm.s32 @p2 $0x1082  }
0x22: {  	[simem:s7], [sflag:s8] =	dma.local @!p0 [hbm:s6], $0xF7A  }
0x23: {  	s9 =	sor.u32 $0xD0000000, s2;
	s6 =	simm.s32 $0x108;
	_ =	swait.ge @!p0 [sflag:s8], $0x0  }
0x24: {  	s3 =	sadd.s32 $0x88, s3;
	s6 =	simm.s32 @!p1 $0x1082;
	[sflag:s4] =	ssyncset.s32 $0xFFFFF086  }
0x25: {  	[simem:s6], [sflag:s4] =	dma.local [hbm:s3], $0xF7A  }
0x26: {  	[smem:$0x3F86] =	sst s1;
	(tag) =	ssettag s2;
	_ =	strace s9  }
0x27: {  	s1 =	sld [smem:$0x3F96]  }
0x28: {  	s2 =	sld [smem:$0x3F97]  }
0x29: {  	s4 =	sld [smem:$0x3F99]  }
0x2a: {  	p0 =	seq.s32 s5, $0x0;
	s5 =	sld [smem:$0x3F9A]  }
0x2b: {  	s6 =	sld [smem:$0x3F9B]  }
0x2c: {  	s7 =	sld [smem:$0x3F9C]  }
0x2d: {  	s3 =	simm.s32 $0x108;
	s8 =	sld [smem:$0x3F9D]  }
0x2e: {  	s3 =	simm.s32 @!p0 $0x1082;
	s9 =	sld [smem:$0x3F9E]  }
0x2f: {  	lr =	sadd.s32 s0, s3;
	s0 =	sld [smem:$0x3F95]  }
0x30: {  	s3 =	sld [smem:$0x3F98]  }
0x31: {  	[smem:$0x3FA1] =	sst s10  }
0x32: {  	s10 =	sld [smem:$0x3F9F];
	_ =	sdelay $0x3  }
0x33: {  	p0 =	seq.s32 s10, $0x1;
	s10 =	sld [smem:$0x3FA1];
	_ =	sdelay $0x3  }
0x34: {  	[smem:$0x3FA1] =	sst s10  }
0x35: {  	s10 =	sld [smem:$0x3FA0];
	_ =	sdelay $0x3  }
0x36: {  	p1 =	seq.s32 s10, $0x1;
	s10 =	sld [smem:$0x3FA1];
	_ =	sdelay $0x3  }
0x37: {  	[smem:$0x3FA1] =	sst s10  }
0x38: {  	s10 =	sld [smem:$0x3FA2]  }
0x39: {  	_ = 	snop;
	(pc) =	sbr.ind lr, $3  }
0x3a: {  	_ = 	snop  }
0x3b: {  	_ = 	snop  }
0x3c: {  	p2 =	seq.s32 s10, $0x1;
	s10 =	sld [smem:$0x3FA1]  }
0x3d: {  	_ =	shalt  }
0x3e: {  	_ =	shalt  }
0x3f: {  	_ =	shalt  }
0x40: {  	_ =	shalt  }
0x41: {  	_ =	shalt  }
0x42: {  	_ =	shalt  }
0x43: {  	_ =	shalt  }
0x44: {  	_ =	shalt  }
0x45: {  	_ =	shalt  }
0x46: {  	_ =	shalt  }
0x47: {  	_ =	shalt  }
0x48: {  	_ =	shalt  }
0x49: {  	_ =	shalt  }
0x4a: {  	_ =	shalt  }
0x4b: {  	_ =	shalt  }
0x4c: {  	_ =	shalt  }
0x4d: {  	_ =	shalt  }
0x4e: {  	_ =	shalt  }
0x4f: {  	_ =	shalt  }
0x50: {  	_ =	shalt  }
0x51: {  	_ =	shalt  }
0x52: {  	_ =	shalt  }
0x53: {  	_ =	shalt  }
0x54: {  	_ =	shalt  }
0x55: {  	_ =	shalt  }
0x56: {  	_ =	shalt  }
0x57: {  	_ =	shalt  }
0x58: {  	_ =	shalt  }
0x59: {  	_ =	shalt  }
0x5a: {  	_ =	shalt  }
0x5b: {  	_ =	shalt  }
0x5c: {  	_ =	shalt  }
0x5d: {  	_ =	shalt  }
0x5e: {  	_ =	shalt  }
0x5f: {  	_ =	shalt  }
0x60: {  	_ =	shalt  }
0x61: {  	_ =	shalt  }
0x62: {  	_ =	shalt  }
0x63: {  	_ =	shalt  }
0x64: {  	_ =	shalt  }
0x65: {  	_ =	shalt  }
0x66: {  	_ =	shalt  }
0x67: {  	_ =	shalt  }
0x68: {  	_ =	shalt  }
0x69: {  	_ =	shalt  }
0x6a: {  	_ =	shalt  }
0x6b: {  	_ =	shalt  }
0x6c: {  	_ =	shalt  }
0x6d: {  	_ =	shalt  }
0x6e: {  	_ =	shalt  }
0x6f: {  	_ =	shalt  }
0x70: {  	_ =	shalt  }
0x71: {  	_ =	shalt  }
0x72: {  	_ =	shalt  }
0x73: {  	_ =	shalt  }
0x74: {  	_ =	shalt  }
0x75: {  	_ =	shalt  }
0x76: {  	_ =	shalt  }
0x77: {  	_ =	shalt  }
0x78: {  	_ =	shalt  }
0x79: {  	_ =	shalt  }
0x7a: {  	_ =	shalt  }
0x7b: {  	_ =	shalt  }
0x7c: {  	_ =	shalt  }
0x7d: {  	_ =	shalt  }
0x7e: {  	_ =	shalt  }
0x7f: {  	_ =	shalt  }
0x80: {  	_ =	shalt  }
0x81: {  	_ =	shalt  }
0x82: {  	_ =	shalt  }
0x83: {  	_ =	shalt  }
0x84: {  	_ =	shalt  }
0x85: {  	_ =	shalt  }
0x86: {  	_ =	shalt  }
0x87: {  	_ =	shalt  }
.Lfunc_end0:
.L_simem_size_0:
called_computation.1_lowered:
.L_overlay_start_0:
0x88: {  	s2 =	sld [smem:$0x3FD9]  }
0x89: {  	s3 =	sld [smem:$0x3FFE];
	_ =	sdelay $0x1  }
0x8a: {  	s1 =	srdreg.scid  }
0x8b: {  	s0 =	sand.u32 $0x1, s1  }
0x8c: {  	s14 =	sshll.u32 s0, $0xA;
	s2 =	sadd.s32 s3, s2  }
0x8d: {  	s2 =	sadd.s32 s2, s14  }
0x8e: {  	[smem:$0x3FAD] =	sst s2  }
0x8f: {  	_ = 	snop  }
0x90: {  	s2 =	sld [smem:$0x3FD0];
	_ =	sdelay $0x2  }
0x91: {  	s15 =	simm.s32 $0xA;
	s4 =	simm.s32 $0x10  }
0x92: {  	[smem:s4], [sflag:s15] =	dma.local [hbm:s2], $0x1  }
0x93: {  	_ =	swait.eq [sflag:s15], $0x1  }
0x94: {  	[sflag:s15] =	ssyncset.done $0x0  }
0x95: {  	[sflag:s15] =	ssyncadd.s32 $0xFFFFFFFF  }
0x96: {  	s16 =	sld [smem:$0x11];
	(tm) =	ssettm $0x1  }
0x97: {  	s17 =	sld [smem:$0x3FFB];
	_ =	sdelay $0x3  }
0x98: {  	_ =	strace s17  }
0x99: {  	s3 =	sld [smem:$0x3FFC];
	_ =	sdelay $0x3  }
0x9a: {  	_ =	strace s3  }
0x9b: {  	s3 =	sld [smem:$0x3FFD];
	_ =	sdelay $0x3  }
0x9c: {  	_ =	strace s3  }
0x9d: {  	_ =	strace $0x8FFFFFFF  }
0x9e: {  	s18 =	sld [smem:$0x3FDB];
	_ =	sdelay $0x1  }
0x9f: {  	s19 =	simm.s32 $_scs_section_size  }
0xa0: {  	s5 =	simm.s32 $_size__tile_overlayer_lowered;
	s6 =	simm.s32 $_tile_overlayer_lowered  }
0xa1: {  	s22 =	simm.s32 $0x1BFF;
	s21 =	sshll.u32 s6, $0x1;
	s3 =	sadd.s32 s19, s18  }
0xa2: {  	s7 =	simm.s32 $0x0;
	s20 =	sshll.u32 s5, $0x1;
	s5 =	sadd.s32 s21, s3  }
0xa3: {  	[timem:s7], [sflag:s22] =	dma.local [hbm:s5], s20  }
0xa4: {  	_ =	swait.ge [sflag:s22], s20  }
0xa5: {  	s4 =	ssub.s32 $0x0, s20;
	[sflag:s22] =	ssyncset.done $0x0  }
0xa6: {  	[sflag:s22] =	ssyncadd.s32 s4;
	_ =	sdelay $0x1  }
0xa7: {  	s23 =	simm.s32 $0x1B8B  }
0xa8: {  	_ =	swait.ge [sflag:s23], $0x1  }
0xa9: {  	[sflag:s23] =	ssyncset.done $0x0  }
0xaa: {  	s25 =	simm.s32 $0x1B8E;
	s24 =	sld [smem:$0x3FFE];
	[sflag:s23] =	ssyncadd.s32 $0xFFFFFFFF  }
0xab: {  	s26 =	simm.s32 $execute0_lowered;
	[smem:$0x3FD2] =	sst s25  }
0xac: {  	s5 =	sshll.u32 s26, $0x1;
	_ =	strace $0x80000049;
	[dreg:$0x1] =	wrdreg $0xFFFFFFFF  }
0xad: {  	s28 =	simm.s32 $_size_execute0_lowered;
	s3 =	sadd.s32 s3, s5;
	[dreg:$0x0] =	wrdreg $0x0  }
0xae: {  	s5 =	sshll.u32 s28, $0x1;
	[dreg:$0x2] =	wrdreg s3  }
0xaf: {  	[dreg:$0x3] =	wrdreg s5  }
0xb0: {  	[dreg:$0x4] =	wrdreg $0xC0  }
0xb1: {  	_ =	task [dreg:s7], $0x5FFFF  }
0xb2: {  	[dreg:$0x1] =	wrdreg $0xFFFFFFFF  }
0xb3: {  	[dreg:$0x0] =	wrdreg $0x60  }
0xb4: {  	[dreg:$0x2] =	wrdreg s24  }
0xb5: {  	[dreg:$0x3] =	wrdreg s16  }
0xb6: {  	[dreg:$0x4] =	wrdreg $0x91000  }
0xb7: {  	[dreg:$0x5] =	wrdreg $0x9  }
0xb8: {  	_ =	task.clear_ibuf [dreg:s7], $0x6FFFF;
	_ =	strace $0x90000049  }
0xb9: {  	s29 =	simm.s32 $0x9;
	_ =	strace $0x8000004B  }
0xba: {  	_ =	swait.ge [sflag:s29], $0x1  }
0xbb: {  	[sflag:s29] =	ssyncadd.s32 $0xFFFFFFFF  }
0xbc: {  	_ =	strace $0x9000004B  }
0xbd: {  	_ =	sfence  }
0xbe: {  	s30 =	sld [smem:$0x0];
	_ =	sdelay $0x2  }
0xbf: {  	s31 =	sshll.u32 s1, $0xD;
	s1 =	sshrl.u32 s1, $0x2  }
0xc0: {  	s3 =	sand.u32 $0x4000, s31;
	s1 =	sadd.s32 s1, s30  }
0xc1: {  	s0 =	sor.u32 s3, s0;
	s1 =	sshll.u32 s1, $0x11  }
0xc2: {  	s0 =	sor.u32 s1, s0  }
0xc3: {  	s0 =	sadd.s32 $0x8F2B, s0  }
0xc4: {  	[sflag:s0] =	ssyncadd.remote.s32 $0x1  }
0xc5: {  	_ =	sfence.sel $0xFFFF  }
0xc6: {  	[dreg:$0x0] =	wrdreg $0xFFFFFFFF;
	(pc) =	sbr.abs _section_cstart, $3  }
0xc7: {  	[dreg:$0x1] =	wrdreg $0xFFFFFFFF  }
0xc8: {  	_ =	task.clear_ibuf [dreg:s7], $0x2FFFF;
	_ =	strace $0x9FFFFFFF  }
0xc9: {  	(tm) =	ssettm $0x7FFFFFFF  }
tec
execute0_lowered:
.L_overlay_start_1:
0x0: {  	(tag) =	ssettag $0x1  }
0x1: {  	s10 =	rddreg [dreg:$0x0]  }
0x2: {  	s2 =	rddreg [dreg:$0x1]  }
0x3: {  	s3 =	rddreg [dreg:$0x2]  }
0x4: {  	s0 =	rddreg [dreg:$0x3]  }
0x5: {  	s4 =	simm.s32 $0x0;
	s1 =	stileid.u32;
	s6 =	srdreg.scid  }
0x6: {  	s18 =	simm.s32 $0x2900;
	s19 =	simm.s32 $0x5080;
	s20 =	simm.s32 $0x80  }
0x7: {  	s21 =	simm.s32 $0x5100;
	s22 =	simm.s32 $0x1;
	s23 =	simm.s32 $0x0  }
0x8: {  	[smem:$0x7FF] =	sst s4;
	s11 =	smul.u32 $0x2780, s1;
	s5 =	sadd.s32 $0x16E00, s10  }
0x9: {  	s13 =	sand.u32 $0x1, s6;
	s6 =	sadd.s32 $0x3200, s10;
	s7 =	sadd.s32 $0xD000, s10  }
0xa: {  	s8 =	sadd.s32 $0x65E00, s10;
	s9 =	sadd.s32 $0x66400, s10;
	s16 =	smul.u32 $0x4F000, s1  }
0xb: {  	s28 =	sshll.u32 s1, $0x1;
	s30 =	sshll.u32 s1, $0x6;
	_ =	strace $0x8000004A  }
0xc: {  	s14 =	smul.u32 $0x27800, s13;
	s15 =	ssub.s32 $0x2, s13;
	s13 =	sor.u32 s13, s28  }
0xd: {  	s12 =	sadd.s32 s11, s10;
	s26 =	sshrl.u32 s15, $0x1;
	s29 =	sshrl.u32 s16, $0x2  }
0xe: {  	s16 =	simm.s32 $0x2;
	s11 =	sadd.s32 s11, s14;
	s14 =	ssub.s32 s15, s26  }
0xf: {  	s31 =	sadd.s32 s29, s3;
	s17 =	sadd.s32 s11, s10;
	s10 =	sadd.s32 $0x3E600, s12  }
0x10: {  	s11 =	sor.u32 $0x1C02, s30;
	s12 =	smul.u32 $0x4F, s13;
	s14 =	smax.u32 s14, $0x1  }
0x11: {  	s15 =	sshrl.u32 s31, $0x3;
	s13 =	sadd.s32 $0x66A00, s17;
	s17 =	simm.s32 $0x180  }
.LBB2_1:
0x12: {  	[spmem:s15], [sflag:s11] =	dma.local [hbm:s10], $0x2780  }
0x13: {  	_ =	swait.ge [sflag:s16], $0x2780  }
0x14: {  	[sflag:s16] =	ssyncset.done $0x0  }
0x15: {  	[sflag:s16] =	ssyncadd.s32 $0xFFFFD880  }
0x16: {  	[tilespmem:s17], [sflag:$0x2] =	stream.linear.gather [hbm4b:s8+s4], $0x2780, $0x38;
	[tilespmem:$0x1CD00] =	vst v63  }
0x17: {  	_ =	swait.ge [sflag:s16], $0x2780  }
0x18: {  	[sflag:s16] =	ssyncset.done $0x0  }
0x19: {  	[sflag:s16] =	ssyncadd.s32 $0xFFFFD880  }
0x1a: {  	[tilespmem:s18], [sflag:$0x2] =	stream.linear.gather [hbm4b:s9+s4], $0x2780, $0x38;
	[tilespmem:$0x1CD00] =	vst v63  }
0x1b: {  	_ =	swait.ge [sflag:s16], $0x2780  }
0x1c: {  	[sflag:s16] =	ssyncset.done $0x0  }
0x1d: {  	[sflag:s16] =	ssyncadd.s32 $0xFFFFD880  }
0x1e: {  	[tilespmem:s19], [sflag:$0x2] =	stream.linear.gather [hbm4b:s2+s4], $0x80, $0x38;
	[tilespmem:$0x1CD00] =	vst v63  }
0x1f: {  	_ =	swait.ge [sflag:s16], $0x80  }
0x20: {  	[sflag:s16] =	ssyncset.done $0x0  }
0x21: {  	[sflag:s16] =	ssyncadd.s32 $0xFFFFFF80  }
0x22: {  	[bflag:$0x0] =	sbarrier.arrive $0xFFFF  }
0x23: {  	s24 =	simm.s32 $0x0;
	v0 =	vld [tilespmem:$0x5080]  }
.LBB2_2:
0x24: {  	s25 =	sadd.s32 s12, s24  }
0x25: {  	s25 =	sshll.u32 s25, $0x4  }
0x26: {  	s28 =	simm.s32 $0x0;
	s26 =	sadd.s32 s6, s25  }
0x27: {  	[tilespmem:s28], [sflag:$0x2] =	stream.linear.gather [hbm4b:s26+s28], $0x80, $0x38;
	[tilespmem:$0x1CD00] =	vst v63  }
0x28: {  	_ =	swait.ge [sflag:s16], $0x80  }
0x29: {  	[sflag:s16] =	ssyncset.done $0x0  }
0x2a: {  	s25 =	sadd.s32 s7, s25;
	[sflag:s16] =	ssyncadd.s32 $0xFFFFFF80  }
0x2b: {  	[tilespmem:s20], [sflag:$0x2] =	stream.linear.gather [hbm4b:s25+s28], $0x80, $0x38;
	[tilespmem:$0x1CD00] =	vst v63  }
0x2c: {  	_ =	swait.ge [sflag:s16], $0x80  }
0x2d: {  	[sflag:s16] =	ssyncset.done $0x0  }
0x2e: {  	[sflag:s16] =	ssyncadd.s32 $0xFFFFFF80  }
0x2f: {  	[tilespmem:s21], [sflag:$0x1] =	stream.indirect.gather [hbm4b:s5+s20], $0x80, s28, s20, $0xb8;
	[tilespmem:$0x1CD00] =	vst v63  }
0x30: {  	v1 =	vld [tilespmem:$0x0]  }
0x31: {  	v2 =	vld [tilespmem:$0x80];
	_ =	sdelay $0x6  }
0x32: {  	v1 =	vld.idx.msk [tilespmem:v1+s17+$0x0], $0xffff  }
0x33: {  	v2 =	vld.idx.msk [tilespmem:v2+s18+$0x0], $0xffff;
	_ =	sdelay $0x4  }
0x34: {  	v1 =	vadd.f32 v2, v1;
	_ =	sdelay $0x1  }
0x35: {  	v2 =	vmul.f32 $2.000000030e-01, v1  }
0x36: {  	vm0 =	vge.f32 v1, $0.0e+00  }
0x37: {  	v1 =	vsel vm0, v1, v2  }
0x38: {  	v1 =	vsub.f32 v1, v0;
	_ =	sdelay $0x1  }
0x39: {  	v1 =	vmul.f32 $1.442695020e+00, v1;
	_ =	sdelay $0x1  }
0x3a: {  	(erf) = vpow2.f32 v1;
	_ =	sdelay $0x2  }
0x3b: {  	v1 =	vld [tilespmem:$0x10]  }
0x3c: {  	v2 =	vld [tilespmem:$0x90];
	_ =	sdelay $0x4  }
0x3d: {  	v3 =	vpop (erf)  }
0x3e: {  	[tilespmem:$0x100] =	vst v3  }
0x3f: {  	v1 =	vld.idx.msk [tilespmem:v1+s17+$0x0], $0xffff  }
0x40: {  	v2 =	vld.idx.msk [tilespmem:v2+s18+$0x0], $0xffff;
	_ =	sdelay $0x4  }
0x41: {  	v1 =	vadd.f32 v2, v1;
	_ =	sdelay $0x1  }
0x42: {  	v2 =	vmul.f32 $2.000000030e-01, v1  }
0x43: {  	vm9 =	vge.f32 v1, $0.0e+00  }
0x44: {  	v1 =	vsel vm9, v1, v2  }
0x45: {  	v1 =	vsub.f32 v1, v0;
	_ =	sdelay $0x1  }
0x46: {  	v1 =	vmul.f32 $1.442695020e+00, v1;
	_ =	sdelay $0x1  }
0x47: {  	(erf) = vpow2.f32 v1;
	_ =	sdelay $0x2  }
0x48: {  	v1 =	vld [tilespmem:$0x20]  }
0x49: {  	v2 =	vld [tilespmem:$0xA0];
	_ =	sdelay $0x4  }
0x4a: {  	v3 =	vpop (erf)  }
0x4b: {  	[tilespmem:$0x110] =	vst v3  }
0x4c: {  	v1 =	vld.idx.msk [tilespmem:v1+s17+$0x0], $0xffff  }
0x4d: {  	v2 =	vld.idx.msk [tilespmem:v2+s18+$0x0], $0xffff;
	_ =	sdelay $0x4  }
0x4e: {  	v1 =	vadd.f32 v2, v1;
	_ =	sdelay $0x1  }
0x4f: {  	v2 =	vmul.f32 $2.000000030e-01, v1  }
0x50: {  	vm10 =	vge.f32 v1, $0.0e+00  }
0x51: {  	v1 =	vsel vm10, v1, v2  }
0x52: {  	v1 =	vsub.f32 v1, v0;
	_ =	sdelay $0x1  }
0x53: {  	v1 =	vmul.f32 $1.442695020e+00, v1;
	_ =	sdelay $0x1  }
0x54: {  	(erf) = vpow2.f32 v1;
	_ =	sdelay $0x2  }
0x55: {  	v1 =	vld [tilespmem:$0x30]  }
0x56: {  	v2 =	vld [tilespmem:$0xB0];
	_ =	sdelay $0x4  }
0x57: {  	v3 =	vpop (erf)  }
0x58: {  	[tilespmem:$0x120] =	vst v3  }
0x59: {  	v1 =	vld.idx.msk [tilespmem:v1+s17+$0x0], $0xffff  }
0x5a: {  	v2 =	vld.idx.msk [tilespmem:v2+s18+$0x0], $0xffff;
	_ =	sdelay $0x4  }
0x5b: {  	v1 =	vadd.f32 v2, v1;
	_ =	sdelay $0x1  }
0x5c: {  	v2 =	vmul.f32 $2.000000030e-01, v1  }
0x5d: {  	vm11 =	vge.f32 v1, $0.0e+00  }
0x5e: {  	v1 =	vsel vm11, v1, v2  }
0x5f: {  	v1 =	vsub.f32 v1, v0;
	_ =	sdelay $0x1  }
0x60: {  	v1 =	vmul.f32 $1.442695020e+00, v1;
	_ =	sdelay $0x1  }
0x61: {  	(erf) = vpow2.f32 v1;
	_ =	sdelay $0x2  }
0x62: {  	v1 =	vld [tilespmem:$0x40]  }
0x63: {  	v2 =	vld [tilespmem:$0xC0];
	_ =	sdelay $0x4  }
0x64: {  	v3 =	vpop (erf)  }
0x65: {  	[tilespmem:$0x130] =	vst v3  }
0x66: {  	v1 =	vld.idx.msk [tilespmem:v1+s17+$0x0], $0xffff  }
0x67: {  	v2 =	vld.idx.msk [tilespmem:v2+s18+$0x0], $0xffff;
	_ =	sdelay $0x4  }
0x68: {  	v1 =	vadd.f32 v2, v1;
	_ =	sdelay $0x1  }
0x69: {  	v2 =	vmul.f32 $2.000000030e-01, v1  }
0x6a: {  	vm12 =	vge.f32 v1, $0.0e+00  }
0x6b: {  	v1 =	vsel vm12, v1, v2  }
0x6c: {  	v1 =	vsub.f32 v1, v0;
	_ =	sdelay $0x1  }
0x6d: {  	v1 =	vmul.f32 $1.442695020e+00, v1;
	_ =	sdelay $0x1  }
0x6e: {  	(erf) = vpow2.f32 v1;
	_ =	sdelay $0x2  }
0x6f: {  	v1 =	vld [tilespmem:$0x50]  }
0x70: {  	v2 =	vld [tilespmem:$0xD0];
	_ =	sdelay $0x4  }
0x71: {  	v3 =	vpop (erf)  }
0x72: {  	[tilespmem:$0x140] =	vst v3  }
0x73: {  	v1 =	vld.idx.msk [tilespmem:v1+s17+$0x0], $0xffff  }
0x74: {  	v2 =	vld.idx.msk [tilespmem:v2+s18+$0x0], $0xffff;
	_ =	sdelay $0x4  }
0x75: {  	v1 =	vadd.f32 v2, v1;
	_ =	sdelay $0x1  }
0x76: {  	v2 =	vmul.f32 $2.000000030e-01, v1  }
0x77: {  	vm13 =	vge.f32 v1, $0.0e+00  }
0x78: {  	v1 =	vsel vm13, v1, v2  }
0x79: {  	v1 =	vsub.f32 v1, v0;
	_ =	sdelay $0x1  }
0x7a: {  	v1 =	vmul.f32 $1.442695020e+00, v1;
	_ =	sdelay $0x1  }
0x7b: {  	(erf) = vpow2.f32 v1;
	_ =	sdelay $0x2  }
0x7c: {  	v1 =	vld [tilespmem:$0x60]  }
0x7d: {  	v2 =	vld [tilespmem:$0xE0];
	_ =	sdelay $0x4  }
0x7e: {  	v3 =	vpop (erf)  }
0x7f: {  	[tilespmem:$0x150] =	vst v3  }
0x80: {  	v1 =	vld.idx.msk [tilespmem:v1+s17+$0x0], $0xffff  }
0x81: {  	v2 =	vld.idx.msk [tilespmem:v2+s18+$0x0], $0xffff;
	_ =	sdelay $0x4  }
0x82: {  	v1 =	vadd.f32 v2, v1;
	_ =	sdelay $0x1  }
0x83: {  	v2 =	vmul.f32 $2.000000030e-01, v1  }
0x84: {  	vm14 =	vge.f32 v1, $0.0e+00  }
0x85: {  	v1 =	vsel vm14, v1, v2  }
0x86: {  	v1 =	vsub.f32 v1, v0;
	_ =	sdelay $0x1  }
0x87: {  	v1 =	vmul.f32 $1.442695020e+00, v1;
	_ =	sdelay $0x1  }
0x88: {  	(erf) = vpow2.f32 v1;
	_ =	sdelay $0x2  }
0x89: {  	v1 =	vld [tilespmem:$0x70]  }
0x8a: {  	v2 =	vld [tilespmem:$0xF0];
	_ =	sdelay $0x4  }
0x8b: {  	v3 =	vpop (erf)  }
0x8c: {  	[tilespmem:$0x160] =	vst v3  }
0x8d: {  	v1 =	vld.idx.msk [tilespmem:v1+s17+$0x0], $0xffff  }
0x8e: {  	v2 =	vld.idx.msk [tilespmem:v2+s18+$0x0], $0xffff;
	_ =	sdelay $0x4  }
0x8f: {  	v1 =	vadd.f32 v2, v1;
	_ =	sdelay $0x1  }
0x90: {  	v2 =	vmul.f32 $2.000000030e-01, v1  }
0x91: {  	vm15 =	vge.f32 v1, $0.0e+00  }
0x92: {  	v1 =	vsel vm15, v1, v2  }
0x93: {  	v1 =	vsub.f32 v1, v0;
	_ =	sdelay $0x1  }
0x94: {  	v1 =	vmul.f32 $1.442695020e+00, v1;
	_ =	sdelay $0x1  }
0x95: {  	(erf) = vpow2.f32 v1;
	_ =	sdelay $0x8  }
0x96: {  	v1 =	vpop (erf)  }
0x97: {  	[tilespmem:$0x170] =	vst v1  }
0x98: {  	_ =	swait.ge [sflag:s22], $0x4000  }
0x99: {  	s30 =	simm.s32 $0x0;
	[sflag:s22] =	ssyncset.done $0x0  }
0x9a: {  	s25 =	sand.u32 $0x3FFFFFF0, s30;
	[sflag:s22] =	ssyncadd.s32 $0xFFFFC000  }
0x9b: {  	s31 =	simm.s32 $0x0;
	v1 =	vld [tilespmem:s25+$0x100]  }
0x9c: {  	s25 =	sand.u32 $0x3FFFF800, s31  }
0x9d: {  	v3 =	vld [tilespmem:s25+$0x5120]  }
0x9e: {  	v4 =	vld [tilespmem:s25+$0x5130]  }
0x9f: {  	v10 =	vld [tilespmem:s25+$0x5160]  }
0xa0: {  	v11 =	vld [tilespmem:s25+$0x5170];
	v2 =	vbroadcast v1, $0x0  }
0xa1: {  	v12 =	vld [tilespmem:s25+$0x5180]  }
0xa2: {  	v13 =	vld [tilespmem:s25+$0x5190];
	v3 =	vmul.f32 v3, v2  }
0xa3: {  	v14 =	vld [tilespmem:s25+$0x51A0];
	v4 =	vmul.f32 v4, v2  }
0xa4: {  	v9 =	vld [tilespmem:s25+$0x51B0];
	v23 =	vbroadcast v1, $0x1;
	v22 =	vmul.f32 v10, v2;
	[tilespmem:s25+$0x5120] =	vst v3  }
0xa5: {  	v7 =	vld [tilespmem:s25+$0x51C0];
	v11 =	vmul.f32 v11, v2;
	[tilespmem:s25+$0x5130] =	vst v4  }
0xa6: {  	v8 =	vld [tilespmem:s25+$0x51D0];
	v12 =	vmul.f32 v12, v23;
	[tilespmem:s25+$0x5160] =	vst v22  }
0xa7: {  	v25 =	vld [tilespmem:s25+$0x51F0];
	v13 =	vmul.f32 v13, v23;
	[tilespmem:s25+$0x5170] =	vst v11  }
0xa8: {  	v26 =	vld [tilespmem:s25+$0x5200];
	v14 =	vmul.f32 v14, v23;
	[tilespmem:s25+$0x5180] =	vst v12  }
0xa9: {  	v27 =	vld [tilespmem:s25+$0x5210];
	v9 =	vmul.f32 v9, v23;
	[tilespmem:s25+$0x5190] =	vst v13  }
0xaa: {  	v6 =	vld [tilespmem:s25+$0x5670];
	v7 =	vmul.f32 v7, v23;
	[tilespmem:s25+$0x51A0] =	vst v14  }
0xab: {  	v24 =	vld [tilespmem:s25+$0x51E0];
	v15 =	vbroadcast v1, $0x2;
	v8 =	vmul.f32 v8, v23;
	[tilespmem:s25+$0x51B0] =	vst v9  }
0xac: {  	v28 =	vld [tilespmem:s25+$0x5220];
	v10 =	vmul.f32 v25, v23;
	[tilespmem:s25+$0x51C0] =	vst v7  }
0xad: {  	v29 =	vld [tilespmem:s25+$0x5230];
	v5 =	vbroadcast v1, $0xA;
	v32 =	vmul.f32 v26, v15;
	[tilespmem:s25+$0x51D0] =	vst v8  }
0xae: {  	v30 =	vld [tilespmem:s25+$0x5240];
	v34 =	vmul.f32 v27, v15;
	[tilespmem:s25+$0x51F0] =	vst v10  }
0xaf: {  	v33 =	vld [tilespmem:s25+$0x5260];
	v3 =	vmul.f32 v6, v5;
	[tilespmem:s25+$0x5200] =	vst v32  }
0xb0: {  	v35 =	vld [tilespmem:s25+$0x5270];
	v11 =	vmul.f32 v24, v23;
	[tilespmem:s25+$0x5210] =	vst v34  }
0xb1: {  	v36 =	vld [tilespmem:s25+$0x5280];
	v9 =	vmul.f32 v28, v15;
	[tilespmem:s25+$0x5670] =	vst v3  }
0xb2: {  	v31 =	vld [tilespmem:s25+$0x5250];
	v7 =	vmul.f32 v29, v15;
	[tilespmem:s25+$0x51E0] =	vst v11  }
0xb3: {  	v37 =	vld [tilespmem:s25+$0x5290];
	v8 =	vmul.f32 v30, v15;
	[tilespmem:s25+$0x5220] =	vst v9  }
0xb4: {  	v38 =	vld [tilespmem:s25+$0x52A0];
	v41 =	vbroadcast v1, $0x3;
	v10 =	vmul.f32 v33, v15;
	[tilespmem:s25+$0x5230] =	vst v7  }
0xb5: {  	v39 =	vld [tilespmem:s25+$0x52B0];
	v12 =	vmul.f32 v35, v15;
	[tilespmem:s25+$0x5240] =	vst v8  }
0xb6: {  	v42 =	vld [tilespmem:s25+$0x52D0];
	v13 =	vmul.f32 v36, v41;
	[tilespmem:s25+$0x5260] =	vst v10  }
0xb7: {  	v43 =	vld [tilespmem:s25+$0x52E0];
	v11 =	vmul.f32 v31, v15;
	[tilespmem:s25+$0x5270] =	vst v12  }
0xb8: {  	v44 =	vld [tilespmem:s25+$0x52F0];
	v9 =	vmul.f32 v37, v41;
	[tilespmem:s25+$0x5280] =	vst v13  }
0xb9: {  	v40 =	vld [tilespmem:s25+$0x52C0];
	v7 =	vmul.f32 v38, v41;
	[tilespmem:s25+$0x5250] =	vst v11  }
0xba: {  	v45 =	vld [tilespmem:s25+$0x5300];
	v8 =	vmul.f32 v39, v41;
	[tilespmem:s25+$0x5290] =	vst v9  }
0xbb: {  	v46 =	vld [tilespmem:s25+$0x5310];
	v10 =	vmul.f32 v42, v41;
	[tilespmem:s25+$0x52A0] =	vst v7  }
0xbc: {  	v47 =	vld [tilespmem:s25+$0x5320];
	v12 =	vmul.f32 v43, v41;
	[tilespmem:s25+$0x52B0] =	vst v8  }
0xbd: {  	v49 =	vld [tilespmem:s25+$0x5340];
	v50 =	vbroadcast v1, $0x4;
	v13 =	vmul.f32 v44, v41;
	[tilespmem:s25+$0x52D0] =	vst v10  }
0xbe: {  	v51 =	vld [tilespmem:s25+$0x5350];
	v11 =	vmul.f32 v40, v41;
	[tilespmem:s25+$0x52E0] =	vst v12  }
0xbf: {  	v52 =	vld [tilespmem:s25+$0x5360];
	v9 =	vmul.f32 v45, v50;
	[tilespmem:s25+$0x52F0] =	vst v13  }
0xc0: {  	v48 =	vld [tilespmem:s25+$0x5330];
	v7 =	vmul.f32 v46, v50;
	[tilespmem:s25+$0x52C0] =	vst v11  }
0xc1: {  	v53 =	vld [tilespmem:s25+$0x5370];
	v8 =	vmul.f32 v47, v50;
	[tilespmem:s25+$0x5300] =	vst v9  }
0xc2: {  	v54 =	vld [tilespmem:s25+$0x5380];
	v10 =	vmul.f32 v49, v50;
	[tilespmem:s25+$0x5310] =	vst v7  }
0xc3: {  	v55 =	vld [tilespmem:s25+$0x5390];
	v12 =	vmul.f32 v51, v50;
	[tilespmem:s25+$0x5320] =	vst v8  }
0xc4: {  	v57 =	vld [tilespmem:s25+$0x53B0];
	v13 =	vmul.f32 v52, v50;
	[tilespmem:s25+$0x5340] =	vst v10  }
0xc5: {  	v58 =	vld [tilespmem:s25+$0x53C0];
	v59 =	vbroadcast v1, $0x5;
	v11 =	vmul.f32 v48, v50;
	[tilespmem:s25+$0x5350] =	vst v12  }
0xc6: {  	v60 =	vld [tilespmem:s25+$0x53D0];
	v9 =	vmul.f32 v53, v50;
	[tilespmem:s25+$0x5360] =	vst v13  }
0xc7: {  	v56 =	vld [tilespmem:s25+$0x53A0];
	v7 =	vmul.f32 v54, v59;
	[tilespmem:s25+$0x5330] =	vst v11  }
0xc8: {  	v61 =	vld [tilespmem:s25+$0x53E0];
	v8 =	vmul.f32 v55, v59;
	[tilespmem:s25+$0x5370] =	vst v9  }
0xc9: {  	v62 =	vld [tilespmem:s25+$0x53F0];
	v10 =	vmul.f32 v57, v59;
	[tilespmem:s25+$0x5380] =	vst v7  }
0xca: {  	v63 =	vld [tilespmem:s25+$0x5400];
	v12 =	vmul.f32 v58, v59;
	[tilespmem:s25+$0x5390] =	vst v8  }
0xcb: {  	v19 =	vld [tilespmem:s25+$0x5420];
	v13 =	vmul.f32 v60, v59;
	[tilespmem:s25+$0x53B0] =	vst v10  }
0xcc: {  	v20 =	vld [tilespmem:s25+$0x5430];
	v11 =	vmul.f32 v56, v59;
	[tilespmem:s25+$0x53C0] =	vst v12  }
0xcd: {  	v21 =	vld [tilespmem:s25+$0x5440];
	v22 =	vbroadcast v1, $0x6;
	v9 =	vmul.f32 v61, v59;
	[tilespmem:s25+$0x53D0] =	vst v13  }
0xce: {  	v18 =	vld [tilespmem:s25+$0x5410];
	v7 =	vmul.f32 v62, v59;
	[tilespmem:s25+$0x53A0] =	vst v11  }
0xcf: {  	v23 =	vld [tilespmem:s25+$0x5450];
	v8 =	vmul.f32 v63, v22;
	[tilespmem:s25+$0x53E0] =	vst v9  }
0xd0: {  	v24 =	vld [tilespmem:s25+$0x5460];
	v10 =	vmul.f32 v19, v22;
	[tilespmem:s25+$0x53F0] =	vst v7  }
0xd1: {  	v25 =	vld [tilespmem:s25+$0x5470];
	v12 =	vmul.f32 v20, v22;
	[tilespmem:s25+$0x5400] =	vst v8  }
0xd2: {  	v27 =	vld [tilespmem:s25+$0x5490];
	v13 =	vmul.f32 v21, v22;
	[tilespmem:s25+$0x5420] =	vst v10  }
0xd3: {  	v28 =	vld [tilespmem:s25+$0x54A0];
	v11 =	vmul.f32 v18, v22;
	[tilespmem:s25+$0x5430] =	vst v12  }
0xd4: {  	v29 =	vld [tilespmem:s25+$0x54B0];
	v9 =	vmul.f32 v23, v22;
	[tilespmem:s25+$0x5440] =	vst v13  }
0xd5: {  	v31 =	vbroadcast v1, $0x7;
	v53 =	vld [tilespmem:s25+$0x5600];
	v7 =	vmul.f32 v24, v22;
	[tilespmem:s25+$0x5410] =	vst v11  }
0xd6: {  	v57 =	vld [tilespmem:s25+$0x5640];
	v8 =	vmul.f32 v25, v22;
	[tilespmem:s25+$0x5450] =	vst v9  }
0xd7: {  	v58 =	vld [tilespmem:s25+$0x5650];
	v10 =	vmul.f32 v27, v31;
	[tilespmem:s25+$0x5460] =	vst v7  }
0xd8: {  	v26 =	vld [tilespmem:s25+$0x5480];
	v12 =	vmul.f32 v28, v31;
	[tilespmem:s25+$0x5470] =	vst v8  }
0xd9: {  	v30 =	vld [tilespmem:s25+$0x54C0];
	v13 =	vmul.f32 v29, v31;
	[tilespmem:s25+$0x5490] =	vst v10  }
0xda: {  	v32 =	vld [tilespmem:s25+$0x54D0];
	v59 =	vmul.f32 v53, v5;
	[tilespmem:s25+$0x54A0] =	vst v12  }
0xdb: {  	v33 =	vld [tilespmem:s25+$0x54E0];
	v18 =	vmul.f32 v57, v5;
	[tilespmem:s25+$0x54B0] =	vst v13  }
0xdc: {  	v35 =	vld [tilespmem:s25+$0x5500];
	v20 =	vmul.f32 v58, v5;
	[tilespmem:s25+$0x5600] =	vst v59  }
0xdd: {  	v36 =	vld [tilespmem:s25+$0x5510];
	v11 =	vmul.f32 v26, v31;
	[tilespmem:s25+$0x5640] =	vst v18  }
0xde: {  	v37 =	vld [tilespmem:s25+$0x5520];
	v9 =	vmul.f32 v30, v31;
	[tilespmem:s25+$0x5650] =	vst v20  }
0xdf: {  	v4 =	vld [tilespmem:s25+$0x5680];
	v40 =	vbroadcast v1, $0x8;
	v7 =	vmul.f32 v32, v31;
	[tilespmem:s25+$0x5480] =	vst v11  }
0xe0: {  	v6 =	vld [tilespmem:s25+$0x5690];
	v8 =	vmul.f32 v33, v31;
	[tilespmem:s25+$0x54C0] =	vst v9  }
0xe1: {  	v3 =	vld [tilespmem:s25+$0x58D0];
	v10 =	vmul.f32 v35, v40;
	[tilespmem:s25+$0x54D0] =	vst v7  }
0xe2: {  	v61 =	vld [tilespmem:s25+$0x5100];
	v23 =	vbroadcast v1, $0xB;
	v12 =	vmul.f32 v36, v40;
	[tilespmem:s25+$0x54E0] =	vst v8  }
0xe3: {  	v34 =	vld [tilespmem:s25+$0x54F0];
	v13 =	vmul.f32 v37, v40;
	[tilespmem:s25+$0x5500] =	vst v10  }
0xe4: {  	v38 =	vld [tilespmem:s25+$0x5530];
	v27 =	vbroadcast v1, $0xF;
	v4 =	vmul.f32 v4, v23;
	[tilespmem:s25+$0x5510] =	vst v12  }
0xe5: {  	v39 =	vld [tilespmem:s25+$0x5540];
	v6 =	vmul.f32 v6, v23;
	[tilespmem:s25+$0x5520] =	vst v13  }
0xe6: {  	v41 =	vld [tilespmem:s25+$0x5550];
	v3 =	vmul.f32 v3, v27;
	[tilespmem:s25+$0x5680] =	vst v4  }
0xe7: {  	v43 =	vld [tilespmem:s25+$0x5570];
	v24 =	vmul.f32 v2, v61;
	[tilespmem:s25+$0x5690] =	vst v6  }
0xe8: {  	v44 =	vld [tilespmem:s25+$0x5580];
	v11 =	vmul.f32 v34, v31;
	[tilespmem:s25+$0x58D0] =	vst v3  }
0xe9: {  	v45 =	vld [tilespmem:s25+$0x5590];
	v9 =	vmul.f32 v38, v40;
	[tilespmem:s25+$0x5100] =	vst v24  }
0xea: {  	v63 =	vld [tilespmem:s25+$0x5140];
	v7 =	vmul.f32 v39, v40;
	[tilespmem:s25+$0x54F0] =	vst v11  }
0xeb: {  	v49 =	vbroadcast v1, $0x9;
	v29 =	vld [tilespmem:s25+$0x56F0];
	v8 =	vmul.f32 v41, v40;
	[tilespmem:s25+$0x5530] =	vst v9  }
0xec: {  	v42 =	vld [tilespmem:s25+$0x5560];
	v10 =	vmul.f32 v43, v40;
	[tilespmem:s25+$0x5540] =	vst v7  }
0xed: {  	v46 =	vld [tilespmem:s25+$0x55A0];
	v12 =	vmul.f32 v44, v49;
	[tilespmem:s25+$0x5550] =	vst v8  }
0xee: {  	v47 =	vld [tilespmem:s25+$0x55B0];
	v13 =	vmul.f32 v45, v49;
	[tilespmem:s25+$0x5570] =	vst v10  }
0xef: {  	v48 =	vld [tilespmem:s25+$0x55C0];
	v3 =	vmul.f32 v63, v2;
	[tilespmem:s25+$0x5580] =	vst v12  }
0xf0: {  	v51 =	vld [tilespmem:s25+$0x55E0];
	v6 =	vmul.f32 v29, v23;
	[tilespmem:s25+$0x5590] =	vst v13  }
0xf1: {  	v52 =	vld [tilespmem:s25+$0x55F0];
	v11 =	vmul.f32 v42, v40;
	[tilespmem:s25+$0x5140] =	vst v3  }
0xf2: {  	v28 =	vld [tilespmem:s25+$0x56E0];
	v9 =	vmul.f32 v46, v49;
	[tilespmem:s25+$0x56F0] =	vst v6  }
0xf3: {  	v26 =	vld [tilespmem:s25+$0x56D0];
	v7 =	vmul.f32 v47, v49;
	[tilespmem:s25+$0x5560] =	vst v11  }
0xf4: {  	v30 =	vld [tilespmem:s25+$0x5700];
	v8 =	vmul.f32 v48, v49;
	[tilespmem:s25+$0x55A0] =	vst v9  }
0xf5: {  	v50 =	vld [tilespmem:s25+$0x55D0];
	v10 =	vmul.f32 v51, v49;
	[tilespmem:s25+$0x55B0] =	vst v7  }
0xf6: {  	v54 =	vld [tilespmem:s25+$0x5610];
	v12 =	vmul.f32 v52, v49;
	[tilespmem:s25+$0x55C0] =	vst v8  }
0xf7: {  	v55 =	vld [tilespmem:s25+$0x5620];
	v35 =	vbroadcast v1, $0xC;
	v40 =	vmul.f32 v28, v23;
	[tilespmem:s25+$0x55E0] =	vst v10  }
0xf8: {  	v56 =	vld [tilespmem:s25+$0x5630];
	v32 =	vmul.f32 v26, v23;
	[tilespmem:s25+$0x55F0] =	vst v12  }
0xf9: {  	v60 =	vld [tilespmem:s25+$0x5660];
	v15 =	vmul.f32 v30, v35;
	[tilespmem:s25+$0x56E0] =	vst v40  }
0xfa: {  	v62 =	vld [tilespmem:s25+$0x5110];
	v11 =	vmul.f32 v50, v49;
	[tilespmem:s25+$0x56D0] =	vst v32  }
0xfb: {  	v19 =	vld [tilespmem:s25+$0x5150];
	v9 =	vmul.f32 v54, v5;
	[tilespmem:s25+$0x5700] =	vst v15  }
0xfc: {  	v33 =	vld [tilespmem:s25+$0x5730];
	v7 =	vmul.f32 v55, v5;
	[tilespmem:s25+$0x55D0] =	vst v11  }
0xfd: {  	v61 =	vld [tilespmem:s25+$0x58F0];
	v8 =	vmul.f32 v56, v5;
	[tilespmem:s25+$0x5610] =	vst v9  }
0xfe: {  	v38 =	vld [tilespmem:s25+$0x5770];
	v5 =	vmul.f32 v60, v5;
	[tilespmem:s25+$0x5620] =	vst v7  }
0xff: {  	v21 =	vld [tilespmem:s25+$0x56A0];
	v12 =	vmul.f32 v62, v2;
	[tilespmem:s25+$0x5630] =	vst v8  }
0x100: {  	v22 =	vld [tilespmem:s25+$0x56B0];
	v2 =	vmul.f32 v19, v2;
	[tilespmem:s25+$0x5660] =	vst v5  }
0x101: {  	v25 =	vld [tilespmem:s25+$0x56C0];
	v62 =	vmul.f32 v33, v35;
	[tilespmem:s25+$0x5110] =	vst v12  }
0x102: {  	v31 =	vld [tilespmem:s25+$0x5710];
	v63 =	vmul.f32 v61, v27;
	[tilespmem:s25+$0x5150] =	vst v2  }
0x103: {  	v34 =	vld [tilespmem:s25+$0x5740];
	v15 =	vmul.f32 v38, v35;
	[tilespmem:s25+$0x5730] =	vst v62  }
0x104: {  	v41 =	vld [tilespmem:s25+$0x57A0];
	v7 =	vmul.f32 v21, v23;
	[tilespmem:s25+$0x58F0] =	vst v63  }
0x105: {  	v46 =	vld [tilespmem:s25+$0x57E0];
	v8 =	vmul.f32 v22, v23;
	[tilespmem:s25+$0x5770] =	vst v15  }
0x106: {  	v36 =	vld [tilespmem:s25+$0x5750];
	v5 =	vmul.f32 v25, v23;
	[tilespmem:s25+$0x56A0] =	vst v7  }
0x107: {  	v44 =	vbroadcast v1, $0xD;
	v9 =	vmul.f32 v31, v35;
	v2 =	vld [tilespmem:s25+$0x5790];
	[tilespmem:s25+$0x56B0] =	vst v8  }
0x108: {  	v37 =	vld [tilespmem:s25+$0x5760];
	v12 =	vmul.f32 v34, v35;
	[tilespmem:s25+$0x56C0] =	vst v5  }
0x109: {  	v39 =	vld [tilespmem:s25+$0x5780];
	v11 =	vmul.f32 v41, v44;
	[tilespmem:s25+$0x5710] =	vst v9  }
0x10a: {  	v42 =	vld [tilespmem:s25+$0x57B0];
	v51 =	vmul.f32 v46, v44;
	[tilespmem:s25+$0x5740] =	vst v12  }
0x10b: {  	v48 =	vld [tilespmem:s25+$0x5810];
	v8 =	vmul.f32 v36, v35;
	[tilespmem:s25+$0x57A0] =	vst v11  }
0x10c: {  	v49 =	vld [tilespmem:s25+$0x5820];
	[tilespmem:s25+$0x57E0] =	vst v51;
	v2 =	vmul.f32 v2, v44  }
0x10d: {  	v50 =	vld [tilespmem:s25+$0x5830];
	v5 =	vmul.f32 v37, v35;
	[tilespmem:s25+$0x5750] =	vst v8  }
0x10e: {  	v1 =	vbroadcast v1, $0xE;
	v9 =	vmul.f32 v39, v44;
	[tilespmem:s25+$0x5790] =	vst v2;
	v2 =	vld [tilespmem:s25+$0x5800]  }
0x10f: {  	v60 =	vld [tilespmem:s25+$0x58E0];
	v12 =	vmul.f32 v42, v44;
	[tilespmem:s25+$0x5760] =	vst v5  }
0x110: {  	v45 =	vld [tilespmem:s25+$0x57D0];
	v11 =	vmul.f32 v48, v1;
	[tilespmem:s25+$0x5780] =	vst v9  }
0x111: {  	v47 =	vld [tilespmem:s25+$0x57F0];
	v10 =	vmul.f32 v49, v1;
	[tilespmem:s25+$0x57B0] =	vst v12  }
0x112: {  	v43 =	vld [tilespmem:s25+$0x57C0];
	v6 =	vmul.f32 v50, v1;
	[tilespmem:s25+$0x5810] =	vst v11  }
0x113: {  	v55 =	vld [tilespmem:s25+$0x5880];
	[tilespmem:s25+$0x5820] =	vst v10;
	v2 =	vmul.f32 v2, v1  }
0x114: {  	v57 =	vld [tilespmem:s25+$0x58A0];
	v4 =	vmul.f32 v60, v27;
	[tilespmem:s25+$0x5830] =	vst v6  }
0x115: {  	v5 =	vmul.f32 v45, v44;
	[tilespmem:s25+$0x5800] =	vst v2;
	v2 =	vld [tilespmem:s25+$0x5870]  }
0x116: {  	v52 =	vld [tilespmem:s25+$0x5840];
	v9 =	vmul.f32 v47, v44;
	[tilespmem:s25+$0x58E0] =	vst v4  }
0x117: {  	v56 =	vld [tilespmem:s25+$0x5890];
	v8 =	vmul.f32 v43, v44;
	[tilespmem:s25+$0x57D0] =	vst v5  }
0x118: {  	v54 =	vld [tilespmem:s25+$0x5860];
	v11 =	vmul.f32 v55, v27;
	[tilespmem:s25+$0x57F0] =	vst v9  }
0x119: {  	v58 =	vld [tilespmem:s25+$0x58B0];
	v6 =	vmul.f32 v57, v27;
	[tilespmem:s25+$0x57C0] =	vst v8  }
0x11a: {  	v53 =	vld [tilespmem:s25+$0x5850];
	[tilespmem:s25+$0x5880] =	vst v11;
	v2 =	vmul.f32 v2, v1  }
0x11b: {  	v59 =	vld [tilespmem:s25+$0x58C0];
	v5 =	vmul.f32 v52, v1;
	[tilespmem:s25+$0x58A0] =	vst v6  }
0x11c: {  	[tilespmem:s25+$0x5870] =	vst v2;
	v2 =	vmul.f32 v56, v27  }
0x11d: {  	v3 =	vld [tilespmem:s25+$0x5720];
	v9 =	vmul.f32 v54, v1;
	[tilespmem:s25+$0x5840] =	vst v5  }
0x11e: {  	[tilespmem:s25+$0x5890] =	vst v2;
	v2 =	vmul.f32 v58, v27  }
0x11f: {  	[tilespmem:s25+$0x5860] =	vst v9;
	v1 =	vmul.f32 v53, v1  }
0x120: {  	[tilespmem:s25+$0x58B0] =	vst v2;
	v2 =	vmul.f32 v59, v27  }
0x121: {  	[tilespmem:s25+$0x5850] =	vst v1  }
0x122: {  	s26 =	simm.s32 $0x1;
	[tilespmem:s25+$0x58C0] =	vst v2;
	v2 =	vmul.f32 v3, v35  }
.LBB2_3:
0x123: {  	s28 =	sshll.u32 s26, $0x4  }
0x124: {  	p0 =	sne.s32 s26, $0x7;
	[tilespmem:s25+$0x5720] =	vst v2;
	s25 =	smov.u32 s26;
	s26 =	sadd.s32 $0x1, s26  }
0x125: {  	s28 =	sand.u32 $0x3FFFFFF0, s28  }
0x126: {  	s25 =	sshll.u32 s25, $0xB;
	v1 =	vld [tilespmem:s28+$0x100]  }
0x127: {  	s25 =	sand.u32 $0x3FFFF800, s25  }
0x128: {  	v8 =	vld [tilespmem:s25+$0x51C0]  }
0x129: {  	v9 =	vld [tilespmem:s25+$0x51D0]  }
0x12a: {  	v10 =	vld [tilespmem:s25+$0x51B0]  }
0x12b: {  	v2 =	vbroadcast v1, $0x0;
	v3 =	vld [tilespmem:s25+$0x5120];
	v7 =	vbroadcast v1, $0x4  }
0x12c: {  	v5 =	vld [tilespmem:s25+$0x5130]  }
0x12d: {  	v6 =	vld [tilespmem:s25+$0x5670]  }
0x12e: {  	v11 =	vld [tilespmem:s25+$0x5160]  }
0x12f: {  	v12 =	vld [tilespmem:s25+$0x5170]  }
0x130: {  	v4 =	vbroadcast v1, $0xA;
	v3 =	vmul.f32 v3, v2;
	v13 =	vld [tilespmem:s25+$0x5180]  }
0x131: {  	v5 =	vmul.f32 v5, v2;
	v14 =	vld [tilespmem:s25+$0x5190]  }
0x132: {  	[tilespmem:s25+$0x5120] =	vst v3;
	v15 =	vld [tilespmem:s25+$0x51A0];
	v3 =	vmul.f32 v6, v4  }
0x133: {  	[tilespmem:s25+$0x5130] =	vst v5;
	v6 =	vmul.f32 v11, v2;
	v11 =	vbroadcast v1, $0x1;
	v5 =	vld [tilespmem:s25+$0x5680]  }
0x134: {  	v12 =	vmul.f32 v12, v2;
	[tilespmem:s25+$0x5670] =	vst v3;
	v3 =	vld [tilespmem:s25+$0x58D0]  }
0x135: {  	[tilespmem:s25+$0x5160] =	vst v6;
	v13 =	vmul.f32 v13, v11;
	v6 =	vld [tilespmem:s25+$0x5690]  }
0x136: {  	[tilespmem:s25+$0x5170] =	vst v12;
	v12 =	vmul.f32 v14, v11;
	v14 =	vld [tilespmem:s25+$0x51E0]  }
0x137: {  	[tilespmem:s25+$0x5180] =	vst v13;
	v13 =	vmul.f32 v15, v11;
	v15 =	vld [tilespmem:s25+$0x51F0]  }
0x138: {  	v10 =	vmul.f32 v10, v11;
	[tilespmem:s25+$0x5190] =	vst v12;
	v12 =	vld [tilespmem:s25+$0x5200]  }
0x139: {  	v8 =	vmul.f32 v8, v11;
	[tilespmem:s25+$0x51A0] =	vst v13;
	v13 =	vld [tilespmem:s25+$0x5210]  }
0x13a: {  	v9 =	vmul.f32 v9, v11;
	[tilespmem:s25+$0x51B0] =	vst v10;
	v10 =	vld [tilespmem:s25+$0x5220]  }
0x13b: {  	[tilespmem:s25+$0x51C0] =	vst v8;
	v8 =	vmul.f32 v14, v11;
	v14 =	vbroadcast v1, $0x2;
	v16 =	vld [tilespmem:s25+$0x5230]  }
0x13c: {  	[tilespmem:s25+$0x51D0] =	vst v9;
	v9 =	vmul.f32 v15, v11;
	v11 =	vld [tilespmem:s25+$0x5240]  }
0x13d: {  	[tilespmem:s25+$0x51E0] =	vst v8;
	v8 =	vmul.f32 v12, v14;
	v12 =	vld [tilespmem:s25+$0x5250]  }
0x13e: {  	[tilespmem:s25+$0x51F0] =	vst v9;
	v9 =	vmul.f32 v13, v14;
	v13 =	vld [tilespmem:s25+$0x5260]  }
0x13f: {  	[tilespmem:s25+$0x5200] =	vst v8;
	v8 =	vmul.f32 v10, v14;
	v10 =	vld [tilespmem:s25+$0x5270]  }
0x140: {  	[tilespmem:s25+$0x5210] =	vst v9;
	v9 =	vmul.f32 v16, v14;
	v15 =	vld [tilespmem:s25+$0x5280]  }
0x141: {  	[tilespmem:s25+$0x5220] =	vst v8;
	v8 =	vmul.f32 v11, v14;
	v11 =	vld [tilespmem:s25+$0x5290]  }
0x142: {  	[tilespmem:s25+$0x5230] =	vst v9;
	v9 =	vmul.f32 v12, v14;
	v12 =	vld [tilespmem:s25+$0x52A0]  }
0x143: {  	[tilespmem:s25+$0x5240] =	vst v8;
	v8 =	vmul.f32 v13, v14;
	v13 =	vbroadcast v1, $0x3;
	v16 =	vld [tilespmem:s25+$0x52B0]  }
0x144: {  	[tilespmem:s25+$0x5250] =	vst v9;
	v9 =	vmul.f32 v10, v14;
	v10 =	vld [tilespmem:s25+$0x52C0]  }
0x145: {  	[tilespmem:s25+$0x5260] =	vst v8;
	v8 =	vmul.f32 v15, v13;
	v14 =	vld [tilespmem:s25+$0x52D0]  }
0x146: {  	[tilespmem:s25+$0x5270] =	vst v9;
	v9 =	vmul.f32 v11, v13;
	v11 =	vld [tilespmem:s25+$0x52E0]  }
0x147: {  	[tilespmem:s25+$0x5280] =	vst v8;
	v8 =	vmul.f32 v12, v13;
	v12 =	vld [tilespmem:s25+$0x52F0]  }
0x148: {  	[tilespmem:s25+$0x5290] =	vst v9;
	v9 =	vmul.f32 v16, v13;
	v15 =	vld [tilespmem:s25+$0x5300]  }
0x149: {  	[tilespmem:s25+$0x52A0] =	vst v8;
	v8 =	vmul.f32 v10, v13;
	v10 =	vld [tilespmem:s25+$0x5310]  }
0x14a: {  	[tilespmem:s25+$0x52B0] =	vst v9;
	v9 =	vmul.f32 v14, v13;
	v14 =	vld [tilespmem:s25+$0x5320]  }
0x14b: {  	[tilespmem:s25+$0x52C0] =	vst v8;
	v8 =	vmul.f32 v11, v13;
	v11 =	vld [tilespmem:s25+$0x5330]  }
0x14c: {  	[tilespmem:s25+$0x52D0] =	vst v9;
	v9 =	vmul.f32 v12, v13;
	v12 =	vld [tilespmem:s25+$0x5340]  }
0x14d: {  	[tilespmem:s25+$0x52E0] =	vst v8;
	v8 =	vmul.f32 v15, v7;
	v13 =	vld [tilespmem:s25+$0x5350]  }
0x14e: {  	[tilespmem:s25+$0x52F0] =	vst v9;
	v9 =	vmul.f32 v10, v7;
	v10 =	vld [tilespmem:s25+$0x5360]  }
0x14f: {  	[tilespmem:s25+$0x5300] =	vst v8;
	v8 =	vmul.f32 v14, v7;
	v14 =	vld [tilespmem:s25+$0x5370]  }
0x150: {  	[tilespmem:s25+$0x5310] =	vst v9;
	v9 =	vmul.f32 v11, v7;
	v11 =	vld [tilespmem:s25+$0x5380]  }
0x151: {  	[tilespmem:s25+$0x5320] =	vst v8;
	v8 =	vmul.f32 v12, v7;
	v12 =	vld [tilespmem:s25+$0x5390]  }
0x152: {  	[tilespmem:s25+$0x5330] =	vst v9;
	v9 =	vmul.f32 v13, v7;
	v13 =	vld [tilespmem:s25+$0x53A0]  }
0x153: {  	[tilespmem:s25+$0x5340] =	vst v8;
	v8 =	vmul.f32 v10, v7;
	v10 =	vbroadcast v1, $0x5;
	v15 =	vld [tilespmem:s25+$0x53B0]  }
0x154: {  	[tilespmem:s25+$0x5350] =	vst v9;
	v7 =	vmul.f32 v14, v7;
	v9 =	vld [tilespmem:s25+$0x53C0]  }
0x155: {  	[tilespmem:s25+$0x5360] =	vst v8;
	v8 =	vmul.f32 v11, v10;
	v11 =	vld [tilespmem:s25+$0x53D0]  }
0x156: {  	[tilespmem:s25+$0x5370] =	vst v7;
	v7 =	vmul.f32 v12, v10;
	v12 =	vld [tilespmem:s25+$0x53E0]  }
0x157: {  	[tilespmem:s25+$0x5380] =	vst v8;
	v8 =	vmul.f32 v13, v10;
	v13 =	vld [tilespmem:s25+$0x53F0]  }
0x158: {  	[tilespmem:s25+$0x5390] =	vst v7;
	v7 =	vmul.f32 v15, v10;
	v14 =	vld [tilespmem:s25+$0x5400]  }
0x159: {  	[tilespmem:s25+$0x53A0] =	vst v8;
	v8 =	vmul.f32 v9, v10;
	v9 =	vld [tilespmem:s25+$0x5410]  }
0x15a: {  	[tilespmem:s25+$0x53B0] =	vst v7;
	v7 =	vmul.f32 v11, v10;
	v11 =	vld [tilespmem:s25+$0x5420]  }
0x15b: {  	[tilespmem:s25+$0x53C0] =	vst v8;
	v8 =	vmul.f32 v12, v10;
	v12 =	vbroadcast v1, $0x6;
	v15 =	vld [tilespmem:s25+$0x5430]  }
0x15c: {  	[tilespmem:s25+$0x53D0] =	vst v7;
	v7 =	vmul.f32 v13, v10;
	v10 =	vld [tilespmem:s25+$0x5440]  }
0x15d: {  	[tilespmem:s25+$0x53E0] =	vst v8;
	v8 =	vmul.f32 v14, v12;
	v13 =	vld [tilespmem:s25+$0x5450]  }
0x15e: {  	[tilespmem:s25+$0x53F0] =	vst v7;
	v7 =	vmul.f32 v9, v12;
	v9 =	vld [tilespmem:s25+$0x5460]  }
0x15f: {  	[tilespmem:s25+$0x5400] =	vst v8;
	v8 =	vmul.f32 v11, v12;
	v11 =	vld [tilespmem:s25+$0x5470]  }
0x160: {  	[tilespmem:s25+$0x5410] =	vst v7;
	v7 =	vmul.f32 v15, v12;
	v14 =	vld [tilespmem:s25+$0x5480]  }
0x161: {  	[tilespmem:s25+$0x5420] =	vst v8;
	v8 =	vmul.f32 v10, v12;
	v10 =	vld [tilespmem:s25+$0x5490]  }
0x162: {  	[tilespmem:s25+$0x5430] =	vst v7;
	v7 =	vmul.f32 v13, v12;
	v13 =	vld [tilespmem:s25+$0x54A0]  }
0x163: {  	[tilespmem:s25+$0x5440] =	vst v8;
	v8 =	vmul.f32 v9, v12;
	v9 =	vbroadcast v1, $0x7;
	v15 =	vld [tilespmem:s25+$0x54B0]  }
0x164: {  	[tilespmem:s25+$0x5450] =	vst v7;
	v7 =	vmul.f32 v11, v12;
	v11 =	vld [tilespmem:s25+$0x54C0]  }
0x165: {  	[tilespmem:s25+$0x5460] =	vst v8;
	v8 =	vmul.f32 v14, v9;
	v12 =	vld [tilespmem:s25+$0x54D0]  }
0x166: {  	[tilespmem:s25+$0x5470] =	vst v7;
	v7 =	vmul.f32 v10, v9;
	v10 =	vld [tilespmem:s25+$0x54E0]  }
0x167: {  	[tilespmem:s25+$0x5480] =	vst v8;
	v8 =	vmul.f32 v13, v9;
	v13 =	vld [tilespmem:s25+$0x54F0]  }
0x168: {  	[tilespmem:s25+$0x5490] =	vst v7;
	v7 =	vmul.f32 v15, v9;
	v14 =	vld [tilespmem:s25+$0x5500]  }
0x169: {  	[tilespmem:s25+$0x54A0] =	vst v8;
	v8 =	vmul.f32 v11, v9;
	v11 =	vld [tilespmem:s25+$0x5510]  }
0x16a: {  	[tilespmem:s25+$0x54B0] =	vst v7;
	v7 =	vmul.f32 v12, v9;
	v12 =	vld [tilespmem:s25+$0x5520]  }
0x16b: {  	[tilespmem:s25+$0x54C0] =	vst v8;
	v8 =	vmul.f32 v10, v9;
	v10 =	vbroadcast v1, $0x8;
	v15 =	vld [tilespmem:s25+$0x5530]  }
0x16c: {  	[tilespmem:s25+$0x54D0] =	vst v7;
	v7 =	vmul.f32 v13, v9;
	v9 =	vld [tilespmem:s25+$0x5540]  }
0x16d: {  	[tilespmem:s25+$0x54E0] =	vst v8;
	v8 =	vmul.f32 v14, v10;
	v13 =	vld [tilespmem:s25+$0x5550]  }
0x16e: {  	[tilespmem:s25+$0x54F0] =	vst v7;
	v7 =	vmul.f32 v11, v10;
	v11 =	vld [tilespmem:s25+$0x5560]  }
0x16f: {  	[tilespmem:s25+$0x5500] =	vst v8;
	v8 =	vmul.f32 v12, v10;
	v12 =	vld [tilespmem:s25+$0x5570]  }
0x170: {  	[tilespmem:s25+$0x5510] =	vst v7;
	v7 =	vmul.f32 v15, v10;
	v14 =	vld [tilespmem:s25+$0x5580]  }
0x171: {  	[tilespmem:s25+$0x5520] =	vst v8;
	v8 =	vmul.f32 v9, v10;
	v9 =	vld [tilespmem:s25+$0x5590]  }
0x172: {  	[tilespmem:s25+$0x5530] =	vst v7;
	v7 =	vmul.f32 v13, v10;
	v13 =	vld [tilespmem:s25+$0x55A0]  }
0x173: {  	[tilespmem:s25+$0x5540] =	vst v8;
	v8 =	vmul.f32 v11, v10;
	v11 =	vbroadcast v1, $0x9;
	v15 =	vld [tilespmem:s25+$0x55B0]  }
0x174: {  	[tilespmem:s25+$0x5550] =	vst v7;
	v7 =	vmul.f32 v12, v10;
	v10 =	vld [tilespmem:s25+$0x55C0]  }
0x175: {  	[tilespmem:s25+$0x5560] =	vst v8;
	v8 =	vmul.f32 v14, v11;
	v12 =	vld [tilespmem:s25+$0x55D0]  }
0x176: {  	[tilespmem:s25+$0x5570] =	vst v7;
	v7 =	vmul.f32 v9, v11;
	v9 =	vld [tilespmem:s25+$0x55E0]  }
0x177: {  	[tilespmem:s25+$0x5580] =	vst v8;
	v8 =	vmul.f32 v13, v11;
	v13 =	vld [tilespmem:s25+$0x55F0]  }
0x178: {  	[tilespmem:s25+$0x5590] =	vst v7;
	v7 =	vmul.f32 v15, v11;
	v14 =	vld [tilespmem:s25+$0x5600]  }
0x179: {  	[tilespmem:s25+$0x55A0] =	vst v8;
	v8 =	vmul.f32 v10, v11;
	v10 =	vld [tilespmem:s25+$0x5610]  }
0x17a: {  	[tilespmem:s25+$0x55B0] =	vst v7;
	v7 =	vmul.f32 v12, v11;
	v12 =	vld [tilespmem:s25+$0x5620]  }
0x17b: {  	[tilespmem:s25+$0x55C0] =	vst v8;
	v8 =	vmul.f32 v9, v11;
	v9 =	vld [tilespmem:s25+$0x5630]  }
0x17c: {  	[tilespmem:s25+$0x55D0] =	vst v7;
	v7 =	vmul.f32 v13, v11;
	v11 =	vld [tilespmem:s25+$0x5640]  }
0x17d: {  	[tilespmem:s25+$0x55E0] =	vst v8;
	v8 =	vmul.f32 v14, v4;
	v13 =	vld [tilespmem:s25+$0x5650]  }
0x17e: {  	[tilespmem:s25+$0x55F0] =	vst v7;
	v7 =	vmul.f32 v10, v4;
	v10 =	vld [tilespmem:s25+$0x5660]  }
0x17f: {  	v14 =	vld [tilespmem:s25+$0x5100];
	[tilespmem:s25+$0x5600] =	vst v8;
	v8 =	vmul.f32 v12, v4  }
0x180: {  	v12 =	vld [tilespmem:s25+$0x5110];
	[tilespmem:s25+$0x5610] =	vst v7;
	v7 =	vmul.f32 v9, v4  }
0x181: {  	v9 =	vld [tilespmem:s25+$0x5140];
	[tilespmem:s25+$0x5620] =	vst v8;
	v8 =	vmul.f32 v11, v4  }
0x182: {  	v11 =	vld [tilespmem:s25+$0x5150];
	[tilespmem:s25+$0x5630] =	vst v7;
	v7 =	vmul.f32 v13, v4  }
0x183: {  	[tilespmem:s25+$0x5640] =	vst v8;
	v8 =	vmul.f32 v10, v4;
	v10 =	vbroadcast v1, $0xB;
	v13 =	vld [tilespmem:s25+$0x56A0]  }
0x184: {  	v4 =	vbroadcast v1, $0xF;
	v14 =	vmul.f32 v2, v14;
	[tilespmem:s25+$0x5650] =	vst v7;
	v7 =	vld [tilespmem:s25+$0x56B0]  }
0x185: {  	v12 =	vmul.f32 v12, v2;
	[tilespmem:s25+$0x5660] =	vst v8;
	v5 =	vmul.f32 v5, v10;
	v8 =	vld [tilespmem:s25+$0x56C0]  }
0x186: {  	v6 =	vmul.f32 v6, v10;
	[tilespmem:s25+$0x5100] =	vst v14;
	v9 =	vmul.f32 v9, v2;
	v14 =	vld [tilespmem:s25+$0x56D0]  }
0x187: {  	v3 =	vmul.f32 v3, v4;
	v11 =	vmul.f32 v11, v2;
	[tilespmem:s25+$0x5680] =	vst v5;
	v2 =	vld [tilespmem:s25+$0x56E0]  }
0x188: {  	[tilespmem:s25+$0x5690] =	vst v6;
	v5 =	vmul.f32 v13, v10;
	v6 =	vld [tilespmem:s25+$0x56F0]  }
0x189: {  	v7 =	vmul.f32 v7, v10;
	v13 =	vld [tilespmem:s25+$0x5700];
	[tilespmem:s25+$0x58D0] =	vst v3  }
0x18a: {  	[tilespmem:s25+$0x5110] =	vst v12;
	v3 =	vmul.f32 v8, v10;
	v8 =	vld [tilespmem:s25+$0x5710]  }
0x18b: {  	[tilespmem:s25+$0x5140] =	vst v9;
	v9 =	vmul.f32 v14, v10;
	v12 =	vld [tilespmem:s25+$0x5720]  }
0x18c: {  	v14 =	vbroadcast v1, $0xC;
	[tilespmem:s25+$0x56A0] =	vst v5;
	v5 =	vmul.f32 v2, v10;
	v15 =	vld [tilespmem:s25+$0x5730]  }
0x18d: {  	[tilespmem:s25+$0x56D0] =	vst v9;
	v6 =	vmul.f32 v6, v10;
	v9 =	vld [tilespmem:s25+$0x5740]  }
0x18e: {  	[tilespmem:s25+$0x56B0] =	vst v7;
	v2 =	vmul.f32 v13, v14;
	v7 =	vld [tilespmem:s25+$0x5750]  }
0x18f: {  	[tilespmem:s25+$0x56C0] =	vst v3;
	v3 =	vmul.f32 v8, v14;
	v8 =	vld [tilespmem:s25+$0x5760]  }
0x190: {  	[tilespmem:s25+$0x5700] =	vst v2;
	v2 =	vmul.f32 v12, v14;
	v10 =	vld [tilespmem:s25+$0x5770]  }
0x191: {  	[tilespmem:s25+$0x5710] =	vst v3;
	v3 =	vld [tilespmem:s25+$0x5780]  }
0x192: {  	[tilespmem:s25+$0x5150] =	vst v11;
	v9 =	vmul.f32 v9, v14;
	v11 =	vld [tilespmem:s25+$0x5790]  }
0x193: {  	[tilespmem:s25+$0x56E0] =	vst v5;
	v5 =	vmul.f32 v7, v14;
	v7 =	vld [tilespmem:s25+$0x57A0]  }
0x194: {  	[tilespmem:s25+$0x5740] =	vst v9;
	v8 =	vmul.f32 v8, v14;
	v9 =	vbroadcast v1, $0xD;
	v12 =	vld [tilespmem:s25+$0x57B0]  }
0x195: {  	[tilespmem:s25+$0x5750] =	vst v5;
	v5 =	vmul.f32 v10, v14;
	v10 =	vld [tilespmem:s25+$0x57C0]  }
0x196: {  	[tilespmem:s25+$0x5760] =	vst v8;
	v3 =	vmul.f32 v3, v9;
	v8 =	vld [tilespmem:s25+$0x57D0]  }
0x197: {  	[tilespmem:s25+$0x5770] =	vst v5;
	v5 =	vmul.f32 v11, v9;
	v11 =	vld [tilespmem:s25+$0x57E0]  }
0x198: {  	[tilespmem:s25+$0x5780] =	vst v3;
	v3 =	vmul.f32 v7, v9;
	v7 =	vld [tilespmem:s25+$0x57F0]  }
0x199: {  	[tilespmem:s25+$0x5790] =	vst v5;
	v5 =	vmul.f32 v12, v9;
	v12 =	vld [tilespmem:s25+$0x5800]  }
0x19a: {  	[tilespmem:s25+$0x57A0] =	vst v3;
	v3 =	vmul.f32 v10, v9;
	v10 =	vld [tilespmem:s25+$0x5810]  }
0x19b: {  	[tilespmem:s25+$0x57B0] =	vst v5;
	v5 =	vmul.f32 v8, v9;
	v8 =	vld [tilespmem:s25+$0x5820]  }
0x19c: {  	v1 =	vbroadcast v1, $0xE;
	[tilespmem:s25+$0x56F0] =	vst v6;
	v6 =	vmul.f32 v11, v9;
	v11 =	vld [tilespmem:s25+$0x5830]  }
0x19d: {  	[tilespmem:s25+$0x57D0] =	vst v5;
	v5 =	vmul.f32 v7, v9;
	v7 =	vld [tilespmem:s25+$0x5840]  }
0x19e: {  	[tilespmem:s25+$0x57E0] =	vst v6;
	v6 =	vmul.f32 v12, v1;
	v9 =	vld [tilespmem:s25+$0x5850]  }
0x19f: {  	[tilespmem:s25+$0x57F0] =	vst v5;
	v5 =	vmul.f32 v10, v1;
	v10 =	vld [tilespmem:s25+$0x5860]  }
0x1a0: {  	[tilespmem:s25+$0x5800] =	vst v6;
	v6 =	vmul.f32 v8, v1;
	v8 =	vld [tilespmem:s25+$0x5870]  }
0x1a1: {  	[tilespmem:s25+$0x5810] =	vst v5;
	v5 =	vmul.f32 v11, v1;
	v11 =	vld [tilespmem:s25+$0x5880]  }
0x1a2: {  	[tilespmem:s25+$0x5820] =	vst v6;
	v6 =	vmul.f32 v7, v1;
	v7 =	vld [tilespmem:s25+$0x5890]  }
0x1a3: {  	[tilespmem:s25+$0x5830] =	vst v5;
	v5 =	vmul.f32 v9, v1;
	v9 =	vld [tilespmem:s25+$0x58A0]  }
0x1a4: {  	[tilespmem:s25+$0x5840] =	vst v6;
	v6 =	vmul.f32 v10, v1;
	v10 =	vld [tilespmem:s25+$0x58B0]  }
0x1a5: {  	[tilespmem:s25+$0x57C0] =	vst v3;
	v1 =	vmul.f32 v8, v1;
	v3 =	vld [tilespmem:s25+$0x58C0]  }
0x1a6: {  	[tilespmem:s25+$0x5860] =	vst v6;
	v6 =	vmul.f32 v11, v4;
	v8 =	vld [tilespmem:s25+$0x58E0]  }
0x1a7: {  	[tilespmem:s25+$0x5870] =	vst v1;
	v1 =	vmul.f32 v7, v4;
	v7 =	vld [tilespmem:s25+$0x58F0]  }
0x1a8: {  	[tilespmem:s25+$0x5880] =	vst v6;
	v6 =	vmul.f32 v9, v4  }
0x1a9: {  	[tilespmem:s25+$0x5890] =	vst v1;
	v1 =	vmul.f32 v10, v4  }
0x1aa: {  	v9 =	vmul.f32 v15, v14;
	[tilespmem:s25+$0x58A0] =	vst v6  }
0x1ab: {  	[tilespmem:s25+$0x58B0] =	vst v1;
	v1 =	vmul.f32 v3, v4  }
.Ltmp0:
0x1ac: {  	[tilespmem:s25+$0x5730] =	vst v9;
	v3 =	vmul.f32 v7, v4;
	(pc) =	sbr.rel @p0 .LBB2_3-.Ltmp0, $4  }
0x1ad: {  	[tilespmem:s25+$0x58C0] =	vst v1  }
0x1ae: {  	v1 =	vmul.f32 v8, v4;
	[tilespmem:s25+$0x58F0] =	vst v3  }
0x1af: {  	[tilespmem:s25+$0x5850] =	vst v5  }
0x1b0: {  	[tilespmem:s25+$0x58E0] =	vst v1  }
0x1b1: {  	s24 =	sadd.s32 $0x1, s24  }
0x1b2: {  	p0 =	sne.s32 s24, $0x4F  }
.Ltmp1:
0x1b3: {  	[tilespmem:s25+$0x5720] =	vst v2;
	(pc) =	sbr.rel @p0 .LBB2_2-.Ltmp1, $4  }
0x1b4: {  	[spmem:s3] =	stream.indirect.scatter.add.f32 [tilespmem:s21], [sflag:$0x2], $0x80, s20, s20, $0xb8;
	[tilespmem:$0x1CD00] =	vst v63  }
0x1b5: {  	_ =	swait.ge [sflag:s16], $0x4000  }
0x1b6: {  	[sflag:s16] =	ssyncset.done $0x0  }
0x1b7: {  	[sflag:s16] =	ssyncadd.s32 $0xFFFFC000  }
0x1b8: {  	s23 =	sadd.s32 $0x1, s23  }
0x1b9: {  	p0 =	sne.s32 s23, s14  }
.Ltmp2:
0x1ba: {  	[bflag:$0x0] =	sbarrier.arrive $0xFFFF;
	(pc) =	sbr.rel @p0 .LBB2_1-.Ltmp2, $4  }
0x1bb: {  	[hbm:s13], [sflag:s11] =	dma.local [spmem:s15], $0x2780  }
0x1bc: {  	_ =	swait.ge [sflag:s16], $0x2780  }
0x1bd: {  	[sflag:s16] =	ssyncset.done $0x0  }
0x1be: {  	[sflag:s16] =	ssyncadd.s32 $0xFFFFD880  }
0x1bf: {  	_ =	sfence.sel $0x180000  }
0x1c0: {  	[bflag:$0x0] =	sbarrier.arrive $0xFFFF  }
0x1c1: {  	p0 =	sne.s32 s1, $0x0;
	_ =	strace $0x9000004A  }
0x1c2: {  	s0 =	sadd.s32 @!p0 $0x100000, s0;
	[bflag:$0x2] =	sbarrier.arrive $0xFFFF  }
0x1c3: {  	[sflag:s0] =	ssyncadd.tile.s32 @!p0 $0x1;
	_ =	shalt  }
.Lfunc_end2:
_tile_overlayer_lowered:
.L_overlay_start_2:
0x1c4: {  	(tag) =	ssettag $0x2  }
0x1c5: {  	s0 =	rddreg [dreg:$0x0];
	s2 =	stileid.u32  }
0x1c6: {  	s1 =	rddreg [dreg:$0x1];
	p0 =	sne.s32 s2, $0x0  }
0x1c7: {  	s3 =	rddreg [dreg:$0x2];
	[bflag:$0x3] =	sbarrier.arrive $0xFFFF;
	s2 =	simm.s32 @!p0 $0x1C02  }
0x1c8: {  	[timem:s3], [sflag:s2] =	dma.local @!p0 [hbm:s0], s1  }
0x1c9: {  	s0 =	simm.s32 @!p0 $0x2  }
0x1ca: {  	_ =	swait.ge @!p0 [sflag:s0], s1  }
0x1cb: {  	s1 =	ssub.s32 @!p0 $0x0, s1;
	[sflag:s0] =	ssyncset.done @!p0 $0x0  }
0x1cc: {  	[sflag:s0] =	ssyncadd.s32 @!p0 s1  }
0x1cd: {  	[bflag:$0x3] =	sbarrier.arrive $0xFFFF  }
0x1ce: {  	_ =	shalt  }

</sc_bundles>
